<compile_context>
chip_gen: v7x
topology: tpu7x:2x2x1
jax: 0.10.2.dev20260603
libtpu: 0.0.44.dev20260713+nightly
codegen_flags: <defaults>
</compile_context>

<pallas_src>
import jax
import jax.numpy as jnp
from jax import lax
from jax.experimental import pallas as pl
from jax.experimental.pallas import tpu as pltpu
from jax.experimental.pallas import tpu_sc as plsc

_K = 16
_R2 = 0.01
_G = 10
_NCELL = 1024
_NQ = 512
_N = 4096
_INF = 2**31 - 1
_SURV_CAP = 1008
_STAGE_CAP = 768


def _sget(ref, i):
    return ref[pl.ds(i, 16)][0]


def _sc_body(pxh, pyh, pzh, fxh, fyh, fzh, out,
             px, py, pz, fx, fy, fz,
             cells, segids, histl, hists8, cstart, offs, destp, dest, binned,
             sidx, sxs, sys_, szs, surv, outv, sh_hist, sh_binned):
    c = lax.axis_index("c")
    s = lax.axis_index("s")
    bb = s // 8
    sg = s % 8
    bg = 2 * c + bb
    qbase = sg * _NQ
    iota = lax.iota(jnp.int32, 16)

    bsl = pl.ds(bg * _N, _N)
    pltpu.sync_copy(pxh.at[bsl], px)
    pltpu.sync_copy(pyh.at[bsl], py)
    pltpu.sync_copy(pzh.at[bsl], pz)
    pltpu.sync_copy(fxh.at[bsl], fx)
    pltpu.sync_copy(fyh.at[bsl], fy)
    pltpu.sync_copy(fzh.at[bsl], fz)

    def cellbody(i, _):
        src = pl.ds(qbase + i * 16, 16)
        dst = pl.ds(i * 16, 16)
        cx = jnp.clip((px[src] * 10.0).astype(jnp.int32), 0, _G - 1)
        cy = jnp.clip((py[src] * 10.0).astype(jnp.int32), 0, _G - 1)
        cz = jnp.clip((pz[src] * 10.0).astype(jnp.int32), 0, _G - 1)
        cells[dst] = (cx * _G + cy) * _G + cz
        segids[dst] = qbase + i * 16 + iota
        return 0

    lax.fori_loop(0, _NQ // 16, cellbody, 0)

    zer16 = jnp.zeros((16,), jnp.int32)

    def zbody(i, _):
        histl[pl.ds(i * 16, 16)] = zer16
        return 0

    lax.fori_loop(0, _NCELL // 16, zbody, 0)

    one0 = jnp.where(iota == 0, jnp.int32(1), jnp.int32(0))

    def hbody(i, _):
        cc = _sget(cells, i)
        sl = pl.ds(cc, 16)
        histl[sl] = histl[sl] + one0
        return 0

    lax.fori_loop(0, _NQ, hbody, 0)

    pltpu.sync_copy(histl, sh_hist.at[pl.ds(s * _NCELL, _NCELL)])
    plsc.subcore_barrier()

    pltpu.sync_copy(sh_hist.at[pl.ds(bb * 8 * _NCELL, 8 * _NCELL)], hists8)
    sgv = jnp.full((16,), sg, jnp.int32)

    def pbody(i, carry):
        sl = pl.ds(i * 16, 16)
        tot = jnp.zeros((16,), jnp.int32)
        pre = jnp.zeros((16,), jnp.int32)
        for g in range(8):
            row = hists8[pl.ds(g * _NCELL + i * 16, 16)]
            tot = tot + row
            gv = jnp.full((16,), jnp.int32(g))
            pre = pre + jnp.where(gv < sgv, row, 0)
        incl = plsc.cumsum(tot)
        excl = incl - tot
        cstart[sl] = carry + excl
        offs[sl] = carry + excl + pre
        return carry + incl[15]

    lax.fori_loop(0, _NCELL // 16, pbody, jnp.int32(0))

    def dbody(i, _):
        cc = _sget(cells, i)
        slc = pl.ds(cc, 16)
        ov = offs[slc]
        o = ov[0]
        offs[slc] = ov + one0
        sld = pl.ds(i, 16)
        dv = destp[sld]
        destp[sld] = jnp.where(iota == 0, bb * _N + o, dv)
        return 0

    lax.fori_loop(0, _NQ, dbody, 0)

    def cpbody(i, _):
        sl = pl.ds(i * 16, 16)
        dest[sl] = destp[sl]
        return 0

    lax.fori_loop(0, _NQ // 16, cpbody, 0)

    pltpu.sync_copy(segids, sh_binned.at[dest])
    plsc.subcore_barrier()

    pltpu.sync_copy(sh_binned.at[pl.ds(bb * _N, _N)], binned.at[pl.ds(0, _N)])

    npairs = _G * _G * (_G // 2)
    plo = (s % 8) * npairs // 8
    phi = ((s % 8) + 1) * npairs // 8

    def cellloop(p, acc):
        zp = p % (_G // 2)
        cyx = p // (_G // 2)
        cy = cyx % _G
        cx = cyx // _G
        cc = (cx * _G + cy) * _G + 2 * zp
        z0 = jnp.maximum(2 * zp - 1, 0)
        z1 = jnp.minimum(2 * zp + 2, _G - 1)
        qs = _sget(cstart, cc)
        qe = _sget(cstart, cc + 2)

        def runloop(r, sp):
            ix = cx + r // 3 - 1
            iy = cy + r % 3 - 1
            ok = jnp.logical_and(
                jnp.logical_and(ix >= 0, ix <= _G - 1),
                jnp.logical_and(iy >= 0, iy <= _G - 1))
            base = (ix * _G + iy) * _G
            i0 = jnp.where(ok, base + z0, 0)
            i1 = jnp.where(ok, base + z1 + 1, 0)
            st = _sget(cstart, i0)
            en = jnp.where(ok, _sget(cstart, i1), st)
            nch = (en - st + 15) // 16

            @plsc.parallel_loop(0, nch, carry=sp, unroll=2)
            def schunk(t, sp):
                lanes = st + t * 16 + iota
                lm = lanes < en
                idxv = binned[pl.ds(st + t * 16, 16)]
                xv = plsc.load_gather(px, [idxv], mask=lm)
                yv = plsc.load_gather(py, [idxv], mask=lm)
                zv = plsc.load_gather(pz, [idxv], mask=lm)
                sl = pl.ds(sp, 16)
                plsc.store_compressed(sidx.at[sl], idxv, mask=lm)
                plsc.store_compressed(sxs.at[sl], xv, mask=lm)
                plsc.store_compressed(sys_.at[sl], yv, mask=lm)
                plsc.store_compressed(szs.at[sl], zv, mask=lm)
                cnt = plsc.all_reduce_population_count(lm)[0]
                return jnp.minimum(sp + cnt, _STAGE_CAP)

            return schunk

        sp = lax.fori_loop(0, 9, runloop, jnp.int32(0))
        nst = (sp + 15) // 16

        def qj(j, acc):
            q = _sget(binned, j)
            qsp = jnp.full((16,), q, jnp.int32)
            xq = plsc.load_gather(px, [qsp])
            yq = plsc.load_gather(py, [qsp])
            zq = plsc.load_gather(pz, [qsp])
            fxq = plsc.load_gather(fx, [qsp])
            fyq = plsc.load_gather(fy, [qsp])
            fzq = plsc.load_gather(fz, [qsp])

            @plsc.parallel_loop(0, nst, carry=jnp.int32(0), unroll=2)
            def qchunk(t, pos):
                sl = pl.ds(t * 16, 16)
                lanes = t * 16 + iota
                lm = lanes < sp
                dx = sxs[sl] - xq
                dy = sys_[sl] - yq
                dz = szs[sl] - zq
                d2 = dx * dx + dy * dy + dz * dz
                m = jnp.logical_and(lm, d2 < _R2)
                plsc.store_compressed(surv.at[pl.ds(pos, 16)], sidx[sl],
                                      mask=m)
                cnt = plsc.all_reduce_population_count(m)[0]
                return jnp.minimum(pos + cnt, _SURV_CAP)

            pos = qchunk

            lm0 = iota < pos
            sv0 = surv[pl.ds(0, 16)]
            safe0 = jnp.where(lm0, sv0, 0)
            key0 = jnp.where(lm0, sv0, _INF)
            fxv0 = plsc.load_gather(fx, [safe0])
            fyv0 = plsc.load_gather(fy, [safe0])
            fzv0 = plsc.load_gather(fz, [safe0])
            l10 = (jnp.abs(fxv0 - fxq) + jnp.abs(fyv0 - fyq)
                   + jnp.abs(fzv0 - fzq))
            val0 = jnp.where(lm0, l10, 0.0)

            def sel_cheap(_):
                mn = 0 - plsc.cummax(0 - key0)[15]
                return val0, jnp.where(key0 == mn, val0, 0.0)

            def sel_full(_):
                def selbody(t, bkv):
                    bk, bv = bkv
                    lanes = t * 16 + iota
                    lm = lanes < pos
                    sv = surv[pl.ds(t * 16, 16)]
                    safe = jnp.where(lm, sv, 0)
                    key = jnp.where(lm, sv, _INF)
                    fxv = plsc.load_gather(fx, [safe])
                    fyv = plsc.load_gather(fy, [safe])
                    fzv = plsc.load_gather(fz, [safe])
                    l1 = (jnp.abs(fxv - fxq) + jnp.abs(fyv - fyq)
                          + jnp.abs(fzv - fzq))
                    val = jnp.where(lm, l1, 0.0)
                    ks, vs = plsc.sort_key_val(key, val)
                    rk = lax.rev(bk, (0,))
                    rv = lax.rev(bv, (0,))
                    m2 = ks <= rk
                    nk = jnp.where(m2, ks, rk)
                    nv = jnp.where(m2, vs, rv)
                    mk, mv = plsc.sort_key_val(nk, nv)
                    return mk, mv

                bk0, bv0 = plsc.sort_key_val(key0, val0)
                nch2 = (pos + 15) // 16
                bk, bv = lax.fori_loop(1, nch2, selbody, (bk0, bv0))
                return bv, jnp.where(iota == 0, bv, 0.0)

            selv, firstv = lax.cond(pos <= _K, sel_cheap, sel_full, 0)

            posv = jnp.full((16,), pos, jnp.int32)
            padv = jnp.maximum(_K - posv, 0).astype(jnp.float32)
            return acc + selv + padv * firstv

        return lax.fori_loop(qs, qe, qj, acc)

    acc = lax.fori_loop(plo, phi, cellloop, jnp.zeros((16,), jnp.float32))

    outv[...] = acc
    pltpu.sync_copy(outv, out.at[pl.ds((c * 16 + s) * 16, 16)])


def kernel(pc, flow):
    b, n, _ = pc.shape
    pct = jnp.transpose(pc, (0, 2, 1))
    flowt = jnp.transpose(flow, (0, 2, 1))
    planes = [pct[:, 0].reshape(-1), pct[:, 1].reshape(-1),
              pct[:, 2].reshape(-1), flowt[:, 0].reshape(-1),
              flowt[:, 1].reshape(-1), flowt[:, 2].reshape(-1)]
    mesh = plsc.VectorSubcoreMesh(core_axis_name="c", subcore_axis_name="s")
    run = pl.kernel(
        _sc_body,
        mesh=mesh,
        compiler_params=pltpu.CompilerParams(needs_layout_passes=False),
        out_type=jax.ShapeDtypeStruct((512,), jnp.float32),
        scratch_types=[
            pltpu.VMEM((_N,), jnp.float32),
            pltpu.VMEM((_N,), jnp.float32),
            pltpu.VMEM((_N,), jnp.float32),
            pltpu.VMEM((_N,), jnp.float32),
            pltpu.VMEM((_N,), jnp.float32),
            pltpu.VMEM((_N,), jnp.float32),
            pltpu.VMEM((_NQ + 16,), jnp.int32),
            pltpu.VMEM((_NQ,), jnp.int32),
            pltpu.VMEM((_NCELL,), jnp.int32),
            pltpu.VMEM((8 * _NCELL,), jnp.int32),
            pltpu.VMEM((_NCELL,), jnp.int32),
            pltpu.VMEM((_NCELL,), jnp.int32),
            pltpu.VMEM((_NQ + 16,), jnp.int32),
            pltpu.VMEM((_NQ,), jnp.int32),
            pltpu.VMEM((_N + 16,), jnp.int32),
            pltpu.VMEM((_STAGE_CAP + 16,), jnp.int32),
            pltpu.VMEM((_STAGE_CAP + 16,), jnp.float32),
            pltpu.VMEM((_STAGE_CAP + 16,), jnp.float32),
            pltpu.VMEM((_STAGE_CAP + 16,), jnp.float32),
            pltpu.VMEM((_SURV_CAP + 16,), jnp.int32),
            pltpu.VMEM((16,), jnp.float32),
            pltpu.VMEM_SHARED((16 * _NCELL,), jnp.int32),
            pltpu.VMEM_SHARED((2 * _N,), jnp.int32),
        ],
    )
    out = run(*planes)
    return jnp.sum(out) / jnp.float32(b * n * _K)

# --- scband reference (transcript-rebuilt; emitter-appended) ---
"""Pipeline reference for scband-ball-qloss-15762529976906 (READ-ONLY COPY).

The authoritative reference and input builder live on the scoring server;
editing this copy changes nothing except your own understanding.
"""

import jax, jax.numpy as jnp
import numpy as np

K = 16
RADIUS = 0.1
LOSS_NORM = 1


def setup_inputs(seed: int = 0) -> dict:
    key = jax.random.key(seed)
    k1, k2 = jax.random.split(key)
    pc = jax.random.uniform(k1, (4, 4096, 3), dtype=jnp.float32)
    flow = jax.random.normal(k2, (4, 4096, 3), dtype=jnp.float32)
    return {"pc": pc, "flow": flow}


def ball_query(radius, k, pc):
    # pc: (B, N, 3) -> idx: (B, N, k) int32
    # pointnet2 semantics: for each query point, take the first k points
    # (in index order) whose distance < radius; pad remaining slots with the
    # first found index. Self is always within radius so count >= 1.
    sq = jnp.sum(pc * pc, axis=-1)  # (B, N)
    d2 = sq[:, :, None] + sq[:, None, :] - 2.0 * jnp.einsum('bnd,bmd->bnm', pc, pc)  # (B, N, N)
    within = d2 < (radius * radius)
    # stable argsort of ~within puts within-radius indices first, in index order
    order = jnp.argsort(jnp.logical_not(within), axis=-1, stable=True)  # (B, N, N)
    idx = order[:, :, :k]  # (B, N, k)
    count = jnp.sum(within, axis=-1, keepdims=True)  # (B, N, 1)
    slot = jnp.arange(k)[None, None, :]
    first = idx[:, :, :1]
    idx = jnp.where(slot < count, idx, first)
    return idx


def grouping_operation(flow_t, idx):
    # flow_t: (B, C, N), idx: (B, N, k) -> (B, C, N, k)
    def gather_one(f, i):
        # f: (C, N), i: (N, k)
        return f[:, i]  # (C, N, k)
    return jax.vmap(gather_one)(flow_t, idx)


def reference(pc, flow):
    # pc: (B, N, 3), flow: (B, N, 3)
    flow_t = jnp.transpose(flow, (0, 2, 1))  # (B, 3, N)
    idx = ball_query(RADIUS, K, pc)
    idx = jax.lax.stop_gradient(idx)
    nn_flow = grouping_operation(flow_t, idx)  # (B, 3, N, k)
    diff = flow_t[:, :, :, None] - nn_flow  # (B, 3, N, k)
    if LOSS_NORM == 1:
        norm = jnp.sum(jnp.abs(diff), axis=1)  # (B, N, k)
    else:
        norm = jnp.sum(jnp.abs(diff) ** LOSS_NORM, axis=1) ** (1.0 / LOSS_NORM)
    loss = jnp.mean(norm)
    return loss

if __name__ == "__main__":
    import jax
    _d = setup_inputs()
    print(jax.jit(kernel)(*tuple(_d.values())))

</pallas_src>

<mosaic_0001>
#map = affine_map<(d0, d1) -> (0)>
module attributes {stable_mosaic.version = 14 : i64} {
  func.func @_sc_body(%arg0: i32, %arg1: i32, %arg2: memref<16384xf32, #tpu.memory_space<hbm>>, %arg3: memref<16384xf32, #tpu.memory_space<hbm>>, %arg4: memref<16384xf32, #tpu.memory_space<hbm>>, %arg5: memref<16384xf32, #tpu.memory_space<hbm>>, %arg6: memref<16384xf32, #tpu.memory_space<hbm>>, %arg7: memref<16384xf32, #tpu.memory_space<hbm>>, %arg8: memref<512xf32, #tpu.memory_space<hbm>>, %arg9: memref<4096xf32, #tpu.memory_space<vmem>>, %arg10: memref<4096xf32, #tpu.memory_space<vmem>>, %arg11: memref<4096xf32, #tpu.memory_space<vmem>>, %arg12: memref<4096xf32, #tpu.memory_space<vmem>>, %arg13: memref<4096xf32, #tpu.memory_space<vmem>>, %arg14: memref<4096xf32, #tpu.memory_space<vmem>>, %arg15: memref<528xi32, #tpu.memory_space<vmem>>, %arg16: memref<512xi32, #tpu.memory_space<vmem>>, %arg17: memref<1024xi32, #tpu.memory_space<vmem>>, %arg18: memref<8192xi32, #tpu.memory_space<vmem>>, %arg19: memref<1024xi32, #tpu.memory_space<vmem>>, %arg20: memref<1024xi32, #tpu.memory_space<vmem>>, %arg21: memref<528xi32, #tpu.memory_space<vmem>>, %arg22: memref<512xi32, #tpu.memory_space<vmem>>, %arg23: memref<4112xi32, #tpu.memory_space<vmem>>, %arg24: memref<784xi32, #tpu.memory_space<vmem>>, %arg25: memref<784xf32, #tpu.memory_space<vmem>>, %arg26: memref<784xf32, #tpu.memory_space<vmem>>, %arg27: memref<784xf32, #tpu.memory_space<vmem>>, %arg28: memref<1024xi32, #tpu.memory_space<vmem>>, %arg29: memref<16xf32, #tpu.memory_space<vmem>>, %arg30: memref<16384xi32, #tpu.memory_space<vmem_shared>>, %arg31: memref<8192xi32, #tpu.memory_space<vmem_shared>>) attributes {dimension_semantics = [#tpu.dimension_semantics<core_parallel>, #tpu.dimension_semantics<subcore_parallel>], iteration_bounds = array<i64: 2, 16>, scalar_prefetch = 0 : i64, scratch_operands = 23 : i64, tpu.core_type = #tpu.core_type<sc_vector_subcore>, window_params = [{transform_indices = #map}, {transform_indices = #map}, {transform_indices = #map}, {transform_indices = #map}, {transform_indices = #map}, {transform_indices = #map}, {transform_indices = #map}]} {
    %jit3A = arith.constant 8 : i32
    %div3A = arith.divsi %arg1, %jit3A : i32
    %sign3A = arith.constant 0 : i32
    %sign3A_0 = arith.cmpi sgt, %arg1, %sign3A : i32
    %sign3A_1 = arith.extui %sign3A_0 : i1 to i32
    %sign3A_2 = arith.constant 0 : i32
    %sign3A_3 = arith.cmpi slt, %arg1, %sign3A_2 : i32
    %sign3A_4 = arith.extui %sign3A_3 : i1 to i32
    %sign3A_5 = arith.subi %sign3A_1, %sign3A_4 : i32
    %sign3A_6 = arith.constant 0 : i32
    %sign3A_7 = arith.cmpi sgt, %jit3A, %sign3A_6 : i32
    %sign3A_8 = arith.extui %sign3A_7 : i1 to i32
    %sign3A_9 = arith.constant 0 : i32
    %sign3A_10 = arith.cmpi slt, %jit3A, %sign3A_9 : i32
    %sign3A_11 = arith.extui %sign3A_10 : i1 to i32
    %sign3A_12 = arith.subi %sign3A_8, %sign3A_11 : i32
    %ne3A = arith.cmpi ne, %sign3A_5, %sign3A_12 : i32
    %rem3A = arith.remsi %arg1, %jit3A : i32
    %ne3A_13 = arith.constant 0 : i32
    %ne3A_14 = arith.cmpi ne, %rem3A, %ne3A_13 : i32
    %and3A = arith.andi %ne3A, %ne3A_14 : i1
    %sub3A = arith.constant 1 : i32
    %sub3A_15 = arith.subi %div3A, %sub3A : i32
    %select_n3A = arith.select %and3A, %sub3A_15, %div3A : i32
    %jit3A_16 = arith.constant 8 : i32
    %eq3A = arith.constant 0 : i32
    %eq3A_17 = arith.cmpi eq, %jit3A_16, %eq3A : i32
    %jit3A_18 = arith.constant 1 : i32
    %select_n3A_19 = arith.select %eq3A_17, %jit3A_18, %jit3A_16 : i32
    %rem3A_20 = arith.remsi %arg1, %select_n3A_19 : i32
    %ne3A_21 = arith.constant 0 : i32
    %ne3A_22 = arith.cmpi ne, %rem3A_20, %ne3A_21 : i32
    %lt3A = arith.constant 0 : i32
    %lt3A_23 = arith.cmpi slt, %rem3A_20, %lt3A : i32
    %lt3A_24 = arith.constant 0 : i32
    %lt3A_25 = arith.cmpi slt, %select_n3A_19, %lt3A_24 : i32
    %ne3A_26 = arith.xori %lt3A_23, %lt3A_25 : i1
    %and3A_27 = arith.andi %ne3A_26, %ne3A_22 : i1
    %add3A = arith.addi %rem3A_20, %select_n3A_19 : i32
    %select_n3A_28 = arith.select %and3A_27, %add3A, %rem3A_20 : i32
    %mul3A = arith.constant 2 : i32
    %mul3A_29 = arith.muli %mul3A, %arg0 : i32
    %add3A_30 = arith.addi %mul3A_29, %select_n3A : i32
    %mul3A_31 = arith.constant 512 : i32
    %mul3A_32 = arith.muli %select_n3A_28, %mul3A_31 : i32
    %iota3A = tpu.iota {dimensions = array<i32: 0>} : vector<16xi32>
    %mul3A_33 = arith.constant 4096 : i32
    %mul3A_34 = arith.muli %add3A_30, %mul3A_33 : i32
    "tpu.region"() ({
      %run_scoped3A = tpu.sem_alloc : memref<!tpu.dma_semaphore, #tpu.memory_space<semaphore_mem>>
      %dma_start3A = tpu.memref_slice %arg2[%mul3A_34] : memref<16384xf32, #tpu.memory_space<hbm>> -> memref<4096xf32, #tpu.memory_space<hbm>>
      %dma_start3A_198 = tpu.memref_slice %arg2[%mul3A_34] : memref<16384xf32, #tpu.memory_space<hbm>> -> memref<4096xf32, #tpu.memory_space<hbm>>
      tpu.enqueue_dma source(%dma_start3A_198 : memref<4096xf32, #tpu.memory_space<hbm>>) target(%arg9 : memref<4096xf32, #tpu.memory_space<vmem>>) target_semaphore(%run_scoped3A : memref<!tpu.dma_semaphore, #tpu.memory_space<semaphore_mem>>)
      %dma_wait3A = tpu.memref_slice %arg2[%mul3A_34] : memref<16384xf32, #tpu.memory_space<hbm>> -> memref<4096xf32, #tpu.memory_space<hbm>>
      %dma_wait3A_199 = tpu.memref_slice %arg2[%mul3A_34] : memref<16384xf32, #tpu.memory_space<hbm>> -> memref<4096xf32, #tpu.memory_space<hbm>>
      tpu.wait_dma2 semaphore(%run_scoped3A : memref<!tpu.dma_semaphore, #tpu.memory_space<semaphore_mem>>) src(%dma_wait3A_199 : memref<4096xf32, #tpu.memory_space<hbm>>) dst(%arg9 : memref<4096xf32, #tpu.memory_space<vmem>>)
      tpu.yield
    }) : () -> ()
    "tpu.region"() ({
      %run_scoped3A = tpu.sem_alloc : memref<!tpu.dma_semaphore, #tpu.memory_space<semaphore_mem>>
      %dma_start3A = tpu.memref_slice %arg3[%mul3A_34] : memref<16384xf32, #tpu.memory_space<hbm>> -> memref<4096xf32, #tpu.memory_space<hbm>>
      %dma_start3A_198 = tpu.memref_slice %arg3[%mul3A_34] : memref<16384xf32, #tpu.memory_space<hbm>> -> memref<4096xf32, #tpu.memory_space<hbm>>
      tpu.enqueue_dma source(%dma_start3A_198 : memref<4096xf32, #tpu.memory_space<hbm>>) target(%arg10 : memref<4096xf32, #tpu.memory_space<vmem>>) target_semaphore(%run_scoped3A : memref<!tpu.dma_semaphore, #tpu.memory_space<semaphore_mem>>)
      %dma_wait3A = tpu.memref_slice %arg3[%mul3A_34] : memref<16384xf32, #tpu.memory_space<hbm>> -> memref<4096xf32, #tpu.memory_space<hbm>>
      %dma_wait3A_199 = tpu.memref_slice %arg3[%mul3A_34] : memref<16384xf32, #tpu.memory_space<hbm>> -> memref<4096xf32, #tpu.memory_space<hbm>>
      tpu.wait_dma2 semaphore(%run_scoped3A : memref<!tpu.dma_semaphore, #tpu.memory_space<semaphore_mem>>) src(%dma_wait3A_199 : memref<4096xf32, #tpu.memory_space<hbm>>) dst(%arg10 : memref<4096xf32, #tpu.memory_space<vmem>>)
      tpu.yield
    }) : () -> ()
    "tpu.region"() ({
      %run_scoped3A = tpu.sem_alloc : memref<!tpu.dma_semaphore, #tpu.memory_space<semaphore_mem>>
      %dma_start3A = tpu.memref_slice %arg4[%mul3A_34] : memref<16384xf32, #tpu.memory_space<hbm>> -> memref<4096xf32, #tpu.memory_space<hbm>>
      %dma_start3A_198 = tpu.memref_slice %arg4[%mul3A_34] : memref<16384xf32, #tpu.memory_space<hbm>> -> memref<4096xf32, #tpu.memory_space<hbm>>
      tpu.enqueue_dma source(%dma_start3A_198 : memref<4096xf32, #tpu.memory_space<hbm>>) target(%arg11 : memref<4096xf32, #tpu.memory_space<vmem>>) target_semaphore(%run_scoped3A : memref<!tpu.dma_semaphore, #tpu.memory_space<semaphore_mem>>)
      %dma_wait3A = tpu.memref_slice %arg4[%mul3A_34] : memref<16384xf32, #tpu.memory_space<hbm>> -> memref<4096xf32, #tpu.memory_space<hbm>>
      %dma_wait3A_199 = tpu.memref_slice %arg4[%mul3A_34] : memref<16384xf32, #tpu.memory_space<hbm>> -> memref<4096xf32, #tpu.memory_space<hbm>>
      tpu.wait_dma2 semaphore(%run_scoped3A : memref<!tpu.dma_semaphore, #tpu.memory_space<semaphore_mem>>) src(%dma_wait3A_199 : memref<4096xf32, #tpu.memory_space<hbm>>) dst(%arg11 : memref<4096xf32, #tpu.memory_space<vmem>>)
      tpu.yield
    }) : () -> ()
    "tpu.region"() ({
      %run_scoped3A = tpu.sem_alloc : memref<!tpu.dma_semaphore, #tpu.memory_space<semaphore_mem>>
      %dma_start3A = tpu.memref_slice %arg5[%mul3A_34] : memref<16384xf32, #tpu.memory_space<hbm>> -> memref<4096xf32, #tpu.memory_space<hbm>>
      %dma_start3A_198 = tpu.memref_slice %arg5[%mul3A_34] : memref<16384xf32, #tpu.memory_space<hbm>> -> memref<4096xf32, #tpu.memory_space<hbm>>
      tpu.enqueue_dma source(%dma_start3A_198 : memref<4096xf32, #tpu.memory_space<hbm>>) target(%arg12 : memref<4096xf32, #tpu.memory_space<vmem>>) target_semaphore(%run_scoped3A : memref<!tpu.dma_semaphore, #tpu.memory_space<semaphore_mem>>)
      %dma_wait3A = tpu.memref_slice %arg5[%mul3A_34] : memref<16384xf32, #tpu.memory_space<hbm>> -> memref<4096xf32, #tpu.memory_space<hbm>>
      %dma_wait3A_199 = tpu.memref_slice %arg5[%mul3A_34] : memref<16384xf32, #tpu.memory_space<hbm>> -> memref<4096xf32, #tpu.memory_space<hbm>>
      tpu.wait_dma2 semaphore(%run_scoped3A : memref<!tpu.dma_semaphore, #tpu.memory_space<semaphore_mem>>) src(%dma_wait3A_199 : memref<4096xf32, #tpu.memory_space<hbm>>) dst(%arg12 : memref<4096xf32, #tpu.memory_space<vmem>>)
      tpu.yield
    }) : () -> ()
    "tpu.region"() ({
      %run_scoped3A = tpu.sem_alloc : memref<!tpu.dma_semaphore, #tpu.memory_space<semaphore_mem>>
      %dma_start3A = tpu.memref_slice %arg6[%mul3A_34] : memref<16384xf32, #tpu.memory_space<hbm>> -> memref<4096xf32, #tpu.memory_space<hbm>>
      %dma_start3A_198 = tpu.memref_slice %arg6[%mul3A_34] : memref<16384xf32, #tpu.memory_space<hbm>> -> memref<4096xf32, #tpu.memory_space<hbm>>
      tpu.enqueue_dma source(%dma_start3A_198 : memref<4096xf32, #tpu.memory_space<hbm>>) target(%arg13 : memref<4096xf32, #tpu.memory_space<vmem>>) target_semaphore(%run_scoped3A : memref<!tpu.dma_semaphore, #tpu.memory_space<semaphore_mem>>)
      %dma_wait3A = tpu.memref_slice %arg6[%mul3A_34] : memref<16384xf32, #tpu.memory_space<hbm>> -> memref<4096xf32, #tpu.memory_space<hbm>>
      %dma_wait3A_199 = tpu.memref_slice %arg6[%mul3A_34] : memref<16384xf32, #tpu.memory_space<hbm>> -> memref<4096xf32, #tpu.memory_space<hbm>>
      tpu.wait_dma2 semaphore(%run_scoped3A : memref<!tpu.dma_semaphore, #tpu.memory_space<semaphore_mem>>) src(%dma_wait3A_199 : memref<4096xf32, #tpu.memory_space<hbm>>) dst(%arg13 : memref<4096xf32, #tpu.memory_space<vmem>>)
      tpu.yield
    }) : () -> ()
    "tpu.region"() ({
      %run_scoped3A = tpu.sem_alloc : memref<!tpu.dma_semaphore, #tpu.memory_space<semaphore_mem>>
      %dma_start3A = tpu.memref_slice %arg7[%mul3A_34] : memref<16384xf32, #tpu.memory_space<hbm>> -> memref<4096xf32, #tpu.memory_space<hbm>>
      %dma_start3A_198 = tpu.memref_slice %arg7[%mul3A_34] : memref<16384xf32, #tpu.memory_space<hbm>> -> memref<4096xf32, #tpu.memory_space<hbm>>
      tpu.enqueue_dma source(%dma_start3A_198 : memref<4096xf32, #tpu.memory_space<hbm>>) target(%arg14 : memref<4096xf32, #tpu.memory_space<vmem>>) target_semaphore(%run_scoped3A : memref<!tpu.dma_semaphore, #tpu.memory_space<semaphore_mem>>)
      %dma_wait3A = tpu.memref_slice %arg7[%mul3A_34] : memref<16384xf32, #tpu.memory_space<hbm>> -> memref<4096xf32, #tpu.memory_space<hbm>>
      %dma_wait3A_199 = tpu.memref_slice %arg7[%mul3A_34] : memref<16384xf32, #tpu.memory_space<hbm>> -> memref<4096xf32, #tpu.memory_space<hbm>>
      tpu.wait_dma2 semaphore(%run_scoped3A : memref<!tpu.dma_semaphore, #tpu.memory_space<semaphore_mem>>) src(%dma_wait3A_199 : memref<4096xf32, #tpu.memory_space<hbm>>) dst(%arg14 : memref<4096xf32, #tpu.memory_space<vmem>>)
      tpu.yield
    }) : () -> ()
    %scan3A = arith.constant 0 : i32
    %scan3A_35 = arith.constant 0 : i32
    %scan3A_36 = arith.constant 32 : i32
    %scan3A_37 = arith.addi %scan3A_35, %scan3A_36 : i32
    %scan3A_38 = arith.constant 1 : i32
    %scan3A_39 = scf.for %scan3A_198 = %scan3A_35 to %scan3A_37 step %scan3A_38 iter_args(%scan3A_199 = %scan3A) -> (i32)  : i32 {
      %mul3A_200 = arith.constant 16 : i32
      %mul3A_201 = arith.muli %scan3A_198, %mul3A_200 : i32
      %add3A_202 = arith.addi %mul3A_32, %mul3A_201 : i32
      %mul3A_203 = arith.constant 16 : i32
      %mul3A_204 = arith.muli %scan3A_198, %mul3A_203 : i32
      %get3A = arith.index_cast %add3A_202 : i32 to index
      %get3A_205 = tpu.vector_load %arg9[%get3A] {strides = array<i32>} : memref<4096xf32, #tpu.memory_space<vmem>>, vector<16xf32>,
      %mul3A_206 = arith.constant 1.000000e+01 : f32
      %mul3A_207 = vector.broadcast %mul3A_206 : f32 to vector<16xf32>
      %mul3A_208 = arith.mulf %get3A_205, %mul3A_207 : vector<16xf32>
      %convert_element_type3A = arith.fptosi %mul3A_208 : vector<16xf32> to vector<16xi32>
      %jit3A_209 = arith.constant 0 : i32
      %jit3A_210 = arith.constant 9 : i32
      %max3A = vector.broadcast %jit3A_209 : i32 to vector<16xi32>
      %max3A_211 = arith.maxsi %max3A, %convert_element_type3A : vector<16xi32>
      %min3A = vector.broadcast %jit3A_210 : i32 to vector<16xi32>
      %min3A_212 = arith.minsi %min3A, %max3A_211 : vector<16xi32>
      %get3A_213 = arith.index_cast %add3A_202 : i32 to index
      %get3A_214 = tpu.vector_load %arg10[%get3A_213] {strides = array<i32>} : memref<4096xf32, #tpu.memory_space<vmem>>, vector<16xf32>,
      %mul3A_215 = arith.constant 1.000000e+01 : f32
      %mul3A_216 = vector.broadcast %mul3A_215 : f32 to vector<16xf32>
      %mul3A_217 = arith.mulf %get3A_214, %mul3A_216 : vector<16xf32>
      %convert_element_type3A_218 = arith.fptosi %mul3A_217 : vector<16xf32> to vector<16xi32>
      %jit3A_219 = arith.constant 0 : i32
      %jit3A_220 = arith.constant 9 : i32
      %max3A_221 = vector.broadcast %jit3A_219 : i32 to vector<16xi32>
      %max3A_222 = arith.maxsi %max3A_221, %convert_element_type3A_218 : vector<16xi32>
      %min3A_223 = vector.broadcast %jit3A_220 : i32 to vector<16xi32>
      %min3A_224 = arith.minsi %min3A_223, %max3A_222 : vector<16xi32>
      %get3A_225 = arith.index_cast %add3A_202 : i32 to index
      %get3A_226 = tpu.vector_load %arg11[%get3A_225] {strides = array<i32>} : memref<4096xf32, #tpu.memory_space<vmem>>, vector<16xf32>,
      %mul3A_227 = arith.constant 1.000000e+01 : f32
      %mul3A_228 = vector.broadcast %mul3A_227 : f32 to vector<16xf32>
      %mul3A_229 = arith.mulf %get3A_226, %mul3A_228 : vector<16xf32>
      %convert_element_type3A_230 = arith.fptosi %mul3A_229 : vector<16xf32> to vector<16xi32>
      %jit3A_231 = arith.constant 0 : i32
      %jit3A_232 = arith.constant 9 : i32
      %max3A_233 = vector.broadcast %jit3A_231 : i32 to vector<16xi32>
      %max3A_234 = arith.maxsi %max3A_233, %convert_element_type3A_230 : vector<16xi32>
      %min3A_235 = vector.broadcast %jit3A_232 : i32 to vector<16xi32>
      %min3A_236 = arith.minsi %min3A_235, %max3A_234 : vector<16xi32>
      %mul3A_237 = arith.constant 10 : i32
      %mul3A_238 = vector.broadcast %mul3A_237 : i32 to vector<16xi32>
      %mul3A_239 = arith.muli %min3A_212, %mul3A_238 : vector<16xi32>
      %add3A_240 = arith.addi %mul3A_239, %min3A_224 : vector<16xi32>
      %mul3A_241 = arith.constant 10 : i32
      %mul3A_242 = vector.broadcast %mul3A_241 : i32 to vector<16xi32>
      %mul3A_243 = arith.muli %add3A_240, %mul3A_242 : vector<16xi32>
      %add3A_244 = arith.addi %mul3A_243, %min3A_236 : vector<16xi32>
      %swap3A_245 = arith.index_cast %mul3A_204 : i32 to index
      %swap3A_246 = tpu.vector_load %arg15[%swap3A_245] {strides = array<i32>} : memref<528xi32, #tpu.memory_space<vmem>>, vector<16xi32>,
      tpu.vector_store %arg15[%swap3A_245], %add3A_244 {strides = array<i32>} : memref<528xi32, #tpu.memory_space<vmem>>, vector<16xi32>,
      %mul3A_247 = arith.constant 16 : i32
      %mul3A_248 = arith.muli %scan3A_198, %mul3A_247 : i32
      %add3A_249 = arith.addi %mul3A_32, %mul3A_248 : i32
      %add3A_250 = vector.broadcast %add3A_249 : i32 to vector<16xi32>
      %add3A_251 = arith.addi %add3A_250, %iota3A : vector<16xi32>
      %swap3A_252 = arith.index_cast %mul3A_204 : i32 to index
      %swap3A_253 = tpu.vector_load %arg16[%swap3A_252] {strides = array<i32>} : memref<512xi32, #tpu.memory_space<vmem>>, vector<16xi32>,
      tpu.vector_store %arg16[%swap3A_252], %add3A_251 {strides = array<i32>} : memref<512xi32, #tpu.memory_space<vmem>>, vector<16xi32>,
      %scan3A_254 = arith.constant 0 : i32
      scf.yield %scan3A_254 : i32
    }
    %scan3A_40 = arith.constant 32 : i32
    %broadcast_in_dim3A = arith.constant 0 : i32
    %broadcast_in_dim3A_41 = vector.broadcast %broadcast_in_dim3A : i32 to vector<16xi32>
    %scan3A_42 = arith.constant 0 : i32
    %scan3A_43 = arith.constant 0 : i32
    %scan3A_44 = arith.constant 64 : i32
    %scan3A_45 = arith.addi %scan3A_43, %scan3A_44 : i32
    %scan3A_46 = arith.constant 1 : i32
    %scan3A_47 = scf.for %scan3A_198 = %scan3A_43 to %scan3A_45 step %scan3A_46 iter_args(%scan3A_199 = %scan3A_42) -> (i32)  : i32 {
      %mul3A_200 = arith.constant 16 : i32
      %mul3A_201 = arith.muli %scan3A_198, %mul3A_200 : i32
      %swap3A_202 = arith.index_cast %mul3A_201 : i32 to index
      %swap3A_203 = tpu.vector_load %arg17[%swap3A_202] {strides = array<i32>} : memref<1024xi32, #tpu.memory_space<vmem>>, vector<16xi32>,
      tpu.vector_store %arg17[%swap3A_202], %broadcast_in_dim3A_41 {strides = array<i32>} : memref<1024xi32, #tpu.memory_space<vmem>>, vector<16xi32>,
      %scan3A_204 = arith.constant 0 : i32
      scf.yield %scan3A_204 : i32
    }
    %scan3A_48 = arith.constant 64 : i32
    %eq3A_49 = arith.constant 0 : i32
    %eq3A_50 = vector.broadcast %eq3A_49 : i32 to vector<16xi32>
    %eq3A_51 = arith.cmpi eq, %iota3A, %eq3A_50 : vector<16xi32>
    %jit3A_52 = arith.constant 1 : i32
    %jit3A_53 = arith.constant 0 : i32
    %broadcast_in_dim3A_54 = vector.broadcast %jit3A_52 : i32 to vector<16xi32>
    %broadcast_in_dim3A_55 = vector.broadcast %jit3A_53 : i32 to vector<16xi32>
    %select_n3A_56 = arith.select %eq3A_51, %broadcast_in_dim3A_54, %broadcast_in_dim3A_55 : vector<16xi1>, vector<16xi32>
    %scan3A_57 = arith.constant 0 : i32
    %scan3A_58 = arith.constant 0 : i32
    %scan3A_59 = arith.constant 512 : i32
    %scan3A_60 = arith.addi %scan3A_58, %scan3A_59 : i32
    %scan3A_61 = arith.constant 1 : i32
    %scan3A_62 = scf.for %scan3A_198 = %scan3A_58 to %scan3A_60 step %scan3A_61 iter_args(%scan3A_199 = %scan3A_57) -> (i32)  : i32 {
      %get3A = arith.index_cast %scan3A_198 : i32 to index
      %get3A_200 = tpu.vector_load %arg15[%get3A] {strides = array<i32>} : memref<528xi32, #tpu.memory_space<vmem>>, vector<16xi32>,
      %slice3A = vector.extract_strided_slice %get3A_200 {offsets = [0], sizes = [1], strides = [1]} : vector<16xi32> to vector<1xi32>
      %squeeze3A = vector.extract %slice3A[0] : i32 from vector<1xi32>
      %get3A_201 = arith.index_cast %squeeze3A : i32 to index
      %get3A_202 = tpu.vector_load %arg17[%get3A_201] {strides = array<i32>} : memref<1024xi32, #tpu.memory_space<vmem>>, vector<16xi32>,
      %add3A_203 = arith.addi %get3A_202, %select_n3A_56 : vector<16xi32>
      %swap3A_204 = arith.index_cast %squeeze3A : i32 to index
      %swap3A_205 = tpu.vector_load %arg17[%swap3A_204] {strides = array<i32>} : memref<1024xi32, #tpu.memory_space<vmem>>, vector<16xi32>,
      tpu.vector_store %arg17[%swap3A_204], %add3A_203 {strides = array<i32>} : memref<1024xi32, #tpu.memory_space<vmem>>, vector<16xi32>,
      %scan3A_206 = arith.constant 0 : i32
      scf.yield %scan3A_206 : i32
    }
    %scan3A_63 = arith.constant 512 : i32
    %mul3A_64 = arith.constant 1024 : i32
    %mul3A_65 = arith.muli %arg1, %mul3A_64 : i32
    "tpu.region"() ({
      %run_scoped3A = tpu.sem_alloc : memref<!tpu.dma_semaphore, #tpu.memory_space<semaphore_mem>>
      %dma_start3A = tpu.memref_slice %arg30[%mul3A_65] : memref<16384xi32, #tpu.memory_space<vmem_shared>> -> memref<1024xi32, #tpu.memory_space<vmem_shared>>
      %dma_start3A_198 = tpu.memref_slice %arg30[%mul3A_65] : memref<16384xi32, #tpu.memory_space<vmem_shared>> -> memref<1024xi32, #tpu.memory_space<vmem_shared>>
      tpu.enqueue_dma source(%arg17 : memref<1024xi32, #tpu.memory_space<vmem>>) target(%dma_start3A_198 : memref<1024xi32, #tpu.memory_space<vmem_shared>>) target_semaphore(%run_scoped3A : memref<!tpu.dma_semaphore, #tpu.memory_space<semaphore_mem>>)
      %dma_wait3A = tpu.memref_slice %arg30[%mul3A_65] : memref<16384xi32, #tpu.memory_space<vmem_shared>> -> memref<1024xi32, #tpu.memory_space<vmem_shared>>
      %dma_wait3A_199 = tpu.memref_slice %arg30[%mul3A_65] : memref<16384xi32, #tpu.memory_space<vmem_shared>> -> memref<1024xi32, #tpu.memory_space<vmem_shared>>
      tpu.wait_dma2 semaphore(%run_scoped3A : memref<!tpu.dma_semaphore, #tpu.memory_space<semaphore_mem>>) src(%arg17 : memref<1024xi32, #tpu.memory_space<vmem>>) dst(%dma_wait3A_199 : memref<1024xi32, #tpu.memory_space<vmem_shared>>)
      tpu.yield
    }) : () -> ()
    %barrier3A = arith.constant 0 : index
    tpu.barrier barrier_id(%barrier3A)
    %mul3A_66 = arith.constant 8 : i32
    %mul3A_67 = arith.muli %select_n3A, %mul3A_66 : i32
    %mul3A_68 = arith.constant 1024 : i32
    %mul3A_69 = arith.muli %mul3A_67, %mul3A_68 : i32
    "tpu.region"() ({
      %run_scoped3A = tpu.sem_alloc : memref<!tpu.dma_semaphore, #tpu.memory_space<semaphore_mem>>
      %dma_start3A = tpu.memref_slice %arg30[%mul3A_69] : memref<16384xi32, #tpu.memory_space<vmem_shared>> -> memref<8192xi32, #tpu.memory_space<vmem_shared>>
      %dma_start3A_198 = tpu.memref_slice %arg30[%mul3A_69] : memref<16384xi32, #tpu.memory_space<vmem_shared>> -> memref<8192xi32, #tpu.memory_space<vmem_shared>>
      tpu.enqueue_dma source(%dma_start3A_198 : memref<8192xi32, #tpu.memory_space<vmem_shared>>) target(%arg18 : memref<8192xi32, #tpu.memory_space<vmem>>) target_semaphore(%run_scoped3A : memref<!tpu.dma_semaphore, #tpu.memory_space<semaphore_mem>>)
      %dma_wait3A = tpu.memref_slice %arg30[%mul3A_69] : memref<16384xi32, #tpu.memory_space<vmem_shared>> -> memref<8192xi32, #tpu.memory_space<vmem_shared>>
      %dma_wait3A_199 = tpu.memref_slice %arg30[%mul3A_69] : memref<16384xi32, #tpu.memory_space<vmem_shared>> -> memref<8192xi32, #tpu.memory_space<vmem_shared>>
      tpu.wait_dma2 semaphore(%run_scoped3A : memref<!tpu.dma_semaphore, #tpu.memory_space<semaphore_mem>>) src(%dma_wait3A_199 : memref<8192xi32, #tpu.memory_space<vmem_shared>>) dst(%arg18 : memref<8192xi32, #tpu.memory_space<vmem>>)
      tpu.yield
    }) : () -> ()
    %broadcast_in_dim3A_70 = vector.broadcast %select_n3A_28 : i32 to vector<16xi32>
    %scan3A_71 = arith.constant 0 : i32
    %scan3A_72 = arith.constant 0 : i32
    %scan3A_73 = arith.constant 64 : i32
    %scan3A_74 = arith.addi %scan3A_72, %scan3A_73 : i32
    %scan3A_75 = arith.constant 1 : i32
    %scan3A_76 = scf.for %scan3A_198 = %scan3A_72 to %scan3A_74 step %scan3A_75 iter_args(%scan3A_199 = %scan3A_71) -> (i32)  : i32 {
      %mul3A_200 = arith.constant 16 : i32
      %mul3A_201 = arith.muli %scan3A_198, %mul3A_200 : i32
      %broadcast_in_dim3A_202 = arith.constant 0 : i32
      %broadcast_in_dim3A_203 = vector.broadcast %broadcast_in_dim3A_202 : i32 to vector<16xi32>
      %broadcast_in_dim3A_204 = arith.constant 0 : i32
      %broadcast_in_dim3A_205 = vector.broadcast %broadcast_in_dim3A_204 : i32 to vector<16xi32>
      %mul3A_206 = arith.constant 16 : i32
      %mul3A_207 = arith.muli %scan3A_198, %mul3A_206 : i32
      %add3A_208 = arith.constant 0 : i32
      %add3A_209 = arith.addi %add3A_208, %mul3A_207 : i32
      %get3A = arith.index_cast %add3A_209 : i32 to index
      %get3A_210 = tpu.vector_load %arg18[%get3A] {strides = array<i32>} : memref<8192xi32, #tpu.memory_space<vmem>>, vector<16xi32>,
      %add3A_211 = arith.addi %broadcast_in_dim3A_203, %get3A_210 : vector<16xi32>
      %broadcast_in_dim3A_212 = arith.constant 0 : i32
      %broadcast_in_dim3A_213 = vector.broadcast %broadcast_in_dim3A_212 : i32 to vector<16xi32>
      %lt3A_214 = arith.cmpi slt, %broadcast_in_dim3A_213, %broadcast_in_dim3A_70 : vector<16xi32>
      %jit3A_215 = arith.constant 0 : i32
      %broadcast_in_dim3A_216 = vector.broadcast %jit3A_215 : i32 to vector<16xi32>
      %select_n3A_217 = arith.select %lt3A_214, %get3A_210, %broadcast_in_dim3A_216 : vector<16xi1>, vector<16xi32>
      %add3A_218 = arith.addi %broadcast_in_dim3A_205, %select_n3A_217 : vector<16xi32>
      %mul3A_219 = arith.constant 16 : i32
      %mul3A_220 = arith.muli %scan3A_198, %mul3A_219 : i32
      %add3A_221 = arith.constant 1024 : i32
      %add3A_222 = arith.addi %add3A_221, %mul3A_220 : i32
      %get3A_223 = arith.index_cast %add3A_222 : i32 to index
      %get3A_224 = tpu.vector_load %arg18[%get3A_223] {strides = array<i32>} : memref<8192xi32, #tpu.memory_space<vmem>>, vector<16xi32>,
      %add3A_225 = arith.addi %add3A_211, %get3A_224 : vector<16xi32>
      %broadcast_in_dim3A_226 = arith.constant 1 : i32
      %broadcast_in_dim3A_227 = vector.broadcast %broadcast_in_dim3A_226 : i32 to vector<16xi32>
      %lt3A_228 = arith.cmpi slt, %broadcast_in_dim3A_227, %broadcast_in_dim3A_70 : vector<16xi32>
      %jit3A_229 = arith.constant 0 : i32
      %broadcast_in_dim3A_230 = vector.broadcast %jit3A_229 : i32 to vector<16xi32>
      %select_n3A_231 = arith.select %lt3A_228, %get3A_224, %broadcast_in_dim3A_230 : vector<16xi1>, vector<16xi32>
      %add3A_232 = arith.addi %add3A_218, %select_n3A_231 : vector<16xi32>
      %mul3A_233 = arith.constant 16 : i32
      %mul3A_234 = arith.muli %scan3A_198, %mul3A_233 : i32
      %add3A_235 = arith.constant 2048 : i32
      %add3A_236 = arith.addi %add3A_235, %mul3A_234 : i32
      %get3A_237 = arith.index_cast %add3A_236 : i32 to index
      %get3A_238 = tpu.vector_load %arg18[%get3A_237] {strides = array<i32>} : memref<8192xi32, #tpu.memory_space<vmem>>, vector<16xi32>,
      %add3A_239 = arith.addi %add3A_225, %get3A_238 : vector<16xi32>
      %broadcast_in_dim3A_240 = arith.constant 2 : i32
      %broadcast_in_dim3A_241 = vector.broadcast %broadcast_in_dim3A_240 : i32 to vector<16xi32>
      %lt3A_242 = arith.cmpi slt, %broadcast_in_dim3A_241, %broadcast_in_dim3A_70 : vector<16xi32>
      %jit3A_243 = arith.constant 0 : i32
      %broadcast_in_dim3A_244 = vector.broadcast %jit3A_243 : i32 to vector<16xi32>
      %select_n3A_245 = arith.select %lt3A_242, %get3A_238, %broadcast_in_dim3A_244 : vector<16xi1>, vector<16xi32>
      %add3A_246 = arith.addi %add3A_232, %select_n3A_245 : vector<16xi32>
      %mul3A_247 = arith.constant 16 : i32
      %mul3A_248 = arith.muli %scan3A_198, %mul3A_247 : i32
      %add3A_249 = arith.constant 3072 : i32
      %add3A_250 = arith.addi %add3A_249, %mul3A_248 : i32
      %get3A_251 = arith.index_cast %add3A_250 : i32 to index
      %get3A_252 = tpu.vector_load %arg18[%get3A_251] {strides = array<i32>} : memref<8192xi32, #tpu.memory_space<vmem>>, vector<16xi32>,
      %add3A_253 = arith.addi %add3A_239, %get3A_252 : vector<16xi32>
      %broadcast_in_dim3A_254 = arith.constant 3 : i32
      %broadcast_in_dim3A_255 = vector.broadcast %broadcast_in_dim3A_254 : i32 to vector<16xi32>
      %lt3A_256 = arith.cmpi slt, %broadcast_in_dim3A_255, %broadcast_in_dim3A_70 : vector<16xi32>
      %jit3A_257 = arith.constant 0 : i32
      %broadcast_in_dim3A_258 = vector.broadcast %jit3A_257 : i32 to vector<16xi32>
      %select_n3A_259 = arith.select %lt3A_256, %get3A_252, %broadcast_in_dim3A_258 : vector<16xi1>, vector<16xi32>
      %add3A_260 = arith.addi %add3A_246, %select_n3A_259 : vector<16xi32>
      %mul3A_261 = arith.constant 16 : i32
      %mul3A_262 = arith.muli %scan3A_198, %mul3A_261 : i32
      %add3A_263 = arith.constant 4096 : i32
      %add3A_264 = arith.addi %add3A_263, %mul3A_262 : i32
      %get3A_265 = arith.index_cast %add3A_264 : i32 to index
      %get3A_266 = tpu.vector_load %arg18[%get3A_265] {strides = array<i32>} : memref<8192xi32, #tpu.memory_space<vmem>>, vector<16xi32>,
      %add3A_267 = arith.addi %add3A_253, %get3A_266 : vector<16xi32>
      %broadcast_in_dim3A_268 = arith.constant 4 : i32
      %broadcast_in_dim3A_269 = vector.broadcast %broadcast_in_dim3A_268 : i32 to vector<16xi32>
      %lt3A_270 = arith.cmpi slt, %broadcast_in_dim3A_269, %broadcast_in_dim3A_70 : vector<16xi32>
      %jit3A_271 = arith.constant 0 : i32
      %broadcast_in_dim3A_272 = vector.broadcast %jit3A_271 : i32 to vector<16xi32>
      %select_n3A_273 = arith.select %lt3A_270, %get3A_266, %broadcast_in_dim3A_272 : vector<16xi1>, vector<16xi32>
      %add3A_274 = arith.addi %add3A_260, %select_n3A_273 : vector<16xi32>
      %mul3A_275 = arith.constant 16 : i32
      %mul3A_276 = arith.muli %scan3A_198, %mul3A_275 : i32
      %add3A_277 = arith.constant 5120 : i32
      %add3A_278 = arith.addi %add3A_277, %mul3A_276 : i32
      %get3A_279 = arith.index_cast %add3A_278 : i32 to index
      %get3A_280 = tpu.vector_load %arg18[%get3A_279] {strides = array<i32>} : memref<8192xi32, #tpu.memory_space<vmem>>, vector<16xi32>,
      %add3A_281 = arith.addi %add3A_267, %get3A_280 : vector<16xi32>
      %broadcast_in_dim3A_282 = arith.constant 5 : i32
      %broadcast_in_dim3A_283 = vector.broadcast %broadcast_in_dim3A_282 : i32 to vector<16xi32>
      %lt3A_284 = arith.cmpi slt, %broadcast_in_dim3A_283, %broadcast_in_dim3A_70 : vector<16xi32>
      %jit3A_285 = arith.constant 0 : i32
      %broadcast_in_dim3A_286 = vector.broadcast %jit3A_285 : i32 to vector<16xi32>
      %select_n3A_287 = arith.select %lt3A_284, %get3A_280, %broadcast_in_dim3A_286 : vector<16xi1>, vector<16xi32>
      %add3A_288 = arith.addi %add3A_274, %select_n3A_287 : vector<16xi32>
      %mul3A_289 = arith.constant 16 : i32
      %mul3A_290 = arith.muli %scan3A_198, %mul3A_289 : i32
      %add3A_291 = arith.constant 6144 : i32
      %add3A_292 = arith.addi %add3A_291, %mul3A_290 : i32
      %get3A_293 = arith.index_cast %add3A_292 : i32 to index
      %get3A_294 = tpu.vector_load %arg18[%get3A_293] {strides = array<i32>} : memref<8192xi32, #tpu.memory_space<vmem>>, vector<16xi32>,
      %add3A_295 = arith.addi %add3A_281, %get3A_294 : vector<16xi32>
      %broadcast_in_dim3A_296 = arith.constant 6 : i32
      %broadcast_in_dim3A_297 = vector.broadcast %broadcast_in_dim3A_296 : i32 to vector<16xi32>
      %lt3A_298 = arith.cmpi slt, %broadcast_in_dim3A_297, %broadcast_in_dim3A_70 : vector<16xi32>
      %jit3A_299 = arith.constant 0 : i32
      %broadcast_in_dim3A_300 = vector.broadcast %jit3A_299 : i32 to vector<16xi32>
      %select_n3A_301 = arith.select %lt3A_298, %get3A_294, %broadcast_in_dim3A_300 : vector<16xi1>, vector<16xi32>
      %add3A_302 = arith.addi %add3A_288, %select_n3A_301 : vector<16xi32>
      %mul3A_303 = arith.constant 16 : i32
      %mul3A_304 = arith.muli %scan3A_198, %mul3A_303 : i32
      %add3A_305 = arith.constant 7168 : i32
      %add3A_306 = arith.addi %add3A_305, %mul3A_304 : i32
      %get3A_307 = arith.index_cast %add3A_306 : i32 to index
      %get3A_308 = tpu.vector_load %arg18[%get3A_307] {strides = array<i32>} : memref<8192xi32, #tpu.memory_space<vmem>>, vector<16xi32>,
      %add3A_309 = arith.addi %add3A_295, %get3A_308 : vector<16xi32>
      %broadcast_in_dim3A_310 = arith.constant 7 : i32
      %broadcast_in_dim3A_311 = vector.broadcast %broadcast_in_dim3A_310 : i32 to vector<16xi32>
      %lt3A_312 = arith.cmpi slt, %broadcast_in_dim3A_311, %broadcast_in_dim3A_70 : vector<16xi32>
      %jit3A_313 = arith.constant 0 : i32
      %broadcast_in_dim3A_314 = vector.broadcast %jit3A_313 : i32 to vector<16xi32>
      %select_n3A_315 = arith.select %lt3A_312, %get3A_308, %broadcast_in_dim3A_314 : vector<16xi1>, vector<16xi32>
      %add3A_316 = arith.addi %add3A_302, %select_n3A_315 : vector<16xi32>
      %broadcast_in_dim3A_317 = arith.constant true
      %broadcast_in_dim3A_318 = vector.broadcast %broadcast_in_dim3A_317 : i1 to vector<16xi1>
      %masked_cumsum3A = tpu.scan <sum>, %add3A_309 masked %broadcast_in_dim3A_318 : vector<16xi32>, vector<16xi1> -> vector<16xi32>
      %sub3A_319 = arith.subi %masked_cumsum3A, %add3A_309 : vector<16xi32>
      %add3A_320 = vector.broadcast %scan3A_199 : i32 to vector<16xi32>
      %add3A_321 = arith.addi %add3A_320, %sub3A_319 : vector<16xi32>
      %swap3A_322 = arith.index_cast %mul3A_201 : i32 to index
      %swap3A_323 = tpu.vector_load %arg19[%swap3A_322] {strides = array<i32>} : memref<1024xi32, #tpu.memory_space<vmem>>, vector<16xi32>,
      tpu.vector_store %arg19[%swap3A_322], %add3A_321 {strides = array<i32>} : memref<1024xi32, #tpu.memory_space<vmem>>, vector<16xi32>,
      %add3A_324 = vector.broadcast %scan3A_199 : i32 to vector<16xi32>
      %add3A_325 = arith.addi %add3A_324, %sub3A_319 : vector<16xi32>
      %add3A_326 = arith.addi %add3A_325, %add3A_316 : vector<16xi32>
      %swap3A_327 = arith.index_cast %mul3A_201 : i32 to index
      %swap3A_328 = tpu.vector_load %arg20[%swap3A_327] {strides = array<i32>} : memref<1024xi32, #tpu.memory_space<vmem>>, vector<16xi32>,
      tpu.vector_store %arg20[%swap3A_327], %add3A_326 {strides = array<i32>} : memref<1024xi32, #tpu.memory_space<vmem>>, vector<16xi32>,
      %slice3A = vector.extract_strided_slice %masked_cumsum3A {offsets = [15], sizes = [1], strides = [1]} : vector<16xi32> to vector<1xi32>
      %squeeze3A = vector.extract %slice3A[0] : i32 from vector<1xi32>
      %add3A_329 = arith.addi %scan3A_199, %squeeze3A : i32
      scf.yield %add3A_329 : i32
    }
    %scan3A_77 = arith.constant 64 : i32
    %scan3A_78 = arith.constant 0 : i32
    %scan3A_79 = arith.constant 0 : i32
    %scan3A_80 = arith.constant 512 : i32
    %scan3A_81 = arith.addi %scan3A_79, %scan3A_80 : i32
    %scan3A_82 = arith.constant 1 : i32
    %scan3A_83 = scf.for %scan3A_198 = %scan3A_79 to %scan3A_81 step %scan3A_82 iter_args(%scan3A_199 = %scan3A_78) -> (i32)  : i32 {
      %get3A = arith.index_cast %scan3A_198 : i32 to index
      %get3A_200 = tpu.vector_load %arg15[%get3A] {strides = array<i32>} : memref<528xi32, #tpu.memory_space<vmem>>, vector<16xi32>,
      %slice3A = vector.extract_strided_slice %get3A_200 {offsets = [0], sizes = [1], strides = [1]} : vector<16xi32> to vector<1xi32>
      %squeeze3A = vector.extract %slice3A[0] : i32 from vector<1xi32>
      %get3A_201 = arith.index_cast %squeeze3A : i32 to index
      %get3A_202 = tpu.vector_load %arg20[%get3A_201] {strides = array<i32>} : memref<1024xi32, #tpu.memory_space<vmem>>, vector<16xi32>,
      %slice3A_203 = vector.extract_strided_slice %get3A_202 {offsets = [0], sizes = [1], strides = [1]} : vector<16xi32> to vector<1xi32>
      %squeeze3A_204 = vector.extract %slice3A_203[0] : i32 from vector<1xi32>
      %add3A_205 = arith.addi %get3A_202, %select_n3A_56 : vector<16xi32>
      %swap3A_206 = arith.index_cast %squeeze3A : i32 to index
      %swap3A_207 = tpu.vector_load %arg20[%swap3A_206] {strides = array<i32>} : memref<1024xi32, #tpu.memory_space<vmem>>, vector<16xi32>,
      tpu.vector_store %arg20[%swap3A_206], %add3A_205 {strides = array<i32>} : memref<1024xi32, #tpu.memory_space<vmem>>, vector<16xi32>,
      %get3A_208 = arith.index_cast %scan3A_198 : i32 to index
      %get3A_209 = tpu.vector_load %arg21[%get3A_208] {strides = array<i32>} : memref<528xi32, #tpu.memory_space<vmem>>, vector<16xi32>,
      %eq3A_210 = arith.constant 0 : i32
      %eq3A_211 = vector.broadcast %eq3A_210 : i32 to vector<16xi32>
      %eq3A_212 = arith.cmpi eq, %iota3A, %eq3A_211 : vector<16xi32>
      %mul3A_213 = arith.constant 4096 : i32
      %mul3A_214 = arith.muli %select_n3A, %mul3A_213 : i32
      %add3A_215 = arith.addi %mul3A_214, %squeeze3A_204 : i32
      %broadcast_in_dim3A_216 = vector.broadcast %add3A_215 : i32 to vector<16xi32>
      %select_n3A_217 = arith.select %eq3A_212, %broadcast_in_dim3A_216, %get3A_209 : vector<16xi1>, vector<16xi32>
      %swap3A_218 = arith.index_cast %scan3A_198 : i32 to index
      %swap3A_219 = tpu.vector_load %arg21[%swap3A_218] {strides = array<i32>} : memref<528xi32, #tpu.memory_space<vmem>>, vector<16xi32>,
      tpu.vector_store %arg21[%swap3A_218], %select_n3A_217 {strides = array<i32>} : memref<528xi32, #tpu.memory_space<vmem>>, vector<16xi32>,
      %scan3A_220 = arith.constant 0 : i32
      scf.yield %scan3A_220 : i32
    }
    %scan3A_84 = arith.constant 512 : i32
    %scan3A_85 = arith.constant 0 : i32
    %scan3A_86 = arith.constant 0 : i32
    %scan3A_87 = arith.constant 32 : i32
    %scan3A_88 = arith.addi %scan3A_86, %scan3A_87 : i32
    %scan3A_89 = arith.constant 1 : i32
    %scan3A_90 = scf.for %scan3A_198 = %scan3A_86 to %scan3A_88 step %scan3A_89 iter_args(%scan3A_199 = %scan3A_85) -> (i32)  : i32 {
      %mul3A_200 = arith.constant 16 : i32
      %mul3A_201 = arith.muli %scan3A_198, %mul3A_200 : i32
      %get3A = arith.index_cast %mul3A_201 : i32 to index
      %get3A_202 = tpu.vector_load %arg21[%get3A] {strides = array<i32>} : memref<528xi32, #tpu.memory_space<vmem>>, vector<16xi32>,
      %swap3A_203 = arith.index_cast %mul3A_201 : i32 to index
      %swap3A_204 = tpu.vector_load %arg22[%swap3A_203] {strides = array<i32>} : memref<512xi32, #tpu.memory_space<vmem>>, vector<16xi32>,
      tpu.vector_store %arg22[%swap3A_203], %get3A_202 {strides = array<i32>} : memref<512xi32, #tpu.memory_space<vmem>>, vector<16xi32>,
      %scan3A_205 = arith.constant 0 : i32
      scf.yield %scan3A_205 : i32
    }
    %scan3A_91 = arith.constant 32 : i32
    "tpu.region"() ({
      %run_scoped3A = tpu.sem_alloc : memref<!tpu.dma_semaphore, #tpu.memory_space<semaphore_mem>>
      %dma_start3A = arith.constant 0 : i32
      %dma_start3A_198 = tpu.memref_slice %arg31[%dma_start3A] : memref<8192xi32, #tpu.memory_space<vmem_shared>> -> memref<8192xi32, #tpu.memory_space<vmem_shared>>
      tpu.enqueue_indirect_dma source(%arg16 : memref<512xi32, #tpu.memory_space<vmem>>) target(%dma_start3A_198 : memref<8192xi32, #tpu.memory_space<vmem_shared>>) offsets(%arg22 : memref<512xi32, #tpu.memory_space<vmem>>) semaphore(%run_scoped3A : memref<!tpu.dma_semaphore, #tpu.memory_space<semaphore_mem>>)
      %dma_wait3A = arith.constant 0 : i32
      %dma_wait3A_199 = tpu.memref_slice %arg31[%dma_wait3A] : memref<8192xi32, #tpu.memory_space<vmem_shared>> -> memref<8192xi32, #tpu.memory_space<vmem_shared>>
      tpu.wait_indirect_dma semaphore(%run_scoped3A : memref<!tpu.dma_semaphore, #tpu.memory_space<semaphore_mem>>) src(%arg16 : memref<512xi32, #tpu.memory_space<vmem>>) dst(%dma_wait3A_199 : memref<8192xi32, #tpu.memory_space<vmem_shared>>)
      tpu.yield
    }) : () -> ()
    %barrier3A_92 = arith.constant 0 : index
    tpu.barrier barrier_id(%barrier3A_92)
    %mul3A_93 = arith.constant 4096 : i32
    %mul3A_94 = arith.muli %select_n3A, %mul3A_93 : i32
    "tpu.region"() ({
      %run_scoped3A = tpu.sem_alloc : memref<!tpu.dma_semaphore, #tpu.memory_space<semaphore_mem>>
      %dma_start3A = arith.constant 0 : i32
      %dma_start3A_198 = tpu.memref_slice %arg23[%dma_start3A] : memref<4112xi32, #tpu.memory_space<vmem>> -> memref<4096xi32, #tpu.memory_space<vmem>>
      %dma_start3A_199 = tpu.memref_slice %arg31[%mul3A_94] : memref<8192xi32, #tpu.memory_space<vmem_shared>> -> memref<4096xi32, #tpu.memory_space<vmem_shared>>
      %dma_start3A_200 = arith.constant 0 : i32
      %dma_start3A_201 = tpu.memref_slice %arg23[%dma_start3A_200] : memref<4112xi32, #tpu.memory_space<vmem>> -> memref<4096xi32, #tpu.memory_space<vmem>>
      %dma_start3A_202 = tpu.memref_slice %arg31[%mul3A_94] : memref<8192xi32, #tpu.memory_space<vmem_shared>> -> memref<4096xi32, #tpu.memory_space<vmem_shared>>
      tpu.enqueue_dma source(%dma_start3A_202 : memref<4096xi32, #tpu.memory_space<vmem_shared>>) target(%dma_start3A_201 : memref<4096xi32, #tpu.memory_space<vmem>>) target_semaphore(%run_scoped3A : memref<!tpu.dma_semaphore, #tpu.memory_space<semaphore_mem>>)
      %dma_wait3A = arith.constant 0 : i32
      %dma_wait3A_203 = tpu.memref_slice %arg23[%dma_wait3A] : memref<4112xi32, #tpu.memory_space<vmem>> -> memref<4096xi32, #tpu.memory_space<vmem>>
      %dma_wait3A_204 = tpu.memref_slice %arg31[%mul3A_94] : memref<8192xi32, #tpu.memory_space<vmem_shared>> -> memref<4096xi32, #tpu.memory_space<vmem_shared>>
      %dma_wait3A_205 = arith.constant 0 : i32
      %dma_wait3A_206 = tpu.memref_slice %arg23[%dma_wait3A_205] : memref<4112xi32, #tpu.memory_space<vmem>> -> memref<4096xi32, #tpu.memory_space<vmem>>
      %dma_wait3A_207 = tpu.memref_slice %arg31[%mul3A_94] : memref<8192xi32, #tpu.memory_space<vmem_shared>> -> memref<4096xi32, #tpu.memory_space<vmem_shared>>
      tpu.wait_dma2 semaphore(%run_scoped3A : memref<!tpu.dma_semaphore, #tpu.memory_space<semaphore_mem>>) src(%dma_wait3A_207 : memref<4096xi32, #tpu.memory_space<vmem_shared>>) dst(%dma_wait3A_206 : memref<4096xi32, #tpu.memory_space<vmem>>)
      tpu.yield
    }) : () -> ()
    %jit3A_95 = arith.constant 8 : i32
    %eq3A_96 = arith.constant 0 : i32
    %eq3A_97 = arith.cmpi eq, %jit3A_95, %eq3A_96 : i32
    %jit3A_98 = arith.constant 1 : i32
    %select_n3A_99 = arith.select %eq3A_97, %jit3A_98, %jit3A_95 : i32
    %rem3A_100 = arith.remsi %arg1, %select_n3A_99 : i32
    %ne3A_101 = arith.constant 0 : i32
    %ne3A_102 = arith.cmpi ne, %rem3A_100, %ne3A_101 : i32
    %lt3A_103 = arith.constant 0 : i32
    %lt3A_104 = arith.cmpi slt, %rem3A_100, %lt3A_103 : i32
    %lt3A_105 = arith.constant 0 : i32
    %lt3A_106 = arith.cmpi slt, %select_n3A_99, %lt3A_105 : i32
    %ne3A_107 = arith.xori %lt3A_104, %lt3A_106 : i1
    %and3A_108 = arith.andi %ne3A_107, %ne3A_102 : i1
    %add3A_109 = arith.addi %rem3A_100, %select_n3A_99 : i32
    %select_n3A_110 = arith.select %and3A_108, %add3A_109, %rem3A_100 : i32
    %mul3A_111 = arith.constant 500 : i32
    %mul3A_112 = arith.muli %select_n3A_110, %mul3A_111 : i32
    %jit3A_113 = arith.constant 8 : i32
    %div3A_114 = arith.divsi %mul3A_112, %jit3A_113 : i32
    %sign3A_115 = arith.constant 0 : i32
    %sign3A_116 = arith.cmpi sgt, %mul3A_112, %sign3A_115 : i32
    %sign3A_117 = arith.extui %sign3A_116 : i1 to i32
    %sign3A_118 = arith.constant 0 : i32
    %sign3A_119 = arith.cmpi slt, %mul3A_112, %sign3A_118 : i32
    %sign3A_120 = arith.extui %sign3A_119 : i1 to i32
    %sign3A_121 = arith.subi %sign3A_117, %sign3A_120 : i32
    %sign3A_122 = arith.constant 0 : i32
    %sign3A_123 = arith.cmpi sgt, %jit3A_113, %sign3A_122 : i32
    %sign3A_124 = arith.extui %sign3A_123 : i1 to i32
    %sign3A_125 = arith.constant 0 : i32
    %sign3A_126 = arith.cmpi slt, %jit3A_113, %sign3A_125 : i32
    %sign3A_127 = arith.extui %sign3A_126 : i1 to i32
    %sign3A_128 = arith.subi %sign3A_124, %sign3A_127 : i32
    %ne3A_129 = arith.cmpi ne, %sign3A_121, %sign3A_128 : i32
    %rem3A_130 = arith.remsi %mul3A_112, %jit3A_113 : i32
    %ne3A_131 = arith.constant 0 : i32
    %ne3A_132 = arith.cmpi ne, %rem3A_130, %ne3A_131 : i32
    %and3A_133 = arith.andi %ne3A_129, %ne3A_132 : i1
    %sub3A_134 = arith.constant 1 : i32
    %sub3A_135 = arith.subi %div3A_114, %sub3A_134 : i32
    %select_n3A_136 = arith.select %and3A_133, %sub3A_135, %div3A_114 : i32
    %jit3A_137 = arith.constant 8 : i32
    %eq3A_138 = arith.constant 0 : i32
    %eq3A_139 = arith.cmpi eq, %jit3A_137, %eq3A_138 : i32
    %jit3A_140 = arith.constant 1 : i32
    %select_n3A_141 = arith.select %eq3A_139, %jit3A_140, %jit3A_137 : i32
    %rem3A_142 = arith.remsi %arg1, %select_n3A_141 : i32
    %ne3A_143 = arith.constant 0 : i32
    %ne3A_144 = arith.cmpi ne, %rem3A_142, %ne3A_143 : i32
    %lt3A_145 = arith.constant 0 : i32
    %lt3A_146 = arith.cmpi slt, %rem3A_142, %lt3A_145 : i32
    %lt3A_147 = arith.constant 0 : i32
    %lt3A_148 = arith.cmpi slt, %select_n3A_141, %lt3A_147 : i32
    %ne3A_149 = arith.xori %lt3A_146, %lt3A_148 : i1
    %and3A_150 = arith.andi %ne3A_149, %ne3A_144 : i1
    %add3A_151 = arith.addi %rem3A_142, %select_n3A_141 : i32
    %select_n3A_152 = arith.select %and3A_150, %add3A_151, %rem3A_142 : i32
    %add3A_153 = arith.constant 1 : i32
    %add3A_154 = arith.addi %select_n3A_152, %add3A_153 : i32
    %mul3A_155 = arith.constant 500 : i32
    %mul3A_156 = arith.muli %add3A_154, %mul3A_155 : i32
    %jit3A_157 = arith.constant 8 : i32
    %div3A_158 = arith.divsi %mul3A_156, %jit3A_157 : i32
    %sign3A_159 = arith.constant 0 : i32
    %sign3A_160 = arith.cmpi sgt, %mul3A_156, %sign3A_159 : i32
    %sign3A_161 = arith.extui %sign3A_160 : i1 to i32
    %sign3A_162 = arith.constant 0 : i32
    %sign3A_163 = arith.cmpi slt, %mul3A_156, %sign3A_162 : i32
    %sign3A_164 = arith.extui %sign3A_163 : i1 to i32
    %sign3A_165 = arith.subi %sign3A_161, %sign3A_164 : i32
    %sign3A_166 = arith.constant 0 : i32
    %sign3A_167 = arith.cmpi sgt, %jit3A_157, %sign3A_166 : i32
    %sign3A_168 = arith.extui %sign3A_167 : i1 to i32
    %sign3A_169 = arith.constant 0 : i32
    %sign3A_170 = arith.cmpi slt, %jit3A_157, %sign3A_169 : i32
    %sign3A_171 = arith.extui %sign3A_170 : i1 to i32
    %sign3A_172 = arith.subi %sign3A_168, %sign3A_171 : i32
    %ne3A_173 = arith.cmpi ne, %sign3A_165, %sign3A_172 : i32
    %rem3A_174 = arith.remsi %mul3A_156, %jit3A_157 : i32
    %ne3A_175 = arith.constant 0 : i32
    %ne3A_176 = arith.cmpi ne, %rem3A_174, %ne3A_175 : i32
    %and3A_177 = arith.andi %ne3A_173, %ne3A_176 : i1
    %sub3A_178 = arith.constant 1 : i32
    %sub3A_179 = arith.subi %div3A_158, %sub3A_178 : i32
    %select_n3A_180 = arith.select %and3A_177, %sub3A_179, %div3A_158 : i32
    %broadcast_in_dim3A_181 = arith.constant 0.000000e+00 : f32
    %broadcast_in_dim3A_182 = vector.broadcast %broadcast_in_dim3A_181 : f32 to vector<16xf32>
    %while3A = arith.subi %select_n3A_180, %select_n3A_136 : i32
    %while3A_183 = arith.addi %select_n3A_136, %while3A : i32
    %while3A_184 = arith.constant 1 : i32
    %while3A_185 = arith.divsi %while3A, %while3A_184 : i32
    %while3A_186 = arith.muli %while3A_185, %while3A_184 : i32
    %while3A_187 = arith.addi %select_n3A_136, %while3A_186 : i32
    %while3A_188 = arith.constant 1 : i32
    %while3A_189 = scf.for %while3A_198 = %select_n3A_136 to %while3A_187 step %while3A_188 iter_args(%while3A_199 = %broadcast_in_dim3A_182) -> (vector<16xf32>)  : i32 {
      %jit3A_200 = arith.constant 5 : i32
      %eq3A_201 = arith.constant 0 : i32
      %eq3A_202 = arith.cmpi eq, %jit3A_200, %eq3A_201 : i32
      %jit3A_203 = arith.constant 1 : i32
      %select_n3A_204 = arith.select %eq3A_202, %jit3A_203, %jit3A_200 : i32
      %rem3A_205 = arith.remsi %while3A_198, %select_n3A_204 : i32
      %ne3A_206 = arith.constant 0 : i32
      %ne3A_207 = arith.cmpi ne, %rem3A_205, %ne3A_206 : i32
      %lt3A_208 = arith.constant 0 : i32
      %lt3A_209 = arith.cmpi slt, %rem3A_205, %lt3A_208 : i32
      %lt3A_210 = arith.constant 0 : i32
      %lt3A_211 = arith.cmpi slt, %select_n3A_204, %lt3A_210 : i32
      %ne3A_212 = arith.xori %lt3A_209, %lt3A_211 : i1
      %and3A_213 = arith.andi %ne3A_212, %ne3A_207 : i1
      %add3A_214 = arith.addi %rem3A_205, %select_n3A_204 : i32
      %select_n3A_215 = arith.select %and3A_213, %add3A_214, %rem3A_205 : i32
      %jit3A_216 = arith.constant 5 : i32
      %div3A_217 = arith.divsi %while3A_198, %jit3A_216 : i32
      %sign3A_218 = arith.constant 0 : i32
      %sign3A_219 = arith.cmpi sgt, %while3A_198, %sign3A_218 : i32
      %sign3A_220 = arith.extui %sign3A_219 : i1 to i32
      %sign3A_221 = arith.constant 0 : i32
      %sign3A_222 = arith.cmpi slt, %while3A_198, %sign3A_221 : i32
      %sign3A_223 = arith.extui %sign3A_222 : i1 to i32
      %sign3A_224 = arith.subi %sign3A_220, %sign3A_223 : i32
      %sign3A_225 = arith.constant 0 : i32
      %sign3A_226 = arith.cmpi sgt, %jit3A_216, %sign3A_225 : i32
      %sign3A_227 = arith.extui %sign3A_226 : i1 to i32
      %sign3A_228 = arith.constant 0 : i32
      %sign3A_229 = arith.cmpi slt, %jit3A_216, %sign3A_228 : i32
      %sign3A_230 = arith.extui %sign3A_229 : i1 to i32
      %sign3A_231 = arith.subi %sign3A_227, %sign3A_230 : i32
      %ne3A_232 = arith.cmpi ne, %sign3A_224, %sign3A_231 : i32
      %rem3A_233 = arith.remsi %while3A_198, %jit3A_216 : i32
      %ne3A_234 = arith.constant 0 : i32
      %ne3A_235 = arith.cmpi ne, %rem3A_233, %ne3A_234 : i32
      %and3A_236 = arith.andi %ne3A_232, %ne3A_235 : i1
      %sub3A_237 = arith.constant 1 : i32
      %sub3A_238 = arith.subi %div3A_217, %sub3A_237 : i32
      %select_n3A_239 = arith.select %and3A_236, %sub3A_238, %div3A_217 : i32
      %jit3A_240 = arith.constant 10 : i32
      %eq3A_241 = arith.constant 0 : i32
      %eq3A_242 = arith.cmpi eq, %jit3A_240, %eq3A_241 : i32
      %jit3A_243 = arith.constant 1 : i32
      %select_n3A_244 = arith.select %eq3A_242, %jit3A_243, %jit3A_240 : i32
      %rem3A_245 = arith.remsi %select_n3A_239, %select_n3A_244 : i32
      %ne3A_246 = arith.constant 0 : i32
      %ne3A_247 = arith.cmpi ne, %rem3A_245, %ne3A_246 : i32
      %lt3A_248 = arith.constant 0 : i32
      %lt3A_249 = arith.cmpi slt, %rem3A_245, %lt3A_248 : i32
      %lt3A_250 = arith.constant 0 : i32
      %lt3A_251 = arith.cmpi slt, %select_n3A_244, %lt3A_250 : i32
      %ne3A_252 = arith.xori %lt3A_249, %lt3A_251 : i1
      %and3A_253 = arith.andi %ne3A_252, %ne3A_247 : i1
      %add3A_254 = arith.addi %rem3A_245, %select_n3A_244 : i32
      %select_n3A_255 = arith.select %and3A_253, %add3A_254, %rem3A_245 : i32
      %jit3A_256 = arith.constant 10 : i32
      %div3A_257 = arith.divsi %select_n3A_239, %jit3A_256 : i32
      %sign3A_258 = arith.constant 0 : i32
      %sign3A_259 = arith.cmpi sgt, %select_n3A_239, %sign3A_258 : i32
      %sign3A_260 = arith.extui %sign3A_259 : i1 to i32
      %sign3A_261 = arith.constant 0 : i32
      %sign3A_262 = arith.cmpi slt, %select_n3A_239, %sign3A_261 : i32
      %sign3A_263 = arith.extui %sign3A_262 : i1 to i32
      %sign3A_264 = arith.subi %sign3A_260, %sign3A_263 : i32
      %sign3A_265 = arith.constant 0 : i32
      %sign3A_266 = arith.cmpi sgt, %jit3A_256, %sign3A_265 : i32
      %sign3A_267 = arith.extui %sign3A_266 : i1 to i32
      %sign3A_268 = arith.constant 0 : i32
      %sign3A_269 = arith.cmpi slt, %jit3A_256, %sign3A_268 : i32
      %sign3A_270 = arith.extui %sign3A_269 : i1 to i32
      %sign3A_271 = arith.subi %sign3A_267, %sign3A_270 : i32
      %ne3A_272 = arith.cmpi ne, %sign3A_264, %sign3A_271 : i32
      %rem3A_273 = arith.remsi %select_n3A_239, %jit3A_256 : i32
      %ne3A_274 = arith.constant 0 : i32
      %ne3A_275 = arith.cmpi ne, %rem3A_273, %ne3A_274 : i32
      %and3A_276 = arith.andi %ne3A_272, %ne3A_275 : i1
      %sub3A_277 = arith.constant 1 : i32
      %sub3A_278 = arith.subi %div3A_257, %sub3A_277 : i32
      %select_n3A_279 = arith.select %and3A_276, %sub3A_278, %div3A_257 : i32
      %mul3A_280 = arith.constant 10 : i32
      %mul3A_281 = arith.muli %select_n3A_279, %mul3A_280 : i32
      %add3A_282 = arith.addi %mul3A_281, %select_n3A_255 : i32
      %mul3A_283 = arith.constant 10 : i32
      %mul3A_284 = arith.muli %add3A_282, %mul3A_283 : i32
      %mul3A_285 = arith.constant 2 : i32
      %mul3A_286 = arith.muli %mul3A_285, %select_n3A_215 : i32
      %add3A_287 = arith.addi %mul3A_284, %mul3A_286 : i32
      %mul3A_288 = arith.constant 2 : i32
      %mul3A_289 = arith.muli %mul3A_288, %select_n3A_215 : i32
      %sub3A_290 = arith.constant 1 : i32
      %sub3A_291 = arith.subi %mul3A_289, %sub3A_290 : i32
      %max3A = arith.constant 0 : i32
      %max3A_292 = arith.maxsi %sub3A_291, %max3A : i32
      %mul3A_293 = arith.constant 2 : i32
      %mul3A_294 = arith.muli %mul3A_293, %select_n3A_215 : i32
      %add3A_295 = arith.constant 2 : i32
      %add3A_296 = arith.addi %mul3A_294, %add3A_295 : i32
      %min3A = arith.constant 9 : i32
      %min3A_297 = arith.minsi %add3A_296, %min3A : i32
      %get3A = arith.index_cast %add3A_287 : i32 to index
      %get3A_298 = tpu.vector_load %arg19[%get3A] {strides = array<i32>} : memref<1024xi32, #tpu.memory_space<vmem>>, vector<16xi32>,
      %slice3A = vector.extract_strided_slice %get3A_298 {offsets = [0], sizes = [1], strides = [1]} : vector<16xi32> to vector<1xi32>
      %squeeze3A = vector.extract %slice3A[0] : i32 from vector<1xi32>
      %add3A_299 = arith.constant 2 : i32
      %add3A_300 = arith.addi %add3A_287, %add3A_299 : i32
      %get3A_301 = arith.index_cast %add3A_300 : i32 to index
      %get3A_302 = tpu.vector_load %arg19[%get3A_301] {strides = array<i32>} : memref<1024xi32, #tpu.memory_space<vmem>>, vector<16xi32>,
      %slice3A_303 = vector.extract_strided_slice %get3A_302 {offsets = [0], sizes = [1], strides = [1]} : vector<16xi32> to vector<1xi32>
      %squeeze3A_304 = vector.extract %slice3A_303[0] : i32 from vector<1xi32>
      %scan3A_305 = arith.constant 0 : i32
      %scan3A_306 = arith.constant 0 : i32
      %scan3A_307 = arith.constant 9 : i32
      %scan3A_308 = arith.addi %scan3A_306, %scan3A_307 : i32
      %scan3A_309 = arith.constant 1 : i32
      %scan3A_310 = scf.for %scan3A_348 = %scan3A_306 to %scan3A_308 step %scan3A_309 iter_args(%scan3A_349 = %scan3A_305) -> (i32)  : i32 {
        %jit3A_350 = arith.constant 3 : i32
        %div3A_351 = arith.divsi %scan3A_348, %jit3A_350 : i32
        %sign3A_352 = arith.constant 0 : i32
        %sign3A_353 = arith.cmpi sgt, %scan3A_348, %sign3A_352 : i32
        %sign3A_354 = arith.extui %sign3A_353 : i1 to i32
        %sign3A_355 = arith.constant 0 : i32
        %sign3A_356 = arith.cmpi slt, %scan3A_348, %sign3A_355 : i32
        %sign3A_357 = arith.extui %sign3A_356 : i1 to i32
        %sign3A_358 = arith.subi %sign3A_354, %sign3A_357 : i32
        %sign3A_359 = arith.constant 0 : i32
        %sign3A_360 = arith.cmpi sgt, %jit3A_350, %sign3A_359 : i32
        %sign3A_361 = arith.extui %sign3A_360 : i1 to i32
        %sign3A_362 = arith.constant 0 : i32
        %sign3A_363 = arith.cmpi slt, %jit3A_350, %sign3A_362 : i32
        %sign3A_364 = arith.extui %sign3A_363 : i1 to i32
        %sign3A_365 = arith.subi %sign3A_361, %sign3A_364 : i32
        %ne3A_366 = arith.cmpi ne, %sign3A_358, %sign3A_365 : i32
        %rem3A_367 = arith.remsi %scan3A_348, %jit3A_350 : i32
        %ne3A_368 = arith.constant 0 : i32
        %ne3A_369 = arith.cmpi ne, %rem3A_367, %ne3A_368 : i32
        %and3A_370 = arith.andi %ne3A_366, %ne3A_369 : i1
        %sub3A_371 = arith.constant 1 : i32
        %sub3A_372 = arith.subi %div3A_351, %sub3A_371 : i32
        %select_n3A_373 = arith.select %and3A_370, %sub3A_372, %div3A_351 : i32
        %add3A_374 = arith.addi %select_n3A_279, %select_n3A_373 : i32
        %sub3A_375 = arith.constant 1 : i32
        %sub3A_376 = arith.subi %add3A_374, %sub3A_375 : i32
        %jit3A_377 = arith.constant 3 : i32
        %eq3A_378 = arith.constant 0 : i32
        %eq3A_379 = arith.cmpi eq, %jit3A_377, %eq3A_378 : i32
        %jit3A_380 = arith.constant 1 : i32
        %select_n3A_381 = arith.select %eq3A_379, %jit3A_380, %jit3A_377 : i32
        %rem3A_382 = arith.remsi %scan3A_348, %select_n3A_381 : i32
        %ne3A_383 = arith.constant 0 : i32
        %ne3A_384 = arith.cmpi ne, %rem3A_382, %ne3A_383 : i32
        %lt3A_385 = arith.constant 0 : i32
        %lt3A_386 = arith.cmpi slt, %rem3A_382, %lt3A_385 : i32
        %lt3A_387 = arith.constant 0 : i32
        %lt3A_388 = arith.cmpi slt, %select_n3A_381, %lt3A_387 : i32
        %ne3A_389 = arith.xori %lt3A_386, %lt3A_388 : i1
        %and3A_390 = arith.andi %ne3A_389, %ne3A_384 : i1
        %add3A_391 = arith.addi %rem3A_382, %select_n3A_381 : i32
        %select_n3A_392 = arith.select %and3A_390, %add3A_391, %rem3A_382 : i32
        %add3A_393 = arith.addi %select_n3A_255, %select_n3A_392 : i32
        %sub3A_394 = arith.constant 1 : i32
        %sub3A_395 = arith.subi %add3A_393, %sub3A_394 : i32
        %ge3A = arith.constant 0 : i32
        %ge3A_396 = arith.cmpi sge, %sub3A_376, %ge3A : i32
        %le3A = arith.constant 9 : i32
        %le3A_397 = arith.cmpi sle, %sub3A_376, %le3A : i32
        %and3A_398 = arith.andi %ge3A_396, %le3A_397 : i1
        %ge3A_399 = arith.constant 0 : i32
        %ge3A_400 = arith.cmpi sge, %sub3A_395, %ge3A_399 : i32
        %le3A_401 = arith.constant 9 : i32
        %le3A_402 = arith.cmpi sle, %sub3A_395, %le3A_401 : i32
        %and3A_403 = arith.andi %ge3A_400, %le3A_402 : i1
        %and3A_404 = arith.andi %and3A_398, %and3A_403 : i1
        %mul3A_405 = arith.constant 10 : i32
        %mul3A_406 = arith.muli %sub3A_376, %mul3A_405 : i32
        %add3A_407 = arith.addi %mul3A_406, %sub3A_395 : i32
        %mul3A_408 = arith.constant 10 : i32
        %mul3A_409 = arith.muli %add3A_407, %mul3A_408 : i32
        %add3A_410 = arith.addi %mul3A_409, %max3A_292 : i32
        %jit3A_411 = arith.constant 0 : i32
        %select_n3A_412 = arith.select %and3A_404, %add3A_410, %jit3A_411 : i32
        %add3A_413 = arith.addi %mul3A_409, %min3A_297 : i32
        %add3A_414 = arith.constant 1 : i32
        %add3A_415 = arith.addi %add3A_413, %add3A_414 : i32
        %jit3A_416 = arith.constant 0 : i32
        %select_n3A_417 = arith.select %and3A_404, %add3A_415, %jit3A_416 : i32
        %get3A_418 = arith.index_cast %select_n3A_412 : i32 to index
        %get3A_419 = tpu.vector_load %arg19[%get3A_418] {strides = array<i32>} : memref<1024xi32, #tpu.memory_space<vmem>>, vector<16xi32>,
        %slice3A_420 = vector.extract_strided_slice %get3A_419 {offsets = [0], sizes = [1], strides = [1]} : vector<16xi32> to vector<1xi32>
        %squeeze3A_421 = vector.extract %slice3A_420[0] : i32 from vector<1xi32>
        %get3A_422 = arith.index_cast %select_n3A_417 : i32 to index
        %get3A_423 = tpu.vector_load %arg19[%get3A_422] {strides = array<i32>} : memref<1024xi32, #tpu.memory_space<vmem>>, vector<16xi32>,
        %slice3A_424 = vector.extract_strided_slice %get3A_423 {offsets = [0], sizes = [1], strides = [1]} : vector<16xi32> to vector<1xi32>
        %squeeze3A_425 = vector.extract %slice3A_424[0] : i32 from vector<1xi32>
        %select_n3A_426 = arith.select %and3A_404, %squeeze3A_425, %squeeze3A_421 : i32
        %sub3A_427 = arith.subi %select_n3A_426, %squeeze3A_421 : i32
        %add3A_428 = arith.constant 15 : i32
        %add3A_429 = arith.addi %sub3A_427, %add3A_428 : i32
        %jit3A_430 = arith.constant 16 : i32
        %div3A_431 = arith.divsi %add3A_429, %jit3A_430 : i32
        %sign3A_432 = arith.constant 0 : i32
        %sign3A_433 = arith.cmpi sgt, %add3A_429, %sign3A_432 : i32
        %sign3A_434 = arith.extui %sign3A_433 : i1 to i32
        %sign3A_435 = arith.constant 0 : i32
        %sign3A_436 = arith.cmpi slt, %add3A_429, %sign3A_435 : i32
        %sign3A_437 = arith.extui %sign3A_436 : i1 to i32
        %sign3A_438 = arith.subi %sign3A_434, %sign3A_437 : i32
        %sign3A_439 = arith.constant 0 : i32
        %sign3A_440 = arith.cmpi sgt, %jit3A_430, %sign3A_439 : i32
        %sign3A_441 = arith.extui %sign3A_440 : i1 to i32
        %sign3A_442 = arith.constant 0 : i32
        %sign3A_443 = arith.cmpi slt, %jit3A_430, %sign3A_442 : i32
        %sign3A_444 = arith.extui %sign3A_443 : i1 to i32
        %sign3A_445 = arith.subi %sign3A_441, %sign3A_444 : i32
        %ne3A_446 = arith.cmpi ne, %sign3A_438, %sign3A_445 : i32
        %rem3A_447 = arith.remsi %add3A_429, %jit3A_430 : i32
        %ne3A_448 = arith.constant 0 : i32
        %ne3A_449 = arith.cmpi ne, %rem3A_447, %ne3A_448 : i32
        %and3A_450 = arith.andi %ne3A_446, %ne3A_449 : i1
        %sub3A_451 = arith.constant 1 : i32
        %sub3A_452 = arith.subi %div3A_431, %sub3A_451 : i32
        %select_n3A_453 = arith.select %and3A_450, %sub3A_452, %div3A_431 : i32
        %parallel_loop3A = arith.constant 0 : i32
        %parallel_loop3A_454 = arith.constant 1 : i32
        %parallel_loop3A_455 = scf.for %parallel_loop3A_456 = %parallel_loop3A to %select_n3A_453 step %parallel_loop3A_454 iter_args(%parallel_loop3A_457 = %scan3A_349) -> (i32)  : i32 {
          %parallel_loop3A_458 = arith.constant 16 : i32
          %parallel_loop3A_459 = arith.muli %parallel_loop3A_456, %parallel_loop3A_458 : i32
          %parallel_loop3A_460 = arith.addi %squeeze3A_421, %parallel_loop3A_459 : i32
          %parallel_loop3A_461 = vector.broadcast %parallel_loop3A_460 : i32 to vector<16xi32>
          %parallel_loop3A_462 = arith.addi %parallel_loop3A_461, %iota3A : vector<16xi32>
          %parallel_loop3A_463 = vector.broadcast %select_n3A_426 : i32 to vector<16xi32>
          %parallel_loop3A_464 = arith.cmpi slt, %parallel_loop3A_462, %parallel_loop3A_463 : vector<16xi32>
          %parallel_loop3A_465 = arith.constant 16 : i32
          %parallel_loop3A_466 = arith.muli %parallel_loop3A_456, %parallel_loop3A_465 : i32
          %parallel_loop3A_467 = arith.addi %squeeze3A_421, %parallel_loop3A_466 : i32
          %parallel_loop3A_468 = arith.index_cast %parallel_loop3A_467 : i32 to index
          %parallel_loop3A_469 = tpu.vector_load %arg23[%parallel_loop3A_468] {strides = array<i32>} : memref<4112xi32, #tpu.memory_space<vmem>>, vector<16xi32>,
          %parallel_loop3A_470 = tpu.vector_load_idx %arg9[%parallel_loop3A_469] masked %parallel_loop3A_464 : memref<4096xf32, #tpu.memory_space<vmem>>[vector<16xi32>], vector<16xf32>, vector<16xi1>
          %parallel_loop3A_471 = tpu.vector_load_idx %arg10[%parallel_loop3A_469] masked %parallel_loop3A_464 : memref<4096xf32, #tpu.memory_space<vmem>>[vector<16xi32>], vector<16xf32>, vector<16xi1>
          %parallel_loop3A_472 = tpu.vector_load_idx %arg11[%parallel_loop3A_469] masked %parallel_loop3A_464 : memref<4096xf32, #tpu.memory_space<vmem>>[vector<16xi32>], vector<16xf32>, vector<16xi1>
          %parallel_loop3A_473 = arith.index_cast %parallel_loop3A_457 : i32 to index
          %parallel_loop3A_474 = tpu.vector_load %arg24[%parallel_loop3A_473] masked %parallel_loop3A_464 {strides = array<i32>} : memref<784xi32, #tpu.memory_space<vmem>>, vector<16xi32>, vector<16xi1>
          tpu.vector_store %arg24[%parallel_loop3A_473], %parallel_loop3A_469 masked %parallel_loop3A_464 {strides = array<i32>} : memref<784xi32, #tpu.memory_space<vmem>>, vector<16xi32>, vector<16xi1>
          %parallel_loop3A_475 = arith.index_cast %parallel_loop3A_457 : i32 to index
          %parallel_loop3A_476 = tpu.vector_load %arg25[%parallel_loop3A_475] masked %parallel_loop3A_464 {strides = array<i32>} : memref<784xf32, #tpu.memory_space<vmem>>, vector<16xf32>, vector<16xi1>
          tpu.vector_store %arg25[%parallel_loop3A_475], %parallel_loop3A_470 masked %parallel_loop3A_464 {strides = array<i32>} : memref<784xf32, #tpu.memory_space<vmem>>, vector<16xf32>, vector<16xi1>
          %parallel_loop3A_477 = arith.index_cast %parallel_loop3A_457 : i32 to index
          %parallel_loop3A_478 = tpu.vector_load %arg26[%parallel_loop3A_477] masked %parallel_loop3A_464 {strides = array<i32>} : memref<784xf32, #tpu.memory_space<vmem>>, vector<16xf32>, vector<16xi1>
          tpu.vector_store %arg26[%parallel_loop3A_477], %parallel_loop3A_471 masked %parallel_loop3A_464 {strides = array<i32>} : memref<784xf32, #tpu.memory_space<vmem>>, vector<16xf32>, vector<16xi1>
          %parallel_loop3A_479 = arith.index_cast %parallel_loop3A_457 : i32 to index
          %parallel_loop3A_480 = tpu.vector_load %arg27[%parallel_loop3A_479] masked %parallel_loop3A_464 {strides = array<i32>} : memref<784xf32, #tpu.memory_space<vmem>>, vector<16xf32>, vector<16xi1>
          tpu.vector_store %arg27[%parallel_loop3A_479], %parallel_loop3A_472 masked %parallel_loop3A_464 {strides = array<i32>} : memref<784xf32, #tpu.memory_space<vmem>>, vector<16xf32>, vector<16xi1>
          %parallel_loop3A_481 = tpu.all_reduce %parallel_loop3A_464 {dim = 0 : i64, kind = #tpu.reduction_kind<sum>} : vector<16xi1> -> vector<16xi32>
          %parallel_loop3A_482 = vector.extract_strided_slice %parallel_loop3A_481 {offsets = [0], sizes = [1], strides = [1]} : vector<16xi32> to vector<1xi32>
          %parallel_loop3A_483 = vector.extract %parallel_loop3A_482[0] : i32 from vector<1xi32>
          %parallel_loop3A_484 = arith.addi %parallel_loop3A_457, %parallel_loop3A_483 : i32
          %parallel_loop3A_485 = arith.constant 768 : i32
          %parallel_loop3A_486 = arith.minsi %parallel_loop3A_484, %parallel_loop3A_485 : i32
          scf.yield %parallel_loop3A_486 : i32
        } {sc.loop_unroll_factor = 2 : i64, sc.parallel_access}
        scf.yield %parallel_loop3A_455 : i32
      }
      %scan3A_311 = arith.constant 9 : i32
      %add3A_312 = arith.constant 15 : i32
      %add3A_313 = arith.addi %scan3A_310, %add3A_312 : i32
      %jit3A_314 = arith.constant 16 : i32
      %div3A_315 = arith.divsi %add3A_313, %jit3A_314 : i32
      %sign3A_316 = arith.constant 0 : i32
      %sign3A_317 = arith.cmpi sgt, %add3A_313, %sign3A_316 : i32
      %sign3A_318 = arith.extui %sign3A_317 : i1 to i32
      %sign3A_319 = arith.constant 0 : i32
      %sign3A_320 = arith.cmpi slt, %add3A_313, %sign3A_319 : i32
      %sign3A_321 = arith.extui %sign3A_320 : i1 to i32
      %sign3A_322 = arith.subi %sign3A_318, %sign3A_321 : i32
      %sign3A_323 = arith.constant 0 : i32
      %sign3A_324 = arith.cmpi sgt, %jit3A_314, %sign3A_323 : i32
      %sign3A_325 = arith.extui %sign3A_324 : i1 to i32
      %sign3A_326 = arith.constant 0 : i32
      %sign3A_327 = arith.cmpi slt, %jit3A_314, %sign3A_326 : i32
      %sign3A_328 = arith.extui %sign3A_327 : i1 to i32
      %sign3A_329 = arith.subi %sign3A_325, %sign3A_328 : i32
      %ne3A_330 = arith.cmpi ne, %sign3A_322, %sign3A_329 : i32
      %rem3A_331 = arith.remsi %add3A_313, %jit3A_314 : i32
      %ne3A_332 = arith.constant 0 : i32
      %ne3A_333 = arith.cmpi ne, %rem3A_331, %ne3A_332 : i32
      %and3A_334 = arith.andi %ne3A_330, %ne3A_333 : i1
      %sub3A_335 = arith.constant 1 : i32
      %sub3A_336 = arith.subi %div3A_315, %sub3A_335 : i32
      %select_n3A_337 = arith.select %and3A_334, %sub3A_336, %div3A_315 : i32
      %while3A_338 = arith.subi %squeeze3A_304, %squeeze3A : i32
      %while3A_339 = arith.addi %squeeze3A, %while3A_338 : i32
      %while3A_340 = arith.constant 1 : i32
      %while3A_341 = arith.divsi %while3A_338, %while3A_340 : i32
      %while3A_342 = arith.muli %while3A_341, %while3A_340 : i32
      %while3A_343 = arith.addi %squeeze3A, %while3A_342 : i32
      %while3A_344 = arith.constant 1 : i32
      %while3A_345 = scf.for %while3A_348 = %squeeze3A to %while3A_343 step %while3A_344 iter_args(%while3A_349 = %while3A_199) -> (vector<16xf32>)  : i32 {
        %get3A_350 = arith.index_cast %while3A_348 : i32 to index
        %get3A_351 = tpu.vector_load %arg23[%get3A_350] {strides = array<i32>} : memref<4112xi32, #tpu.memory_space<vmem>>, vector<16xi32>,
        %slice3A_352 = vector.extract_strided_slice %get3A_351 {offsets = [0], sizes = [1], strides = [1]} : vector<16xi32> to vector<1xi32>
        %squeeze3A_353 = vector.extract %slice3A_352[0] : i32 from vector<1xi32>
        %broadcast_in_dim3A_354 = vector.broadcast %squeeze3A_353 : i32 to vector<16xi32>
        %gather3A = tpu.vector_load_idx %arg9[%broadcast_in_dim3A_354] : memref<4096xf32, #tpu.memory_space<vmem>>[vector<16xi32>], vector<16xf32>,
        %gather3A_355 = tpu.vector_load_idx %arg10[%broadcast_in_dim3A_354] : memref<4096xf32, #tpu.memory_space<vmem>>[vector<16xi32>], vector<16xf32>,
        %gather3A_356 = tpu.vector_load_idx %arg11[%broadcast_in_dim3A_354] : memref<4096xf32, #tpu.memory_space<vmem>>[vector<16xi32>], vector<16xf32>,
        %gather3A_357 = tpu.vector_load_idx %arg12[%broadcast_in_dim3A_354] : memref<4096xf32, #tpu.memory_space<vmem>>[vector<16xi32>], vector<16xf32>,
        %gather3A_358 = tpu.vector_load_idx %arg13[%broadcast_in_dim3A_354] : memref<4096xf32, #tpu.memory_space<vmem>>[vector<16xi32>], vector<16xf32>,
        %gather3A_359 = tpu.vector_load_idx %arg14[%broadcast_in_dim3A_354] : memref<4096xf32, #tpu.memory_space<vmem>>[vector<16xi32>], vector<16xf32>,
        %parallel_loop3A = arith.constant 0 : i32
        %parallel_loop3A_360 = arith.constant 1 : i32
        %parallel_loop3A_361 = arith.constant 0 : i32
        %parallel_loop3A_362 = scf.for %parallel_loop3A_401 = %parallel_loop3A to %select_n3A_337 step %parallel_loop3A_360 iter_args(%parallel_loop3A_402 = %parallel_loop3A_361) -> (i32)  : i32 {
          %parallel_loop3A_403 = arith.constant 16 : i32
          %parallel_loop3A_404 = arith.muli %parallel_loop3A_401, %parallel_loop3A_403 : i32
          %parallel_loop3A_405 = arith.constant 16 : i32
          %parallel_loop3A_406 = arith.muli %parallel_loop3A_401, %parallel_loop3A_405 : i32
          %parallel_loop3A_407 = vector.broadcast %parallel_loop3A_406 : i32 to vector<16xi32>
          %parallel_loop3A_408 = arith.addi %parallel_loop3A_407, %iota3A : vector<16xi32>
          %parallel_loop3A_409 = vector.broadcast %scan3A_310 : i32 to vector<16xi32>
          %parallel_loop3A_410 = arith.cmpi slt, %parallel_loop3A_408, %parallel_loop3A_409 : vector<16xi32>
          %parallel_loop3A_411 = arith.index_cast %parallel_loop3A_404 : i32 to index
          %parallel_loop3A_412 = tpu.vector_load %arg25[%parallel_loop3A_411] {strides = array<i32>} : memref<784xf32, #tpu.memory_space<vmem>>, vector<16xf32>,
          %parallel_loop3A_413 = arith.subf %parallel_loop3A_412, %gather3A : vector<16xf32>
          %parallel_loop3A_414 = arith.index_cast %parallel_loop3A_404 : i32 to index
          %parallel_loop3A_415 = tpu.vector_load %arg26[%parallel_loop3A_414] {strides = array<i32>} : memref<784xf32, #tpu.memory_space<vmem>>, vector<16xf32>,
          %parallel_loop3A_416 = arith.subf %parallel_loop3A_415, %gather3A_355 : vector<16xf32>
          %parallel_loop3A_417 = arith.index_cast %parallel_loop3A_404 : i32 to index
          %parallel_loop3A_418 = tpu.vector_load %arg27[%parallel_loop3A_417] {strides = array<i32>} : memref<784xf32, #tpu.memory_space<vmem>>, vector<16xf32>,
          %parallel_loop3A_419 = arith.subf %parallel_loop3A_418, %gather3A_356 : vector<16xf32>
          %parallel_loop3A_420 = arith.mulf %parallel_loop3A_413, %parallel_loop3A_413 : vector<16xf32>
          %parallel_loop3A_421 = arith.mulf %parallel_loop3A_416, %parallel_loop3A_416 : vector<16xf32>
          %parallel_loop3A_422 = arith.addf %parallel_loop3A_420, %parallel_loop3A_421 : vector<16xf32>
          %parallel_loop3A_423 = arith.mulf %parallel_loop3A_419, %parallel_loop3A_419 : vector<16xf32>
          %parallel_loop3A_424 = arith.addf %parallel_loop3A_422, %parallel_loop3A_423 : vector<16xf32>
          %parallel_loop3A_425 = arith.constant 0.00999999977 : f32
          %parallel_loop3A_426 = vector.broadcast %parallel_loop3A_425 : f32 to vector<16xf32>
          %parallel_loop3A_427 = arith.cmpf olt, %parallel_loop3A_424, %parallel_loop3A_426 : vector<16xf32>
          %parallel_loop3A_428 = arith.andi %parallel_loop3A_410, %parallel_loop3A_427 : vector<16xi1>
          %parallel_loop3A_429 = arith.index_cast %parallel_loop3A_404 : i32 to index
          %parallel_loop3A_430 = tpu.vector_load %arg24[%parallel_loop3A_429] {strides = array<i32>} : memref<784xi32, #tpu.memory_space<vmem>>, vector<16xi32>,
          %parallel_loop3A_431 = arith.index_cast %parallel_loop3A_402 : i32 to index
          %parallel_loop3A_432 = tpu.vector_load %arg28[%parallel_loop3A_431] masked %parallel_loop3A_428 {strides = array<i32>} : memref<1024xi32, #tpu.memory_space<vmem>>, vector<16xi32>, vector<16xi1>
          tpu.vector_store %arg28[%parallel_loop3A_431], %parallel_loop3A_430 masked %parallel_loop3A_428 {strides = array<i32>} : memref<1024xi32, #tpu.memory_space<vmem>>, vector<16xi32>, vector<16xi1>
          %parallel_loop3A_433 = tpu.all_reduce %parallel_loop3A_428 {dim = 0 : i64, kind = #tpu.reduction_kind<sum>} : vector<16xi1> -> vector<16xi32>
          %parallel_loop3A_434 = vector.extract_strided_slice %parallel_loop3A_433 {offsets = [0], sizes = [1], strides = [1]} : vector<16xi32> to vector<1xi32>
          %parallel_loop3A_435 = vector.extract %parallel_loop3A_434[0] : i32 from vector<1xi32>
          %parallel_loop3A_436 = arith.addi %parallel_loop3A_402, %parallel_loop3A_435 : i32
          %parallel_loop3A_437 = arith.constant 1008 : i32
          %parallel_loop3A_438 = arith.minsi %parallel_loop3A_436, %parallel_loop3A_437 : i32
          scf.yield %parallel_loop3A_438 : i32
        } {sc.loop_unroll_factor = 2 : i64, sc.parallel_access}
        %lt3A_363 = vector.broadcast %parallel_loop3A_362 : i32 to vector<16xi32>
        %lt3A_364 = arith.cmpi slt, %iota3A, %lt3A_363 : vector<16xi32>
        %get3A_365 = arith.constant 0 : index
        %get3A_366 = tpu.vector_load %arg28[%get3A_365] {strides = array<i32>} : memref<1024xi32, #tpu.memory_space<vmem>>, vector<16xi32>,
        %jit3A_367 = arith.constant 0 : i32
        %broadcast_in_dim3A_368 = vector.broadcast %jit3A_367 : i32 to vector<16xi32>
        %select_n3A_369 = arith.select %lt3A_364, %get3A_366, %broadcast_in_dim3A_368 : vector<16xi1>, vector<16xi32>
        %jit3A_370 = arith.constant 2147483647 : i32
        %broadcast_in_dim3A_371 = vector.broadcast %jit3A_370 : i32 to vector<16xi32>
        %select_n3A_372 = arith.select %lt3A_364, %get3A_366, %broadcast_in_dim3A_371 : vector<16xi1>, vector<16xi32>
        %gather3A_373 = tpu.vector_load_idx %arg12[%select_n3A_369] : memref<4096xf32, #tpu.memory_space<vmem>>[vector<16xi32>], vector<16xf32>,
        %gather3A_374 = tpu.vector_load_idx %arg13[%select_n3A_369] : memref<4096xf32, #tpu.memory_space<vmem>>[vector<16xi32>], vector<16xf32>,
        %gather3A_375 = tpu.vector_load_idx %arg14[%select_n3A_369] : memref<4096xf32, #tpu.memory_space<vmem>>[vector<16xi32>], vector<16xf32>,
        %sub3A_376 = arith.subf %gather3A_373, %gather3A_357 : vector<16xf32>
        %abs3A = math.absf %sub3A_376 : vector<16xf32>
        %sub3A_377 = arith.subf %gather3A_374, %gather3A_358 : vector<16xf32>
        %abs3A_378 = math.absf %sub3A_377 : vector<16xf32>
        %add3A_379 = arith.addf %abs3A, %abs3A_378 : vector<16xf32>
        %sub3A_380 = arith.subf %gather3A_375, %gather3A_359 : vector<16xf32>
        %abs3A_381 = math.absf %sub3A_380 : vector<16xf32>
        %add3A_382 = arith.addf %add3A_379, %abs3A_381 : vector<16xf32>
        %jit3A_383 = arith.constant 0.000000e+00 : f32
        %broadcast_in_dim3A_384 = vector.broadcast %jit3A_383 : f32 to vector<16xf32>
        %select_n3A_385 = arith.select %lt3A_364, %add3A_382, %broadcast_in_dim3A_384 : vector<16xi1>, vector<16xf32>
        %le3A = arith.constant 16 : i32
        %le3A_386 = arith.cmpi sle, %parallel_loop3A_362, %le3A : i32
        %convert_element_type3A = arith.extui %le3A_386 : i1 to i32
        %cond3A = arith.constant 0 : i32
        %cond3A_387 = arith.constant 0 : i32
        %cond3A_388 = arith.cmpi ne, %convert_element_type3A, %cond3A_387 : i32
        %cond3A_389:2 = scf.if %cond3A_388 -> (vector<16xf32>, vector<16xf32>) {
          %sub3A_401 = arith.constant 0 : i32
          %sub3A_402 = vector.broadcast %sub3A_401 : i32 to vector<16xi32>
          %sub3A_403 = arith.subi %sub3A_402, %select_n3A_372 : vector<16xi32>
          %broadcast_in_dim3A_404 = arith.constant true
          %broadcast_in_dim3A_405 = vector.broadcast %broadcast_in_dim3A_404 : i1 to vector<16xi1>
          %masked_cummax3A = arith.constant -2147483648 : i32
          %masked_cummax3A_406 = vector.broadcast %masked_cummax3A : i32 to vector<16xi32>
          %masked_cummax3A_407 = arith.xori %sub3A_403, %masked_cummax3A_406 : vector<16xi32>
          %masked_cummax3A_408 = tpu.scan <max>, %masked_cummax3A_407 masked %broadcast_in_dim3A_405 : vector<16xi32>, vector<16xi1> -> vector<16xi32>
          %masked_cummax3A_409 = arith.xori %masked_cummax3A_408, %masked_cummax3A_406 : vector<16xi32>
          %slice3A_410 = vector.extract_strided_slice %masked_cummax3A_409 {offsets = [15], sizes = [1], strides = [1]} : vector<16xi32> to vector<1xi32>
          %squeeze3A_411 = vector.extract %slice3A_410[0] : i32 from vector<1xi32>
          %sub3A_412 = arith.constant 0 : i32
          %sub3A_413 = arith.subi %sub3A_412, %squeeze3A_411 : i32
          %eq3A_414 = vector.broadcast %sub3A_413 : i32 to vector<16xi32>
          %eq3A_415 = arith.cmpi eq, %select_n3A_372, %eq3A_414 : vector<16xi32>
          %jit3A_416 = arith.constant 0.000000e+00 : f32
          %broadcast_in_dim3A_417 = vector.broadcast %jit3A_416 : f32 to vector<16xf32>
          %select_n3A_418 = arith.select %eq3A_415, %select_n3A_385, %broadcast_in_dim3A_417 : vector<16xi1>, vector<16xf32>
          scf.yield %select_n3A_385, %select_n3A_418 : vector<16xf32>, vector<16xf32>
        } else {
          %masked_sort3A = arith.constant dense<true> : vector<16xi1>
          %masked_sort3A_401 = arith.constant -2147483648 : i32
          %masked_sort3A_402 = vector.broadcast %masked_sort3A_401 : i32 to vector<16xi32>
          %masked_sort3A_403 = arith.xori %select_n3A_372, %masked_sort3A_402 : vector<16xi32>
          %masked_sort3A_404, %masked_sort3A_405, %masked_sort3A_406 = tpu.sort %masked_sort3A_403, %select_n3A_385 masked %masked_sort3A : (vector<16xi32>, vector<16xf32>, vector<16xi1>) -> (vector<16xi1>, vector<16xi32>, vector<16xf32>)
          %masked_sort3A_407 = arith.xori %masked_sort3A_405, %masked_sort3A_402 : vector<16xi32>
          %add3A_408 = arith.constant 15 : i32
          %add3A_409 = arith.addi %parallel_loop3A_362, %add3A_408 : i32
          %jit3A_410 = arith.constant 16 : i32
          %div3A_411 = arith.divsi %add3A_409, %jit3A_410 : i32
          %sign3A_412 = arith.constant 0 : i32
          %sign3A_413 = arith.cmpi sgt, %add3A_409, %sign3A_412 : i32
          %sign3A_414 = arith.extui %sign3A_413 : i1 to i32
          %sign3A_415 = arith.constant 0 : i32
          %sign3A_416 = arith.cmpi slt, %add3A_409, %sign3A_415 : i32
          %sign3A_417 = arith.extui %sign3A_416 : i1 to i32
          %sign3A_418 = arith.subi %sign3A_414, %sign3A_417 : i32
          %sign3A_419 = arith.constant 0 : i32
          %sign3A_420 = arith.cmpi sgt, %jit3A_410, %sign3A_419 : i32
          %sign3A_421 = arith.extui %sign3A_420 : i1 to i32
          %sign3A_422 = arith.constant 0 : i32
          %sign3A_423 = arith.cmpi slt, %jit3A_410, %sign3A_422 : i32
          %sign3A_424 = arith.extui %sign3A_423 : i1 to i32
          %sign3A_425 = arith.subi %sign3A_421, %sign3A_424 : i32
          %ne3A_426 = arith.cmpi ne, %sign3A_418, %sign3A_425 : i32
          %rem3A_427 = arith.remsi %add3A_409, %jit3A_410 : i32
          %ne3A_428 = arith.constant 0 : i32
          %ne3A_429 = arith.cmpi ne, %rem3A_427, %ne3A_428 : i32
          %and3A_430 = arith.andi %ne3A_426, %ne3A_429 : i1
          %sub3A_431 = arith.constant 1 : i32
          %sub3A_432 = arith.subi %div3A_411, %sub3A_431 : i32
          %select_n3A_433 = arith.select %and3A_430, %sub3A_432, %div3A_411 : i32
          %while3A_434 = arith.constant 1 : i32
          %while3A_435 = arith.subi %select_n3A_433, %while3A_434 : i32
          %while3A_436 = arith.addi %while3A_434, %while3A_435 : i32
          %while3A_437 = arith.constant 1 : i32
          %while3A_438 = arith.divsi %while3A_435, %while3A_437 : i32
          %while3A_439 = arith.muli %while3A_438, %while3A_437 : i32
          %while3A_440 = arith.addi %while3A_434, %while3A_439 : i32
          %while3A_441 = arith.constant 1 : i32
          %while3A_442:2 = scf.for %while3A_451 = %while3A_434 to %while3A_440 step %while3A_441 iter_args(%while3A_452 = %masked_sort3A_407, %while3A_453 = %masked_sort3A_406) -> (vector<16xi32>, vector<16xf32>)  : i32 {
            %mul3A_454 = arith.constant 16 : i32
            %mul3A_455 = arith.muli %while3A_451, %mul3A_454 : i32
            %add3A_456 = vector.broadcast %mul3A_455 : i32 to vector<16xi32>
            %add3A_457 = arith.addi %add3A_456, %iota3A : vector<16xi32>
            %lt3A_458 = vector.broadcast %parallel_loop3A_362 : i32 to vector<16xi32>
            %lt3A_459 = arith.cmpi slt, %add3A_457, %lt3A_458 : vector<16xi32>
            %mul3A_460 = arith.constant 16 : i32
            %mul3A_461 = arith.muli %while3A_451, %mul3A_460 : i32
            %get3A_462 = arith.index_cast %mul3A_461 : i32 to index
            %get3A_463 = tpu.vector_load %arg28[%get3A_462] {strides = array<i32>} : memref<1024xi32, #tpu.memory_space<vmem>>, vector<16xi32>,
            %jit3A_464 = arith.constant 0 : i32
            %broadcast_in_dim3A_465 = vector.broadcast %jit3A_464 : i32 to vector<16xi32>
            %select_n3A_466 = arith.select %lt3A_459, %get3A_463, %broadcast_in_dim3A_465 : vector<16xi1>, vector<16xi32>
            %jit3A_467 = arith.constant 2147483647 : i32
            %broadcast_in_dim3A_468 = vector.broadcast %jit3A_467 : i32 to vector<16xi32>
            %select_n3A_469 = arith.select %lt3A_459, %get3A_463, %broadcast_in_dim3A_468 : vector<16xi1>, vector<16xi32>
            %gather3A_470 = tpu.vector_load_idx %arg12[%select_n3A_466] : memref<4096xf32, #tpu.memory_space<vmem>>[vector<16xi32>], vector<16xf32>,
            %gather3A_471 = tpu.vector_load_idx %arg13[%select_n3A_466] : memref<4096xf32, #tpu.memory_space<vmem>>[vector<16xi32>], vector<16xf32>,
            %gather3A_472 = tpu.vector_load_idx %arg14[%select_n3A_466] : memref<4096xf32, #tpu.memory_space<vmem>>[vector<16xi32>], vector<16xf32>,
            %sub3A_473 = arith.subf %gather3A_470, %gather3A_357 : vector<16xf32>
            %abs3A_474 = math.absf %sub3A_473 : vector<16xf32>
            %sub3A_475 = arith.subf %gather3A_471, %gather3A_358 : vector<16xf32>
            %abs3A_476 = math.absf %sub3A_475 : vector<16xf32>
            %add3A_477 = arith.addf %abs3A_474, %abs3A_476 : vector<16xf32>
            %sub3A_478 = arith.subf %gather3A_472, %gather3A_359 : vector<16xf32>
            %abs3A_479 = math.absf %sub3A_478 : vector<16xf32>
            %add3A_480 = arith.addf %add3A_477, %abs3A_479 : vector<16xf32>
            %jit3A_481 = arith.constant 0.000000e+00 : f32
            %broadcast_in_dim3A_482 = vector.broadcast %jit3A_481 : f32 to vector<16xf32>
            %select_n3A_483 = arith.select %lt3A_459, %add3A_480, %broadcast_in_dim3A_482 : vector<16xi1>, vector<16xf32>
            %masked_sort3A_484 = arith.constant dense<true> : vector<16xi1>
            %masked_sort3A_485 = arith.constant -2147483648 : i32
            %masked_sort3A_486 = vector.broadcast %masked_sort3A_485 : i32 to vector<16xi32>
            %masked_sort3A_487 = arith.xori %select_n3A_469, %masked_sort3A_486 : vector<16xi32>
            %masked_sort3A_488, %masked_sort3A_489, %masked_sort3A_490 = tpu.sort %masked_sort3A_487, %select_n3A_483 masked %masked_sort3A_484 : (vector<16xi32>, vector<16xf32>, vector<16xi1>) -> (vector<16xi1>, vector<16xi32>, vector<16xf32>)
            %masked_sort3A_491 = arith.xori %masked_sort3A_489, %masked_sort3A_486 : vector<16xi32>
            %rev3A = arith.constant 15 : i32
            %rev3A_492 = vector.broadcast %rev3A : i32 to vector<16xi32>
            %rev3A_493 = tpu.iota {dimensions = array<i32: 0>} : vector<16xi32>
            %rev3A_494 = arith.subi %rev3A_492, %rev3A_493 : vector<16xi32>
            %rev3A_495 = tpu.dynamic_gather %while3A_452[%rev3A_494] in [0] : vector<16xi32>, vector<16xi32> -> vector<16xi32>
            %rev3A_496 = arith.constant 15 : i32
            %rev3A_497 = vector.broadcast %rev3A_496 : i32 to vector<16xi32>
            %rev3A_498 = tpu.iota {dimensions = array<i32: 0>} : vector<16xi32>
            %rev3A_499 = arith.subi %rev3A_497, %rev3A_498 : vector<16xi32>
            %rev3A_500 = tpu.dynamic_gather %while3A_453[%rev3A_499] in [0] : vector<16xf32>, vector<16xi32> -> vector<16xf32>
            %le3A_501 = arith.cmpi sle, %masked_sort3A_491, %rev3A_495 : vector<16xi32>
            %select_n3A_502 = arith.select %le3A_501, %masked_sort3A_491, %rev3A_495 : vector<16xi1>, vector<16xi32>
            %select_n3A_503 = arith.select %le3A_501, %masked_sort3A_490, %rev3A_500 : vector<16xi1>, vector<16xf32>
            %masked_sort3A_504 = arith.constant dense<true> : vector<16xi1>
            %masked_sort3A_505 = arith.constant -2147483648 : i32
            %masked_sort3A_506 = vector.broadcast %masked_sort3A_505 : i32 to vector<16xi32>
            %masked_sort3A_507 = arith.xori %select_n3A_502, %masked_sort3A_506 : vector<16xi32>
            %masked_sort3A_508, %masked_sort3A_509, %masked_sort3A_510 = tpu.sort %masked_sort3A_507, %select_n3A_503 masked %masked_sort3A_504 : (vector<16xi32>, vector<16xf32>, vector<16xi1>) -> (vector<16xi1>, vector<16xi32>, vector<16xf32>)
            %masked_sort3A_511 = arith.xori %masked_sort3A_509, %masked_sort3A_506 : vector<16xi32>
            scf.yield %masked_sort3A_511, %masked_sort3A_510 : vector<16xi32>, vector<16xf32>
          }
          %while3A_443 = arith.constant 1 : i32
          %while3A_444:2 = scf.for %while3A_451 = %while3A_440 to %while3A_436 step %while3A_443 iter_args(%while3A_452 = %while3A_442#0, %while3A_453 = %while3A_442#1) -> (vector<16xi32>, vector<16xf32>)  : i32 {
            %mul3A_454 = arith.constant 16 : i32
            %mul3A_455 = arith.muli %while3A_451, %mul3A_454 : i32
            %add3A_456 = vector.broadcast %mul3A_455 : i32 to vector<16xi32>
            %add3A_457 = arith.addi %add3A_456, %iota3A : vector<16xi32>
            %lt3A_458 = vector.broadcast %parallel_loop3A_362 : i32 to vector<16xi32>
            %lt3A_459 = arith.cmpi slt, %add3A_457, %lt3A_458 : vector<16xi32>
            %mul3A_460 = arith.constant 16 : i32
            %mul3A_461 = arith.muli %while3A_451, %mul3A_460 : i32
            %get3A_462 = arith.index_cast %mul3A_461 : i32 to index
            %get3A_463 = tpu.vector_load %arg28[%get3A_462] {strides = array<i32>} : memref<1024xi32, #tpu.memory_space<vmem>>, vector<16xi32>,
            %jit3A_464 = arith.constant 0 : i32
            %broadcast_in_dim3A_465 = vector.broadcast %jit3A_464 : i32 to vector<16xi32>
            %select_n3A_466 = arith.select %lt3A_459, %get3A_463, %broadcast_in_dim3A_465 : vector<16xi1>, vector<16xi32>
            %jit3A_467 = arith.constant 2147483647 : i32
            %broadcast_in_dim3A_468 = vector.broadcast %jit3A_467 : i32 to vector<16xi32>
            %select_n3A_469 = arith.select %lt3A_459, %get3A_463, %broadcast_in_dim3A_468 : vector<16xi1>, vector<16xi32>
            %gather3A_470 = tpu.vector_load_idx %arg12[%select_n3A_466] : memref<4096xf32, #tpu.memory_space<vmem>>[vector<16xi32>], vector<16xf32>,
            %gather3A_471 = tpu.vector_load_idx %arg13[%select_n3A_466] : memref<4096xf32, #tpu.memory_space<vmem>>[vector<16xi32>], vector<16xf32>,
            %gather3A_472 = tpu.vector_load_idx %arg14[%select_n3A_466] : memref<4096xf32, #tpu.memory_space<vmem>>[vector<16xi32>], vector<16xf32>,
            %sub3A_473 = arith.subf %gather3A_470, %gather3A_357 : vector<16xf32>
            %abs3A_474 = math.absf %sub3A_473 : vector<16xf32>
            %sub3A_475 = arith.subf %gather3A_471, %gather3A_358 : vector<16xf32>
            %abs3A_476 = math.absf %sub3A_475 : vector<16xf32>
            %add3A_477 = arith.addf %abs3A_474, %abs3A_476 : vector<16xf32>
            %sub3A_478 = arith.subf %gather3A_472, %gather3A_359 : vector<16xf32>
            %abs3A_479 = math.absf %sub3A_478 : vector<16xf32>
            %add3A_480 = arith.addf %add3A_477, %abs3A_479 : vector<16xf32>
            %jit3A_481 = arith.constant 0.000000e+00 : f32
            %broadcast_in_dim3A_482 = vector.broadcast %jit3A_481 : f32 to vector<16xf32>
            %select_n3A_483 = arith.select %lt3A_459, %add3A_480, %broadcast_in_dim3A_482 : vector<16xi1>, vector<16xf32>
            %masked_sort3A_484 = arith.constant dense<true> : vector<16xi1>
            %masked_sort3A_485 = arith.constant -2147483648 : i32
            %masked_sort3A_486 = vector.broadcast %masked_sort3A_485 : i32 to vector<16xi32>
            %masked_sort3A_487 = arith.xori %select_n3A_469, %masked_sort3A_486 : vector<16xi32>
            %masked_sort3A_488, %masked_sort3A_489, %masked_sort3A_490 = tpu.sort %masked_sort3A_487, %select_n3A_483 masked %masked_sort3A_484 : (vector<16xi32>, vector<16xf32>, vector<16xi1>) -> (vector<16xi1>, vector<16xi32>, vector<16xf32>)
            %masked_sort3A_491 = arith.xori %masked_sort3A_489, %masked_sort3A_486 : vector<16xi32>
            %rev3A = arith.constant 15 : i32
            %rev3A_492 = vector.broadcast %rev3A : i32 to vector<16xi32>
            %rev3A_493 = tpu.iota {dimensions = array<i32: 0>} : vector<16xi32>
            %rev3A_494 = arith.subi %rev3A_492, %rev3A_493 : vector<16xi32>
            %rev3A_495 = tpu.dynamic_gather %while3A_452[%rev3A_494] in [0] : vector<16xi32>, vector<16xi32> -> vector<16xi32>
            %rev3A_496 = arith.constant 15 : i32
            %rev3A_497 = vector.broadcast %rev3A_496 : i32 to vector<16xi32>
            %rev3A_498 = tpu.iota {dimensions = array<i32: 0>} : vector<16xi32>
            %rev3A_499 = arith.subi %rev3A_497, %rev3A_498 : vector<16xi32>
            %rev3A_500 = tpu.dynamic_gather %while3A_453[%rev3A_499] in [0] : vector<16xf32>, vector<16xi32> -> vector<16xf32>
            %le3A_501 = arith.cmpi sle, %masked_sort3A_491, %rev3A_495 : vector<16xi32>
            %select_n3A_502 = arith.select %le3A_501, %masked_sort3A_491, %rev3A_495 : vector<16xi1>, vector<16xi32>
            %select_n3A_503 = arith.select %le3A_501, %masked_sort3A_490, %rev3A_500 : vector<16xi1>, vector<16xf32>
            %masked_sort3A_504 = arith.constant dense<true> : vector<16xi1>
            %masked_sort3A_505 = arith.constant -2147483648 : i32
            %masked_sort3A_506 = vector.broadcast %masked_sort3A_505 : i32 to vector<16xi32>
            %masked_sort3A_507 = arith.xori %select_n3A_502, %masked_sort3A_506 : vector<16xi32>
            %masked_sort3A_508, %masked_sort3A_509, %masked_sort3A_510 = tpu.sort %masked_sort3A_507, %select_n3A_503 masked %masked_sort3A_504 : (vector<16xi32>, vector<16xf32>, vector<16xi1>) -> (vector<16xi1>, vector<16xi32>, vector<16xf32>)
            %masked_sort3A_511 = arith.xori %masked_sort3A_509, %masked_sort3A_506 : vector<16xi32>
            scf.yield %masked_sort3A_511, %masked_sort3A_510 : vector<16xi32>, vector<16xf32>
          }
          %eq3A_445 = arith.constant 0 : i32
          %eq3A_446 = vector.broadcast %eq3A_445 : i32 to vector<16xi32>
          %eq3A_447 = arith.cmpi eq, %iota3A, %eq3A_446 : vector<16xi32>
          %jit3A_448 = arith.constant 0.000000e+00 : f32
          %broadcast_in_dim3A_449 = vector.broadcast %jit3A_448 : f32 to vector<16xf32>
          %select_n3A_450 = arith.select %eq3A_447, %while3A_444#1, %broadcast_in_dim3A_449 : vector<16xi1>, vector<16xf32>
          scf.yield %while3A_444#1, %select_n3A_450 : vector<16xf32>, vector<16xf32>
        }
        %broadcast_in_dim3A_390 = vector.broadcast %parallel_loop3A_362 : i32 to vector<16xi32>
        %sub3A_391 = arith.constant 16 : i32
        %sub3A_392 = vector.broadcast %sub3A_391 : i32 to vector<16xi32>
        %sub3A_393 = arith.subi %sub3A_392, %broadcast_in_dim3A_390 : vector<16xi32>
        %max3A_394 = arith.constant 0 : i32
        %max3A_395 = vector.broadcast %max3A_394 : i32 to vector<16xi32>
        %max3A_396 = arith.maxsi %sub3A_393, %max3A_395 : vector<16xi32>
        %convert_element_type3A_397 = arith.sitofp %max3A_396 : vector<16xi32> to vector<16xf32>
        %add3A_398 = arith.addf %while3A_349, %cond3A_389#0 : vector<16xf32>
        %mul3A_399 = arith.mulf %convert_element_type3A_397, %cond3A_389#1 : vector<16xf32>
        %add3A_400 = arith.addf %add3A_398, %mul3A_399 : vector<16xf32>
        scf.yield %add3A_400 : vector<16xf32>
      }
      %while3A_346 = arith.constant 1 : i32
      %while3A_347 = scf.for %while3A_348 = %while3A_343 to %while3A_339 step %while3A_346 iter_args(%while3A_349 = %while3A_345) -> (vector<16xf32>)  : i32 {
        %get3A_350 = arith.index_cast %while3A_348 : i32 to index
        %get3A_351 = tpu.vector_load %arg23[%get3A_350] {strides = array<i32>} : memref<4112xi32, #tpu.memory_space<vmem>>, vector<16xi32>,
        %slice3A_352 = vector.extract_strided_slice %get3A_351 {offsets = [0], sizes = [1], strides = [1]} : vector<16xi32> to vector<1xi32>
        %squeeze3A_353 = vector.extract %slice3A_352[0] : i32 from vector<1xi32>
        %broadcast_in_dim3A_354 = vector.broadcast %squeeze3A_353 : i32 to vector<16xi32>
        %gather3A = tpu.vector_load_idx %arg9[%broadcast_in_dim3A_354] : memref<4096xf32, #tpu.memory_space<vmem>>[vector<16xi32>], vector<16xf32>,
        %gather3A_355 = tpu.vector_load_idx %arg10[%broadcast_in_dim3A_354] : memref<4096xf32, #tpu.memory_space<vmem>>[vector<16xi32>], vector<16xf32>,
        %gather3A_356 = tpu.vector_load_idx %arg11[%broadcast_in_dim3A_354] : memref<4096xf32, #tpu.memory_space<vmem>>[vector<16xi32>], vector<16xf32>,
        %gather3A_357 = tpu.vector_load_idx %arg12[%broadcast_in_dim3A_354] : memref<4096xf32, #tpu.memory_space<vmem>>[vector<16xi32>], vector<16xf32>,
        %gather3A_358 = tpu.vector_load_idx %arg13[%broadcast_in_dim3A_354] : memref<4096xf32, #tpu.memory_space<vmem>>[vector<16xi32>], vector<16xf32>,
        %gather3A_359 = tpu.vector_load_idx %arg14[%broadcast_in_dim3A_354] : memref<4096xf32, #tpu.memory_space<vmem>>[vector<16xi32>], vector<16xf32>,
        %parallel_loop3A = arith.constant 0 : i32
        %parallel_loop3A_360 = arith.constant 1 : i32
        %parallel_loop3A_361 = arith.constant 0 : i32
        %parallel_loop3A_362 = scf.for %parallel_loop3A_401 = %parallel_loop3A to %select_n3A_337 step %parallel_loop3A_360 iter_args(%parallel_loop3A_402 = %parallel_loop3A_361) -> (i32)  : i32 {
          %parallel_loop3A_403 = arith.constant 16 : i32
          %parallel_loop3A_404 = arith.muli %parallel_loop3A_401, %parallel_loop3A_403 : i32
          %parallel_loop3A_405 = arith.constant 16 : i32
          %parallel_loop3A_406 = arith.muli %parallel_loop3A_401, %parallel_loop3A_405 : i32
          %parallel_loop3A_407 = vector.broadcast %parallel_loop3A_406 : i32 to vector<16xi32>
          %parallel_loop3A_408 = arith.addi %parallel_loop3A_407, %iota3A : vector<16xi32>
          %parallel_loop3A_409 = vector.broadcast %scan3A_310 : i32 to vector<16xi32>
          %parallel_loop3A_410 = arith.cmpi slt, %parallel_loop3A_408, %parallel_loop3A_409 : vector<16xi32>
          %parallel_loop3A_411 = arith.index_cast %parallel_loop3A_404 : i32 to index
          %parallel_loop3A_412 = tpu.vector_load %arg25[%parallel_loop3A_411] {strides = array<i32>} : memref<784xf32, #tpu.memory_space<vmem>>, vector<16xf32>,
          %parallel_loop3A_413 = arith.subf %parallel_loop3A_412, %gather3A : vector<16xf32>
          %parallel_loop3A_414 = arith.index_cast %parallel_loop3A_404 : i32 to index
          %parallel_loop3A_415 = tpu.vector_load %arg26[%parallel_loop3A_414] {strides = array<i32>} : memref<784xf32, #tpu.memory_space<vmem>>, vector<16xf32>,
          %parallel_loop3A_416 = arith.subf %parallel_loop3A_415, %gather3A_355 : vector<16xf32>
          %parallel_loop3A_417 = arith.index_cast %parallel_loop3A_404 : i32 to index
          %parallel_loop3A_418 = tpu.vector_load %arg27[%parallel_loop3A_417] {strides = array<i32>} : memref<784xf32, #tpu.memory_space<vmem>>, vector<16xf32>,
          %parallel_loop3A_419 = arith.subf %parallel_loop3A_418, %gather3A_356 : vector<16xf32>
          %parallel_loop3A_420 = arith.mulf %parallel_loop3A_413, %parallel_loop3A_413 : vector<16xf32>
          %parallel_loop3A_421 = arith.mulf %parallel_loop3A_416, %parallel_loop3A_416 : vector<16xf32>
          %parallel_loop3A_422 = arith.addf %parallel_loop3A_420, %parallel_loop3A_421 : vector<16xf32>
          %parallel_loop3A_423 = arith.mulf %parallel_loop3A_419, %parallel_loop3A_419 : vector<16xf32>
          %parallel_loop3A_424 = arith.addf %parallel_loop3A_422, %parallel_loop3A_423 : vector<16xf32>
          %parallel_loop3A_425 = arith.constant 0.00999999977 : f32
          %parallel_loop3A_426 = vector.broadcast %parallel_loop3A_425 : f32 to vector<16xf32>
          %parallel_loop3A_427 = arith.cmpf olt, %parallel_loop3A_424, %parallel_loop3A_426 : vector<16xf32>
          %parallel_loop3A_428 = arith.andi %parallel_loop3A_410, %parallel_loop3A_427 : vector<16xi1>
          %parallel_loop3A_429 = arith.index_cast %parallel_loop3A_404 : i32 to index
          %parallel_loop3A_430 = tpu.vector_load %arg24[%parallel_loop3A_429] {strides = array<i32>} : memref<784xi32, #tpu.memory_space<vmem>>, vector<16xi32>,
          %parallel_loop3A_431 = arith.index_cast %parallel_loop3A_402 : i32 to index
          %parallel_loop3A_432 = tpu.vector_load %arg28[%parallel_loop3A_431] masked %parallel_loop3A_428 {strides = array<i32>} : memref<1024xi32, #tpu.memory_space<vmem>>, vector<16xi32>, vector<16xi1>
          tpu.vector_store %arg28[%parallel_loop3A_431], %parallel_loop3A_430 masked %parallel_loop3A_428 {strides = array<i32>} : memref<1024xi32, #tpu.memory_space<vmem>>, vector<16xi32>, vector<16xi1>
          %parallel_loop3A_433 = tpu.all_reduce %parallel_loop3A_428 {dim = 0 : i64, kind = #tpu.reduction_kind<sum>} : vector<16xi1> -> vector<16xi32>
          %parallel_loop3A_434 = vector.extract_strided_slice %parallel_loop3A_433 {offsets = [0], sizes = [1], strides = [1]} : vector<16xi32> to vector<1xi32>
          %parallel_loop3A_435 = vector.extract %parallel_loop3A_434[0] : i32 from vector<1xi32>
          %parallel_loop3A_436 = arith.addi %parallel_loop3A_402, %parallel_loop3A_435 : i32
          %parallel_loop3A_437 = arith.constant 1008 : i32
          %parallel_loop3A_438 = arith.minsi %parallel_loop3A_436, %parallel_loop3A_437 : i32
          scf.yield %parallel_loop3A_438 : i32
        } {sc.loop_unroll_factor = 2 : i64, sc.parallel_access}
        %lt3A_363 = vector.broadcast %parallel_loop3A_362 : i32 to vector<16xi32>
        %lt3A_364 = arith.cmpi slt, %iota3A, %lt3A_363 : vector<16xi32>
        %get3A_365 = arith.constant 0 : index
        %get3A_366 = tpu.vector_load %arg28[%get3A_365] {strides = array<i32>} : memref<1024xi32, #tpu.memory_space<vmem>>, vector<16xi32>,
        %jit3A_367 = arith.constant 0 : i32
        %broadcast_in_dim3A_368 = vector.broadcast %jit3A_367 : i32 to vector<16xi32>
        %select_n3A_369 = arith.select %lt3A_364, %get3A_366, %broadcast_in_dim3A_368 : vector<16xi1>, vector<16xi32>
        %jit3A_370 = arith.constant 2147483647 : i32
        %broadcast_in_dim3A_371 = vector.broadcast %jit3A_370 : i32 to vector<16xi32>
        %select_n3A_372 = arith.select %lt3A_364, %get3A_366, %broadcast_in_dim3A_371 : vector<16xi1>, vector<16xi32>
        %gather3A_373 = tpu.vector_load_idx %arg12[%select_n3A_369] : memref<4096xf32, #tpu.memory_space<vmem>>[vector<16xi32>], vector<16xf32>,
        %gather3A_374 = tpu.vector_load_idx %arg13[%select_n3A_369] : memref<4096xf32, #tpu.memory_space<vmem>>[vector<16xi32>], vector<16xf32>,
        %gather3A_375 = tpu.vector_load_idx %arg14[%select_n3A_369] : memref<4096xf32, #tpu.memory_space<vmem>>[vector<16xi32>], vector<16xf32>,
        %sub3A_376 = arith.subf %gather3A_373, %gather3A_357 : vector<16xf32>
        %abs3A = math.absf %sub3A_376 : vector<16xf32>
        %sub3A_377 = arith.subf %gather3A_374, %gather3A_358 : vector<16xf32>
        %abs3A_378 = math.absf %sub3A_377 : vector<16xf32>
        %add3A_379 = arith.addf %abs3A, %abs3A_378 : vector<16xf32>
        %sub3A_380 = arith.subf %gather3A_375, %gather3A_359 : vector<16xf32>
        %abs3A_381 = math.absf %sub3A_380 : vector<16xf32>
        %add3A_382 = arith.addf %add3A_379, %abs3A_381 : vector<16xf32>
        %jit3A_383 = arith.constant 0.000000e+00 : f32
        %broadcast_in_dim3A_384 = vector.broadcast %jit3A_383 : f32 to vector<16xf32>
        %select_n3A_385 = arith.select %lt3A_364, %add3A_382, %broadcast_in_dim3A_384 : vector<16xi1>, vector<16xf32>
        %le3A = arith.constant 16 : i32
        %le3A_386 = arith.cmpi sle, %parallel_loop3A_362, %le3A : i32
        %convert_element_type3A = arith.extui %le3A_386 : i1 to i32
        %cond3A = arith.constant 0 : i32
        %cond3A_387 = arith.constant 0 : i32
        %cond3A_388 = arith.cmpi ne, %convert_element_type3A, %cond3A_387 : i32
        %cond3A_389:2 = scf.if %cond3A_388 -> (vector<16xf32>, vector<16xf32>) {
          %sub3A_401 = arith.constant 0 : i32
          %sub3A_402 = vector.broadcast %sub3A_401 : i32 to vector<16xi32>
          %sub3A_403 = arith.subi %sub3A_402, %select_n3A_372 : vector<16xi32>
          %broadcast_in_dim3A_404 = arith.constant true
          %broadcast_in_dim3A_405 = vector.broadcast %broadcast_in_dim3A_404 : i1 to vector<16xi1>
          %masked_cummax3A = arith.constant -2147483648 : i32
          %masked_cummax3A_406 = vector.broadcast %masked_cummax3A : i32 to vector<16xi32>
          %masked_cummax3A_407 = arith.xori %sub3A_403, %masked_cummax3A_406 : vector<16xi32>
          %masked_cummax3A_408 = tpu.scan <max>, %masked_cummax3A_407 masked %broadcast_in_dim3A_405 : vector<16xi32>, vector<16xi1> -> vector<16xi32>
          %masked_cummax3A_409 = arith.xori %masked_cummax3A_408, %masked_cummax3A_406 : vector<16xi32>
          %slice3A_410 = vector.extract_strided_slice %masked_cummax3A_409 {offsets = [15], sizes = [1], strides = [1]} : vector<16xi32> to vector<1xi32>
          %squeeze3A_411 = vector.extract %slice3A_410[0] : i32 from vector<1xi32>
          %sub3A_412 = arith.constant 0 : i32
          %sub3A_413 = arith.subi %sub3A_412, %squeeze3A_411 : i32
          %eq3A_414 = vector.broadcast %sub3A_413 : i32 to vector<16xi32>
          %eq3A_415 = arith.cmpi eq, %select_n3A_372, %eq3A_414 : vector<16xi32>
          %jit3A_416 = arith.constant 0.000000e+00 : f32
          %broadcast_in_dim3A_417 = vector.broadcast %jit3A_416 : f32 to vector<16xf32>
          %select_n3A_418 = arith.select %eq3A_415, %select_n3A_385, %broadcast_in_dim3A_417 : vector<16xi1>, vector<16xf32>
          scf.yield %select_n3A_385, %select_n3A_418 : vector<16xf32>, vector<16xf32>
        } else {
          %masked_sort3A = arith.constant dense<true> : vector<16xi1>
          %masked_sort3A_401 = arith.constant -2147483648 : i32
          %masked_sort3A_402 = vector.broadcast %masked_sort3A_401 : i32 to vector<16xi32>
          %masked_sort3A_403 = arith.xori %select_n3A_372, %masked_sort3A_402 : vector<16xi32>
          %masked_sort3A_404, %masked_sort3A_405, %masked_sort3A_406 = tpu.sort %masked_sort3A_403, %select_n3A_385 masked %masked_sort3A : (vector<16xi32>, vector<16xf32>, vector<16xi1>) -> (vector<16xi1>, vector<16xi32>, vector<16xf32>)
          %masked_sort3A_407 = arith.xori %masked_sort3A_405, %masked_sort3A_402 : vector<16xi32>
          %add3A_408 = arith.constant 15 : i32
          %add3A_409 = arith.addi %parallel_loop3A_362, %add3A_408 : i32
          %jit3A_410 = arith.constant 16 : i32
          %div3A_411 = arith.divsi %add3A_409, %jit3A_410 : i32
          %sign3A_412 = arith.constant 0 : i32
          %sign3A_413 = arith.cmpi sgt, %add3A_409, %sign3A_412 : i32
          %sign3A_414 = arith.extui %sign3A_413 : i1 to i32
          %sign3A_415 = arith.constant 0 : i32
          %sign3A_416 = arith.cmpi slt, %add3A_409, %sign3A_415 : i32
          %sign3A_417 = arith.extui %sign3A_416 : i1 to i32
          %sign3A_418 = arith.subi %sign3A_414, %sign3A_417 : i32
          %sign3A_419 = arith.constant 0 : i32
          %sign3A_420 = arith.cmpi sgt, %jit3A_410, %sign3A_419 : i32
          %sign3A_421 = arith.extui %sign3A_420 : i1 to i32
          %sign3A_422 = arith.constant 0 : i32
          %sign3A_423 = arith.cmpi slt, %jit3A_410, %sign3A_422 : i32
          %sign3A_424 = arith.extui %sign3A_423 : i1 to i32
          %sign3A_425 = arith.subi %sign3A_421, %sign3A_424 : i32
          %ne3A_426 = arith.cmpi ne, %sign3A_418, %sign3A_425 : i32
          %rem3A_427 = arith.remsi %add3A_409, %jit3A_410 : i32
          %ne3A_428 = arith.constant 0 : i32
          %ne3A_429 = arith.cmpi ne, %rem3A_427, %ne3A_428 : i32
          %and3A_430 = arith.andi %ne3A_426, %ne3A_429 : i1
          %sub3A_431 = arith.constant 1 : i32
          %sub3A_432 = arith.subi %div3A_411, %sub3A_431 : i32
          %select_n3A_433 = arith.select %and3A_430, %sub3A_432, %div3A_411 : i32
          %while3A_434 = arith.constant 1 : i32
          %while3A_435 = arith.subi %select_n3A_433, %while3A_434 : i32
          %while3A_436 = arith.addi %while3A_434, %while3A_435 : i32
          %while3A_437 = arith.constant 1 : i32
          %while3A_438 = arith.divsi %while3A_435, %while3A_437 : i32
          %while3A_439 = arith.muli %while3A_438, %while3A_437 : i32
          %while3A_440 = arith.addi %while3A_434, %while3A_439 : i32
          %while3A_441 = arith.constant 1 : i32
          %while3A_442:2 = scf.for %while3A_451 = %while3A_434 to %while3A_440 step %while3A_441 iter_args(%while3A_452 = %masked_sort3A_407, %while3A_453 = %masked_sort3A_406) -> (vector<16xi32>, vector<16xf32>)  : i32 {
            %mul3A_454 = arith.constant 16 : i32
            %mul3A_455 = arith.muli %while3A_451, %mul3A_454 : i32
            %add3A_456 = vector.broadcast %mul3A_455 : i32 to vector<16xi32>
            %add3A_457 = arith.addi %add3A_456, %iota3A : vector<16xi32>
            %lt3A_458 = vector.broadcast %parallel_loop3A_362 : i32 to vector<16xi32>
            %lt3A_459 = arith.cmpi slt, %add3A_457, %lt3A_458 : vector<16xi32>
            %mul3A_460 = arith.constant 16 : i32
            %mul3A_461 = arith.muli %while3A_451, %mul3A_460 : i32
            %get3A_462 = arith.index_cast %mul3A_461 : i32 to index
            %get3A_463 = tpu.vector_load %arg28[%get3A_462] {strides = array<i32>} : memref<1024xi32, #tpu.memory_space<vmem>>, vector<16xi32>,
            %jit3A_464 = arith.constant 0 : i32
            %broadcast_in_dim3A_465 = vector.broadcast %jit3A_464 : i32 to vector<16xi32>
            %select_n3A_466 = arith.select %lt3A_459, %get3A_463, %broadcast_in_dim3A_465 : vector<16xi1>, vector<16xi32>
            %jit3A_467 = arith.constant 2147483647 : i32
            %broadcast_in_dim3A_468 = vector.broadcast %jit3A_467 : i32 to vector<16xi32>
            %select_n3A_469 = arith.select %lt3A_459, %get3A_463, %broadcast_in_dim3A_468 : vector<16xi1>, vector<16xi32>
            %gather3A_470 = tpu.vector_load_idx %arg12[%select_n3A_466] : memref<4096xf32, #tpu.memory_space<vmem>>[vector<16xi32>], vector<16xf32>,
            %gather3A_471 = tpu.vector_load_idx %arg13[%select_n3A_466] : memref<4096xf32, #tpu.memory_space<vmem>>[vector<16xi32>], vector<16xf32>,
            %gather3A_472 = tpu.vector_load_idx %arg14[%select_n3A_466] : memref<4096xf32, #tpu.memory_space<vmem>>[vector<16xi32>], vector<16xf32>,
            %sub3A_473 = arith.subf %gather3A_470, %gather3A_357 : vector<16xf32>
            %abs3A_474 = math.absf %sub3A_473 : vector<16xf32>
            %sub3A_475 = arith.subf %gather3A_471, %gather3A_358 : vector<16xf32>
            %abs3A_476 = math.absf %sub3A_475 : vector<16xf32>
            %add3A_477 = arith.addf %abs3A_474, %abs3A_476 : vector<16xf32>
            %sub3A_478 = arith.subf %gather3A_472, %gather3A_359 : vector<16xf32>
            %abs3A_479 = math.absf %sub3A_478 : vector<16xf32>
            %add3A_480 = arith.addf %add3A_477, %abs3A_479 : vector<16xf32>
            %jit3A_481 = arith.constant 0.000000e+00 : f32
            %broadcast_in_dim3A_482 = vector.broadcast %jit3A_481 : f32 to vector<16xf32>
            %select_n3A_483 = arith.select %lt3A_459, %add3A_480, %broadcast_in_dim3A_482 : vector<16xi1>, vector<16xf32>
            %masked_sort3A_484 = arith.constant dense<true> : vector<16xi1>
            %masked_sort3A_485 = arith.constant -2147483648 : i32
            %masked_sort3A_486 = vector.broadcast %masked_sort3A_485 : i32 to vector<16xi32>
            %masked_sort3A_487 = arith.xori %select_n3A_469, %masked_sort3A_486 : vector<16xi32>
            %masked_sort3A_488, %masked_sort3A_489, %masked_sort3A_490 = tpu.sort %masked_sort3A_487, %select_n3A_483 masked %masked_sort3A_484 : (vector<16xi32>, vector<16xf32>, vector<16xi1>) -> (vector<16xi1>, vector<16xi32>, vector<16xf32>)
            %masked_sort3A_491 = arith.xori %masked_sort3A_489, %masked_sort3A_486 : vector<16xi32>
            %rev3A = arith.constant 15 : i32
            %rev3A_492 = vector.broadcast %rev3A : i32 to vector<16xi32>
            %rev3A_493 = tpu.iota {dimensions = array<i32: 0>} : vector<16xi32>
            %rev3A_494 = arith.subi %rev3A_492, %rev3A_493 : vector<16xi32>
            %rev3A_495 = tpu.dynamic_gather %while3A_452[%rev3A_494] in [0] : vector<16xi32>, vector<16xi32> -> vector<16xi32>
            %rev3A_496 = arith.constant 15 : i32
            %rev3A_497 = vector.broadcast %rev3A_496 : i32 to vector<16xi32>
            %rev3A_498 = tpu.iota {dimensions = array<i32: 0>} : vector<16xi32>
            %rev3A_499 = arith.subi %rev3A_497, %rev3A_498 : vector<16xi32>
            %rev3A_500 = tpu.dynamic_gather %while3A_453[%rev3A_499] in [0] : vector<16xf32>, vector<16xi32> -> vector<16xf32>
            %le3A_501 = arith.cmpi sle, %masked_sort3A_491, %rev3A_495 : vector<16xi32>
            %select_n3A_502 = arith.select %le3A_501, %masked_sort3A_491, %rev3A_495 : vector<16xi1>, vector<16xi32>
            %select_n3A_503 = arith.select %le3A_501, %masked_sort3A_490, %rev3A_500 : vector<16xi1>, vector<16xf32>
            %masked_sort3A_504 = arith.constant dense<true> : vector<16xi1>
            %masked_sort3A_505 = arith.constant -2147483648 : i32
            %masked_sort3A_506 = vector.broadcast %masked_sort3A_505 : i32 to vector<16xi32>
            %masked_sort3A_507 = arith.xori %select_n3A_502, %masked_sort3A_506 : vector<16xi32>
            %masked_sort3A_508, %masked_sort3A_509, %masked_sort3A_510 = tpu.sort %masked_sort3A_507, %select_n3A_503 masked %masked_sort3A_504 : (vector<16xi32>, vector<16xf32>, vector<16xi1>) -> (vector<16xi1>, vector<16xi32>, vector<16xf32>)
            %masked_sort3A_511 = arith.xori %masked_sort3A_509, %masked_sort3A_506 : vector<16xi32>
            scf.yield %masked_sort3A_511, %masked_sort3A_510 : vector<16xi32>, vector<16xf32>
          }
          %while3A_443 = arith.constant 1 : i32
          %while3A_444:2 = scf.for %while3A_451 = %while3A_440 to %while3A_436 step %while3A_443 iter_args(%while3A_452 = %while3A_442#0, %while3A_453 = %while3A_442#1) -> (vector<16xi32>, vector<16xf32>)  : i32 {
            %mul3A_454 = arith.constant 16 : i32
            %mul3A_455 = arith.muli %while3A_451, %mul3A_454 : i32
            %add3A_456 = vector.broadcast %mul3A_455 : i32 to vector<16xi32>
            %add3A_457 = arith.addi %add3A_456, %iota3A : vector<16xi32>
            %lt3A_458 = vector.broadcast %parallel_loop3A_362 : i32 to vector<16xi32>
            %lt3A_459 = arith.cmpi slt, %add3A_457, %lt3A_458 : vector<16xi32>
            %mul3A_460 = arith.constant 16 : i32
            %mul3A_461 = arith.muli %while3A_451, %mul3A_460 : i32
            %get3A_462 = arith.index_cast %mul3A_461 : i32 to index
            %get3A_463 = tpu.vector_load %arg28[%get3A_462] {strides = array<i32>} : memref<1024xi32, #tpu.memory_space<vmem>>, vector<16xi32>,
            %jit3A_464 = arith.constant 0 : i32
            %broadcast_in_dim3A_465 = vector.broadcast %jit3A_464 : i32 to vector<16xi32>
            %select_n3A_466 = arith.select %lt3A_459, %get3A_463, %broadcast_in_dim3A_465 : vector<16xi1>, vector<16xi32>
            %jit3A_467 = arith.constant 2147483647 : i32
            %broadcast_in_dim3A_468 = vector.broadcast %jit3A_467 : i32 to vector<16xi32>
            %select_n3A_469 = arith.select %lt3A_459, %get3A_463, %broadcast_in_dim3A_468 : vector<16xi1>, vector<16xi32>
            %gather3A_470 = tpu.vector_load_idx %arg12[%select_n3A_466] : memref<4096xf32, #tpu.memory_space<vmem>>[vector<16xi32>], vector<16xf32>,
            %gather3A_471 = tpu.vector_load_idx %arg13[%select_n3A_466] : memref<4096xf32, #tpu.memory_space<vmem>>[vector<16xi32>], vector<16xf32>,
            %gather3A_472 = tpu.vector_load_idx %arg14[%select_n3A_466] : memref<4096xf32, #tpu.memory_space<vmem>>[vector<16xi32>], vector<16xf32>,
            %sub3A_473 = arith.subf %gather3A_470, %gather3A_357 : vector<16xf32>
            %abs3A_474 = math.absf %sub3A_473 : vector<16xf32>
            %sub3A_475 = arith.subf %gather3A_471, %gather3A_358 : vector<16xf32>
            %abs3A_476 = math.absf %sub3A_475 : vector<16xf32>
            %add3A_477 = arith.addf %abs3A_474, %abs3A_476 : vector<16xf32>
            %sub3A_478 = arith.subf %gather3A_472, %gather3A_359 : vector<16xf32>
            %abs3A_479 = math.absf %sub3A_478 : vector<16xf32>
            %add3A_480 = arith.addf %add3A_477, %abs3A_479 : vector<16xf32>
            %jit3A_481 = arith.constant 0.000000e+00 : f32
            %broadcast_in_dim3A_482 = vector.broadcast %jit3A_481 : f32 to vector<16xf32>
            %select_n3A_483 = arith.select %lt3A_459, %add3A_480, %broadcast_in_dim3A_482 : vector<16xi1>, vector<16xf32>
            %masked_sort3A_484 = arith.constant dense<true> : vector<16xi1>
            %masked_sort3A_485 = arith.constant -2147483648 : i32
            %masked_sort3A_486 = vector.broadcast %masked_sort3A_485 : i32 to vector<16xi32>
            %masked_sort3A_487 = arith.xori %select_n3A_469, %masked_sort3A_486 : vector<16xi32>
            %masked_sort3A_488, %masked_sort3A_489, %masked_sort3A_490 = tpu.sort %masked_sort3A_487, %select_n3A_483 masked %masked_sort3A_484 : (vector<16xi32>, vector<16xf32>, vector<16xi1>) -> (vector<16xi1>, vector<16xi32>, vector<16xf32>)
            %masked_sort3A_491 = arith.xori %masked_sort3A_489, %masked_sort3A_486 : vector<16xi32>
            %rev3A = arith.constant 15 : i32
            %rev3A_492 = vector.broadcast %rev3A : i32 to vector<16xi32>
            %rev3A_493 = tpu.iota {dimensions = array<i32: 0>} : vector<16xi32>
            %rev3A_494 = arith.subi %rev3A_492, %rev3A_493 : vector<16xi32>
            %rev3A_495 = tpu.dynamic_gather %while3A_452[%rev3A_494] in [0] : vector<16xi32>, vector<16xi32> -> vector<16xi32>
            %rev3A_496 = arith.constant 15 : i32
            %rev3A_497 = vector.broadcast %rev3A_496 : i32 to vector<16xi32>
            %rev3A_498 = tpu.iota {dimensions = array<i32: 0>} : vector<16xi32>
            %rev3A_499 = arith.subi %rev3A_497, %rev3A_498 : vector<16xi32>
            %rev3A_500 = tpu.dynamic_gather %while3A_453[%rev3A_499] in [0] : vector<16xf32>, vector<16xi32> -> vector<16xf32>
            %le3A_501 = arith.cmpi sle, %masked_sort3A_491, %rev3A_495 : vector<16xi32>
            %select_n3A_502 = arith.select %le3A_501, %masked_sort3A_491, %rev3A_495 : vector<16xi1>, vector<16xi32>
            %select_n3A_503 = arith.select %le3A_501, %masked_sort3A_490, %rev3A_500 : vector<16xi1>, vector<16xf32>
            %masked_sort3A_504 = arith.constant dense<true> : vector<16xi1>
            %masked_sort3A_505 = arith.constant -2147483648 : i32
            %masked_sort3A_506 = vector.broadcast %masked_sort3A_505 : i32 to vector<16xi32>
            %masked_sort3A_507 = arith.xori %select_n3A_502, %masked_sort3A_506 : vector<16xi32>
            %masked_sort3A_508, %masked_sort3A_509, %masked_sort3A_510 = tpu.sort %masked_sort3A_507, %select_n3A_503 masked %masked_sort3A_504 : (vector<16xi32>, vector<16xf32>, vector<16xi1>) -> (vector<16xi1>, vector<16xi32>, vector<16xf32>)
            %masked_sort3A_511 = arith.xori %masked_sort3A_509, %masked_sort3A_506 : vector<16xi32>
            scf.yield %masked_sort3A_511, %masked_sort3A_510 : vector<16xi32>, vector<16xf32>
          }
          %eq3A_445 = arith.constant 0 : i32
          %eq3A_446 = vector.broadcast %eq3A_445 : i32 to vector<16xi32>
          %eq3A_447 = arith.cmpi eq, %iota3A, %eq3A_446 : vector<16xi32>
          %jit3A_448 = arith.constant 0.000000e+00 : f32
          %broadcast_in_dim3A_449 = vector.broadcast %jit3A_448 : f32 to vector<16xf32>
          %select_n3A_450 = arith.select %eq3A_447, %while3A_444#1, %broadcast_in_dim3A_449 : vector<16xi1>, vector<16xf32>
          scf.yield %while3A_444#1, %select_n3A_450 : vector<16xf32>, vector<16xf32>
        }
        %broadcast_in_dim3A_390 = vector.broadcast %parallel_loop3A_362 : i32 to vector<16xi32>
        %sub3A_391 = arith.constant 16 : i32
        %sub3A_392 = vector.broadcast %sub3A_391 : i32 to vector<16xi32>
        %sub3A_393 = arith.subi %sub3A_392, %broadcast_in_dim3A_390 : vector<16xi32>
        %max3A_394 = arith.constant 0 : i32
        %max3A_395 = vector.broadcast %max3A_394 : i32 to vector<16xi32>
        %max3A_396 = arith.maxsi %sub3A_393, %max3A_395 : vector<16xi32>
        %convert_element_type3A_397 = arith.sitofp %max3A_396 : vector<16xi32> to vector<16xf32>
        %add3A_398 = arith.addf %while3A_349, %cond3A_389#0 : vector<16xf32>
        %mul3A_399 = arith.mulf %convert_element_type3A_397, %cond3A_389#1 : vector<16xf32>
        %add3A_400 = arith.addf %add3A_398, %mul3A_399 : vector<16xf32>
        scf.yield %add3A_400 : vector<16xf32>
      }
      scf.yield %while3A_347 : vector<16xf32>
    }
    %while3A_190 = arith.constant 1 : i32
    %while3A_191 = scf.for %while3A_198 = %while3A_187 to %while3A_183 step %while3A_190 iter_args(%while3A_199 = %while3A_189) -> (vector<16xf32>)  : i32 {
      %jit3A_200 = arith.constant 5 : i32
      %eq3A_201 = arith.constant 0 : i32
      %eq3A_202 = arith.cmpi eq, %jit3A_200, %eq3A_201 : i32
      %jit3A_203 = arith.constant 1 : i32
      %select_n3A_204 = arith.select %eq3A_202, %jit3A_203, %jit3A_200 : i32
      %rem3A_205 = arith.remsi %while3A_198, %select_n3A_204 : i32
      %ne3A_206 = arith.constant 0 : i32
      %ne3A_207 = arith.cmpi ne, %rem3A_205, %ne3A_206 : i32
      %lt3A_208 = arith.constant 0 : i32
      %lt3A_209 = arith.cmpi slt, %rem3A_205, %lt3A_208 : i32
      %lt3A_210 = arith.constant 0 : i32
      %lt3A_211 = arith.cmpi slt, %select_n3A_204, %lt3A_210 : i32
      %ne3A_212 = arith.xori %lt3A_209, %lt3A_211 : i1
      %and3A_213 = arith.andi %ne3A_212, %ne3A_207 : i1
      %add3A_214 = arith.addi %rem3A_205, %select_n3A_204 : i32
      %select_n3A_215 = arith.select %and3A_213, %add3A_214, %rem3A_205 : i32
      %jit3A_216 = arith.constant 5 : i32
      %div3A_217 = arith.divsi %while3A_198, %jit3A_216 : i32
      %sign3A_218 = arith.constant 0 : i32
      %sign3A_219 = arith.cmpi sgt, %while3A_198, %sign3A_218 : i32
      %sign3A_220 = arith.extui %sign3A_219 : i1 to i32
      %sign3A_221 = arith.constant 0 : i32
      %sign3A_222 = arith.cmpi slt, %while3A_198, %sign3A_221 : i32
      %sign3A_223 = arith.extui %sign3A_222 : i1 to i32
      %sign3A_224 = arith.subi %sign3A_220, %sign3A_223 : i32
      %sign3A_225 = arith.constant 0 : i32
      %sign3A_226 = arith.cmpi sgt, %jit3A_216, %sign3A_225 : i32
      %sign3A_227 = arith.extui %sign3A_226 : i1 to i32
      %sign3A_228 = arith.constant 0 : i32
      %sign3A_229 = arith.cmpi slt, %jit3A_216, %sign3A_228 : i32
      %sign3A_230 = arith.extui %sign3A_229 : i1 to i32
      %sign3A_231 = arith.subi %sign3A_227, %sign3A_230 : i32
      %ne3A_232 = arith.cmpi ne, %sign3A_224, %sign3A_231 : i32
      %rem3A_233 = arith.remsi %while3A_198, %jit3A_216 : i32
      %ne3A_234 = arith.constant 0 : i32
      %ne3A_235 = arith.cmpi ne, %rem3A_233, %ne3A_234 : i32
      %and3A_236 = arith.andi %ne3A_232, %ne3A_235 : i1
      %sub3A_237 = arith.constant 1 : i32
      %sub3A_238 = arith.subi %div3A_217, %sub3A_237 : i32
      %select_n3A_239 = arith.select %and3A_236, %sub3A_238, %div3A_217 : i32
      %jit3A_240 = arith.constant 10 : i32
      %eq3A_241 = arith.constant 0 : i32
      %eq3A_242 = arith.cmpi eq, %jit3A_240, %eq3A_241 : i32
      %jit3A_243 = arith.constant 1 : i32
      %select_n3A_244 = arith.select %eq3A_242, %jit3A_243, %jit3A_240 : i32
      %rem3A_245 = arith.remsi %select_n3A_239, %select_n3A_244 : i32
      %ne3A_246 = arith.constant 0 : i32
      %ne3A_247 = arith.cmpi ne, %rem3A_245, %ne3A_246 : i32
      %lt3A_248 = arith.constant 0 : i32
      %lt3A_249 = arith.cmpi slt, %rem3A_245, %lt3A_248 : i32
      %lt3A_250 = arith.constant 0 : i32
      %lt3A_251 = arith.cmpi slt, %select_n3A_244, %lt3A_250 : i32
      %ne3A_252 = arith.xori %lt3A_249, %lt3A_251 : i1
      %and3A_253 = arith.andi %ne3A_252, %ne3A_247 : i1
      %add3A_254 = arith.addi %rem3A_245, %select_n3A_244 : i32
      %select_n3A_255 = arith.select %and3A_253, %add3A_254, %rem3A_245 : i32
      %jit3A_256 = arith.constant 10 : i32
      %div3A_257 = arith.divsi %select_n3A_239, %jit3A_256 : i32
      %sign3A_258 = arith.constant 0 : i32
      %sign3A_259 = arith.cmpi sgt, %select_n3A_239, %sign3A_258 : i32
      %sign3A_260 = arith.extui %sign3A_259 : i1 to i32
      %sign3A_261 = arith.constant 0 : i32
      %sign3A_262 = arith.cmpi slt, %select_n3A_239, %sign3A_261 : i32
      %sign3A_263 = arith.extui %sign3A_262 : i1 to i32
      %sign3A_264 = arith.subi %sign3A_260, %sign3A_263 : i32
      %sign3A_265 = arith.constant 0 : i32
      %sign3A_266 = arith.cmpi sgt, %jit3A_256, %sign3A_265 : i32
      %sign3A_267 = arith.extui %sign3A_266 : i1 to i32
      %sign3A_268 = arith.constant 0 : i32
      %sign3A_269 = arith.cmpi slt, %jit3A_256, %sign3A_268 : i32
      %sign3A_270 = arith.extui %sign3A_269 : i1 to i32
      %sign3A_271 = arith.subi %sign3A_267, %sign3A_270 : i32
      %ne3A_272 = arith.cmpi ne, %sign3A_264, %sign3A_271 : i32
      %rem3A_273 = arith.remsi %select_n3A_239, %jit3A_256 : i32
      %ne3A_274 = arith.constant 0 : i32
      %ne3A_275 = arith.cmpi ne, %rem3A_273, %ne3A_274 : i32
      %and3A_276 = arith.andi %ne3A_272, %ne3A_275 : i1
      %sub3A_277 = arith.constant 1 : i32
      %sub3A_278 = arith.subi %div3A_257, %sub3A_277 : i32
      %select_n3A_279 = arith.select %and3A_276, %sub3A_278, %div3A_257 : i32
      %mul3A_280 = arith.constant 10 : i32
      %mul3A_281 = arith.muli %select_n3A_279, %mul3A_280 : i32
      %add3A_282 = arith.addi %mul3A_281, %select_n3A_255 : i32
      %mul3A_283 = arith.constant 10 : i32
      %mul3A_284 = arith.muli %add3A_282, %mul3A_283 : i32
      %mul3A_285 = arith.constant 2 : i32
      %mul3A_286 = arith.muli %mul3A_285, %select_n3A_215 : i32
      %add3A_287 = arith.addi %mul3A_284, %mul3A_286 : i32
      %mul3A_288 = arith.constant 2 : i32
      %mul3A_289 = arith.muli %mul3A_288, %select_n3A_215 : i32
      %sub3A_290 = arith.constant 1 : i32
      %sub3A_291 = arith.subi %mul3A_289, %sub3A_290 : i32
      %max3A = arith.constant 0 : i32
      %max3A_292 = arith.maxsi %sub3A_291, %max3A : i32
      %mul3A_293 = arith.constant 2 : i32
      %mul3A_294 = arith.muli %mul3A_293, %select_n3A_215 : i32
      %add3A_295 = arith.constant 2 : i32
      %add3A_296 = arith.addi %mul3A_294, %add3A_295 : i32
      %min3A = arith.constant 9 : i32
      %min3A_297 = arith.minsi %add3A_296, %min3A : i32
      %get3A = arith.index_cast %add3A_287 : i32 to index
      %get3A_298 = tpu.vector_load %arg19[%get3A] {strides = array<i32>} : memref<1024xi32, #tpu.memory_space<vmem>>, vector<16xi32>,
      %slice3A = vector.extract_strided_slice %get3A_298 {offsets = [0], sizes = [1], strides = [1]} : vector<16xi32> to vector<1xi32>
      %squeeze3A = vector.extract %slice3A[0] : i32 from vector<1xi32>
      %add3A_299 = arith.constant 2 : i32
      %add3A_300 = arith.addi %add3A_287, %add3A_299 : i32
      %get3A_301 = arith.index_cast %add3A_300 : i32 to index
      %get3A_302 = tpu.vector_load %arg19[%get3A_301] {strides = array<i32>} : memref<1024xi32, #tpu.memory_space<vmem>>, vector<16xi32>,
      %slice3A_303 = vector.extract_strided_slice %get3A_302 {offsets = [0], sizes = [1], strides = [1]} : vector<16xi32> to vector<1xi32>
      %squeeze3A_304 = vector.extract %slice3A_303[0] : i32 from vector<1xi32>
      %scan3A_305 = arith.constant 0 : i32
      %scan3A_306 = arith.constant 0 : i32
      %scan3A_307 = arith.constant 9 : i32
      %scan3A_308 = arith.addi %scan3A_306, %scan3A_307 : i32
      %scan3A_309 = arith.constant 1 : i32
      %scan3A_310 = scf.for %scan3A_348 = %scan3A_306 to %scan3A_308 step %scan3A_309 iter_args(%scan3A_349 = %scan3A_305) -> (i32)  : i32 {
        %jit3A_350 = arith.constant 3 : i32
        %div3A_351 = arith.divsi %scan3A_348, %jit3A_350 : i32
        %sign3A_352 = arith.constant 0 : i32
        %sign3A_353 = arith.cmpi sgt, %scan3A_348, %sign3A_352 : i32
        %sign3A_354 = arith.extui %sign3A_353 : i1 to i32
        %sign3A_355 = arith.constant 0 : i32
        %sign3A_356 = arith.cmpi slt, %scan3A_348, %sign3A_355 : i32
        %sign3A_357 = arith.extui %sign3A_356 : i1 to i32
        %sign3A_358 = arith.subi %sign3A_354, %sign3A_357 : i32
        %sign3A_359 = arith.constant 0 : i32
        %sign3A_360 = arith.cmpi sgt, %jit3A_350, %sign3A_359 : i32
        %sign3A_361 = arith.extui %sign3A_360 : i1 to i32
        %sign3A_362 = arith.constant 0 : i32
        %sign3A_363 = arith.cmpi slt, %jit3A_350, %sign3A_362 : i32
        %sign3A_364 = arith.extui %sign3A_363 : i1 to i32
        %sign3A_365 = arith.subi %sign3A_361, %sign3A_364 : i32
        %ne3A_366 = arith.cmpi ne, %sign3A_358, %sign3A_365 : i32
        %rem3A_367 = arith.remsi %scan3A_348, %jit3A_350 : i32
        %ne3A_368 = arith.constant 0 : i32
        %ne3A_369 = arith.cmpi ne, %rem3A_367, %ne3A_368 : i32
        %and3A_370 = arith.andi %ne3A_366, %ne3A_369 : i1
        %sub3A_371 = arith.constant 1 : i32
        %sub3A_372 = arith.subi %div3A_351, %sub3A_371 : i32
        %select_n3A_373 = arith.select %and3A_370, %sub3A_372, %div3A_351 : i32
        %add3A_374 = arith.addi %select_n3A_279, %select_n3A_373 : i32
        %sub3A_375 = arith.constant 1 : i32
        %sub3A_376 = arith.subi %add3A_374, %sub3A_375 : i32
        %jit3A_377 = arith.constant 3 : i32
        %eq3A_378 = arith.constant 0 : i32
        %eq3A_379 = arith.cmpi eq, %jit3A_377, %eq3A_378 : i32
        %jit3A_380 = arith.constant 1 : i32
        %select_n3A_381 = arith.select %eq3A_379, %jit3A_380, %jit3A_377 : i32
        %rem3A_382 = arith.remsi %scan3A_348, %select_n3A_381 : i32
        %ne3A_383 = arith.constant 0 : i32
        %ne3A_384 = arith.cmpi ne, %rem3A_382, %ne3A_383 : i32
        %lt3A_385 = arith.constant 0 : i32
        %lt3A_386 = arith.cmpi slt, %rem3A_382, %lt3A_385 : i32
        %lt3A_387 = arith.constant 0 : i32
        %lt3A_388 = arith.cmpi slt, %select_n3A_381, %lt3A_387 : i32
        %ne3A_389 = arith.xori %lt3A_386, %lt3A_388 : i1
        %and3A_390 = arith.andi %ne3A_389, %ne3A_384 : i1
        %add3A_391 = arith.addi %rem3A_382, %select_n3A_381 : i32
        %select_n3A_392 = arith.select %and3A_390, %add3A_391, %rem3A_382 : i32
        %add3A_393 = arith.addi %select_n3A_255, %select_n3A_392 : i32
        %sub3A_394 = arith.constant 1 : i32
        %sub3A_395 = arith.subi %add3A_393, %sub3A_394 : i32
        %ge3A = arith.constant 0 : i32
        %ge3A_396 = arith.cmpi sge, %sub3A_376, %ge3A : i32
        %le3A = arith.constant 9 : i32
        %le3A_397 = arith.cmpi sle, %sub3A_376, %le3A : i32
        %and3A_398 = arith.andi %ge3A_396, %le3A_397 : i1
        %ge3A_399 = arith.constant 0 : i32
        %ge3A_400 = arith.cmpi sge, %sub3A_395, %ge3A_399 : i32
        %le3A_401 = arith.constant 9 : i32
        %le3A_402 = arith.cmpi sle, %sub3A_395, %le3A_401 : i32
        %and3A_403 = arith.andi %ge3A_400, %le3A_402 : i1
        %and3A_404 = arith.andi %and3A_398, %and3A_403 : i1
        %mul3A_405 = arith.constant 10 : i32
        %mul3A_406 = arith.muli %sub3A_376, %mul3A_405 : i32
        %add3A_407 = arith.addi %mul3A_406, %sub3A_395 : i32
        %mul3A_408 = arith.constant 10 : i32
        %mul3A_409 = arith.muli %add3A_407, %mul3A_408 : i32
        %add3A_410 = arith.addi %mul3A_409, %max3A_292 : i32
        %jit3A_411 = arith.constant 0 : i32
        %select_n3A_412 = arith.select %and3A_404, %add3A_410, %jit3A_411 : i32
        %add3A_413 = arith.addi %mul3A_409, %min3A_297 : i32
        %add3A_414 = arith.constant 1 : i32
        %add3A_415 = arith.addi %add3A_413, %add3A_414 : i32
        %jit3A_416 = arith.constant 0 : i32
        %select_n3A_417 = arith.select %and3A_404, %add3A_415, %jit3A_416 : i32
        %get3A_418 = arith.index_cast %select_n3A_412 : i32 to index
        %get3A_419 = tpu.vector_load %arg19[%get3A_418] {strides = array<i32>} : memref<1024xi32, #tpu.memory_space<vmem>>, vector<16xi32>,
        %slice3A_420 = vector.extract_strided_slice %get3A_419 {offsets = [0], sizes = [1], strides = [1]} : vector<16xi32> to vector<1xi32>
        %squeeze3A_421 = vector.extract %slice3A_420[0] : i32 from vector<1xi32>
        %get3A_422 = arith.index_cast %select_n3A_417 : i32 to index
        %get3A_423 = tpu.vector_load %arg19[%get3A_422] {strides = array<i32>} : memref<1024xi32, #tpu.memory_space<vmem>>, vector<16xi32>,
        %slice3A_424 = vector.extract_strided_slice %get3A_423 {offsets = [0], sizes = [1], strides = [1]} : vector<16xi32> to vector<1xi32>
        %squeeze3A_425 = vector.extract %slice3A_424[0] : i32 from vector<1xi32>
        %select_n3A_426 = arith.select %and3A_404, %squeeze3A_425, %squeeze3A_421 : i32
        %sub3A_427 = arith.subi %select_n3A_426, %squeeze3A_421 : i32
        %add3A_428 = arith.constant 15 : i32
        %add3A_429 = arith.addi %sub3A_427, %add3A_428 : i32
        %jit3A_430 = arith.constant 16 : i32
        %div3A_431 = arith.divsi %add3A_429, %jit3A_430 : i32
        %sign3A_432 = arith.constant 0 : i32
        %sign3A_433 = arith.cmpi sgt, %add3A_429, %sign3A_432 : i32
        %sign3A_434 = arith.extui %sign3A_433 : i1 to i32
        %sign3A_435 = arith.constant 0 : i32
        %sign3A_436 = arith.cmpi slt, %add3A_429, %sign3A_435 : i32
        %sign3A_437 = arith.extui %sign3A_436 : i1 to i32
        %sign3A_438 = arith.subi %sign3A_434, %sign3A_437 : i32
        %sign3A_439 = arith.constant 0 : i32
        %sign3A_440 = arith.cmpi sgt, %jit3A_430, %sign3A_439 : i32
        %sign3A_441 = arith.extui %sign3A_440 : i1 to i32
        %sign3A_442 = arith.constant 0 : i32
        %sign3A_443 = arith.cmpi slt, %jit3A_430, %sign3A_442 : i32
        %sign3A_444 = arith.extui %sign3A_443 : i1 to i32
        %sign3A_445 = arith.subi %sign3A_441, %sign3A_444 : i32
        %ne3A_446 = arith.cmpi ne, %sign3A_438, %sign3A_445 : i32
        %rem3A_447 = arith.remsi %add3A_429, %jit3A_430 : i32
        %ne3A_448 = arith.constant 0 : i32
        %ne3A_449 = arith.cmpi ne, %rem3A_447, %ne3A_448 : i32
        %and3A_450 = arith.andi %ne3A_446, %ne3A_449 : i1
        %sub3A_451 = arith.constant 1 : i32
        %sub3A_452 = arith.subi %div3A_431, %sub3A_451 : i32
        %select_n3A_453 = arith.select %and3A_450, %sub3A_452, %div3A_431 : i32
        %parallel_loop3A = arith.constant 0 : i32
        %parallel_loop3A_454 = arith.constant 1 : i32
        %parallel_loop3A_455 = scf.for %parallel_loop3A_456 = %parallel_loop3A to %select_n3A_453 step %parallel_loop3A_454 iter_args(%parallel_loop3A_457 = %scan3A_349) -> (i32)  : i32 {
          %parallel_loop3A_458 = arith.constant 16 : i32
          %parallel_loop3A_459 = arith.muli %parallel_loop3A_456, %parallel_loop3A_458 : i32
          %parallel_loop3A_460 = arith.addi %squeeze3A_421, %parallel_loop3A_459 : i32
          %parallel_loop3A_461 = vector.broadcast %parallel_loop3A_460 : i32 to vector<16xi32>
          %parallel_loop3A_462 = arith.addi %parallel_loop3A_461, %iota3A : vector<16xi32>
          %parallel_loop3A_463 = vector.broadcast %select_n3A_426 : i32 to vector<16xi32>
          %parallel_loop3A_464 = arith.cmpi slt, %parallel_loop3A_462, %parallel_loop3A_463 : vector<16xi32>
          %parallel_loop3A_465 = arith.constant 16 : i32
          %parallel_loop3A_466 = arith.muli %parallel_loop3A_456, %parallel_loop3A_465 : i32
          %parallel_loop3A_467 = arith.addi %squeeze3A_421, %parallel_loop3A_466 : i32
          %parallel_loop3A_468 = arith.index_cast %parallel_loop3A_467 : i32 to index
          %parallel_loop3A_469 = tpu.vector_load %arg23[%parallel_loop3A_468] {strides = array<i32>} : memref<4112xi32, #tpu.memory_space<vmem>>, vector<16xi32>,
          %parallel_loop3A_470 = tpu.vector_load_idx %arg9[%parallel_loop3A_469] masked %parallel_loop3A_464 : memref<4096xf32, #tpu.memory_space<vmem>>[vector<16xi32>], vector<16xf32>, vector<16xi1>
          %parallel_loop3A_471 = tpu.vector_load_idx %arg10[%parallel_loop3A_469] masked %parallel_loop3A_464 : memref<4096xf32, #tpu.memory_space<vmem>>[vector<16xi32>], vector<16xf32>, vector<16xi1>
          %parallel_loop3A_472 = tpu.vector_load_idx %arg11[%parallel_loop3A_469] masked %parallel_loop3A_464 : memref<4096xf32, #tpu.memory_space<vmem>>[vector<16xi32>], vector<16xf32>, vector<16xi1>
          %parallel_loop3A_473 = arith.index_cast %parallel_loop3A_457 : i32 to index
          %parallel_loop3A_474 = tpu.vector_load %arg24[%parallel_loop3A_473] masked %parallel_loop3A_464 {strides = array<i32>} : memref<784xi32, #tpu.memory_space<vmem>>, vector<16xi32>, vector<16xi1>
          tpu.vector_store %arg24[%parallel_loop3A_473], %parallel_loop3A_469 masked %parallel_loop3A_464 {strides = array<i32>} : memref<784xi32, #tpu.memory_space<vmem>>, vector<16xi32>, vector<16xi1>
          %parallel_loop3A_475 = arith.index_cast %parallel_loop3A_457 : i32 to index
          %parallel_loop3A_476 = tpu.vector_load %arg25[%parallel_loop3A_475] masked %parallel_loop3A_464 {strides = array<i32>} : memref<784xf32, #tpu.memory_space<vmem>>, vector<16xf32>, vector<16xi1>
          tpu.vector_store %arg25[%parallel_loop3A_475], %parallel_loop3A_470 masked %parallel_loop3A_464 {strides = array<i32>} : memref<784xf32, #tpu.memory_space<vmem>>, vector<16xf32>, vector<16xi1>
          %parallel_loop3A_477 = arith.index_cast %parallel_loop3A_457 : i32 to index
          %parallel_loop3A_478 = tpu.vector_load %arg26[%parallel_loop3A_477] masked %parallel_loop3A_464 {strides = array<i32>} : memref<784xf32, #tpu.memory_space<vmem>>, vector<16xf32>, vector<16xi1>
          tpu.vector_store %arg26[%parallel_loop3A_477], %parallel_loop3A_471 masked %parallel_loop3A_464 {strides = array<i32>} : memref<784xf32, #tpu.memory_space<vmem>>, vector<16xf32>, vector<16xi1>
          %parallel_loop3A_479 = arith.index_cast %parallel_loop3A_457 : i32 to index
          %parallel_loop3A_480 = tpu.vector_load %arg27[%parallel_loop3A_479] masked %parallel_loop3A_464 {strides = array<i32>} : memref<784xf32, #tpu.memory_space<vmem>>, vector<16xf32>, vector<16xi1>
          tpu.vector_store %arg27[%parallel_loop3A_479], %parallel_loop3A_472 masked %parallel_loop3A_464 {strides = array<i32>} : memref<784xf32, #tpu.memory_space<vmem>>, vector<16xf32>, vector<16xi1>
          %parallel_loop3A_481 = tpu.all_reduce %parallel_loop3A_464 {dim = 0 : i64, kind = #tpu.reduction_kind<sum>} : vector<16xi1> -> vector<16xi32>
          %parallel_loop3A_482 = vector.extract_strided_slice %parallel_loop3A_481 {offsets = [0], sizes = [1], strides = [1]} : vector<16xi32> to vector<1xi32>
          %parallel_loop3A_483 = vector.extract %parallel_loop3A_482[0] : i32 from vector<1xi32>
          %parallel_loop3A_484 = arith.addi %parallel_loop3A_457, %parallel_loop3A_483 : i32
          %parallel_loop3A_485 = arith.constant 768 : i32
          %parallel_loop3A_486 = arith.minsi %parallel_loop3A_484, %parallel_loop3A_485 : i32
          scf.yield %parallel_loop3A_486 : i32
        } {sc.loop_unroll_factor = 2 : i64, sc.parallel_access}
        scf.yield %parallel_loop3A_455 : i32
      }
      %scan3A_311 = arith.constant 9 : i32
      %add3A_312 = arith.constant 15 : i32
      %add3A_313 = arith.addi %scan3A_310, %add3A_312 : i32
      %jit3A_314 = arith.constant 16 : i32
      %div3A_315 = arith.divsi %add3A_313, %jit3A_314 : i32
      %sign3A_316 = arith.constant 0 : i32
      %sign3A_317 = arith.cmpi sgt, %add3A_313, %sign3A_316 : i32
      %sign3A_318 = arith.extui %sign3A_317 : i1 to i32
      %sign3A_319 = arith.constant 0 : i32
      %sign3A_320 = arith.cmpi slt, %add3A_313, %sign3A_319 : i32
      %sign3A_321 = arith.extui %sign3A_320 : i1 to i32
      %sign3A_322 = arith.subi %sign3A_318, %sign3A_321 : i32
      %sign3A_323 = arith.constant 0 : i32
      %sign3A_324 = arith.cmpi sgt, %jit3A_314, %sign3A_323 : i32
      %sign3A_325 = arith.extui %sign3A_324 : i1 to i32
      %sign3A_326 = arith.constant 0 : i32
      %sign3A_327 = arith.cmpi slt, %jit3A_314, %sign3A_326 : i32
      %sign3A_328 = arith.extui %sign3A_327 : i1 to i32
      %sign3A_329 = arith.subi %sign3A_325, %sign3A_328 : i32
      %ne3A_330 = arith.cmpi ne, %sign3A_322, %sign3A_329 : i32
      %rem3A_331 = arith.remsi %add3A_313, %jit3A_314 : i32
      %ne3A_332 = arith.constant 0 : i32
      %ne3A_333 = arith.cmpi ne, %rem3A_331, %ne3A_332 : i32
      %and3A_334 = arith.andi %ne3A_330, %ne3A_333 : i1
      %sub3A_335 = arith.constant 1 : i32
      %sub3A_336 = arith.subi %div3A_315, %sub3A_335 : i32
      %select_n3A_337 = arith.select %and3A_334, %sub3A_336, %div3A_315 : i32
      %while3A_338 = arith.subi %squeeze3A_304, %squeeze3A : i32
      %while3A_339 = arith.addi %squeeze3A, %while3A_338 : i32
      %while3A_340 = arith.constant 1 : i32
      %while3A_341 = arith.divsi %while3A_338, %while3A_340 : i32
      %while3A_342 = arith.muli %while3A_341, %while3A_340 : i32
      %while3A_343 = arith.addi %squeeze3A, %while3A_342 : i32
      %while3A_344 = arith.constant 1 : i32
      %while3A_345 = scf.for %while3A_348 = %squeeze3A to %while3A_343 step %while3A_344 iter_args(%while3A_349 = %while3A_199) -> (vector<16xf32>)  : i32 {
        %get3A_350 = arith.index_cast %while3A_348 : i32 to index
        %get3A_351 = tpu.vector_load %arg23[%get3A_350] {strides = array<i32>} : memref<4112xi32, #tpu.memory_space<vmem>>, vector<16xi32>,
        %slice3A_352 = vector.extract_strided_slice %get3A_351 {offsets = [0], sizes = [1], strides = [1]} : vector<16xi32> to vector<1xi32>
        %squeeze3A_353 = vector.extract %slice3A_352[0] : i32 from vector<1xi32>
        %broadcast_in_dim3A_354 = vector.broadcast %squeeze3A_353 : i32 to vector<16xi32>
        %gather3A = tpu.vector_load_idx %arg9[%broadcast_in_dim3A_354] : memref<4096xf32, #tpu.memory_space<vmem>>[vector<16xi32>], vector<16xf32>,
        %gather3A_355 = tpu.vector_load_idx %arg10[%broadcast_in_dim3A_354] : memref<4096xf32, #tpu.memory_space<vmem>>[vector<16xi32>], vector<16xf32>,
        %gather3A_356 = tpu.vector_load_idx %arg11[%broadcast_in_dim3A_354] : memref<4096xf32, #tpu.memory_space<vmem>>[vector<16xi32>], vector<16xf32>,
        %gather3A_357 = tpu.vector_load_idx %arg12[%broadcast_in_dim3A_354] : memref<4096xf32, #tpu.memory_space<vmem>>[vector<16xi32>], vector<16xf32>,
        %gather3A_358 = tpu.vector_load_idx %arg13[%broadcast_in_dim3A_354] : memref<4096xf32, #tpu.memory_space<vmem>>[vector<16xi32>], vector<16xf32>,
        %gather3A_359 = tpu.vector_load_idx %arg14[%broadcast_in_dim3A_354] : memref<4096xf32, #tpu.memory_space<vmem>>[vector<16xi32>], vector<16xf32>,
        %parallel_loop3A = arith.constant 0 : i32
        %parallel_loop3A_360 = arith.constant 1 : i32
        %parallel_loop3A_361 = arith.constant 0 : i32
        %parallel_loop3A_362 = scf.for %parallel_loop3A_401 = %parallel_loop3A to %select_n3A_337 step %parallel_loop3A_360 iter_args(%parallel_loop3A_402 = %parallel_loop3A_361) -> (i32)  : i32 {
          %parallel_loop3A_403 = arith.constant 16 : i32
          %parallel_loop3A_404 = arith.muli %parallel_loop3A_401, %parallel_loop3A_403 : i32
          %parallel_loop3A_405 = arith.constant 16 : i32
          %parallel_loop3A_406 = arith.muli %parallel_loop3A_401, %parallel_loop3A_405 : i32
          %parallel_loop3A_407 = vector.broadcast %parallel_loop3A_406 : i32 to vector<16xi32>
          %parallel_loop3A_408 = arith.addi %parallel_loop3A_407, %iota3A : vector<16xi32>
          %parallel_loop3A_409 = vector.broadcast %scan3A_310 : i32 to vector<16xi32>
          %parallel_loop3A_410 = arith.cmpi slt, %parallel_loop3A_408, %parallel_loop3A_409 : vector<16xi32>
          %parallel_loop3A_411 = arith.index_cast %parallel_loop3A_404 : i32 to index
          %parallel_loop3A_412 = tpu.vector_load %arg25[%parallel_loop3A_411] {strides = array<i32>} : memref<784xf32, #tpu.memory_space<vmem>>, vector<16xf32>,
          %parallel_loop3A_413 = arith.subf %parallel_loop3A_412, %gather3A : vector<16xf32>
          %parallel_loop3A_414 = arith.index_cast %parallel_loop3A_404 : i32 to index
          %parallel_loop3A_415 = tpu.vector_load %arg26[%parallel_loop3A_414] {strides = array<i32>} : memref<784xf32, #tpu.memory_space<vmem>>, vector<16xf32>,
          %parallel_loop3A_416 = arith.subf %parallel_loop3A_415, %gather3A_355 : vector<16xf32>
          %parallel_loop3A_417 = arith.index_cast %parallel_loop3A_404 : i32 to index
          %parallel_loop3A_418 = tpu.vector_load %arg27[%parallel_loop3A_417] {strides = array<i32>} : memref<784xf32, #tpu.memory_space<vmem>>, vector<16xf32>,
          %parallel_loop3A_419 = arith.subf %parallel_loop3A_418, %gather3A_356 : vector<16xf32>
          %parallel_loop3A_420 = arith.mulf %parallel_loop3A_413, %parallel_loop3A_413 : vector<16xf32>
          %parallel_loop3A_421 = arith.mulf %parallel_loop3A_416, %parallel_loop3A_416 : vector<16xf32>
          %parallel_loop3A_422 = arith.addf %parallel_loop3A_420, %parallel_loop3A_421 : vector<16xf32>
          %parallel_loop3A_423 = arith.mulf %parallel_loop3A_419, %parallel_loop3A_419 : vector<16xf32>
          %parallel_loop3A_424 = arith.addf %parallel_loop3A_422, %parallel_loop3A_423 : vector<16xf32>
          %parallel_loop3A_425 = arith.constant 0.00999999977 : f32
          %parallel_loop3A_426 = vector.broadcast %parallel_loop3A_425 : f32 to vector<16xf32>
          %parallel_loop3A_427 = arith.cmpf olt, %parallel_loop3A_424, %parallel_loop3A_426 : vector<16xf32>
          %parallel_loop3A_428 = arith.andi %parallel_loop3A_410, %parallel_loop3A_427 : vector<16xi1>
          %parallel_loop3A_429 = arith.index_cast %parallel_loop3A_404 : i32 to index
          %parallel_loop3A_430 = tpu.vector_load %arg24[%parallel_loop3A_429] {strides = array<i32>} : memref<784xi32, #tpu.memory_space<vmem>>, vector<16xi32>,
          %parallel_loop3A_431 = arith.index_cast %parallel_loop3A_402 : i32 to index
          %parallel_loop3A_432 = tpu.vector_load %arg28[%parallel_loop3A_431] masked %parallel_loop3A_428 {strides = array<i32>} : memref<1024xi32, #tpu.memory_space<vmem>>, vector<16xi32>, vector<16xi1>
          tpu.vector_store %arg28[%parallel_loop3A_431], %parallel_loop3A_430 masked %parallel_loop3A_428 {strides = array<i32>} : memref<1024xi32, #tpu.memory_space<vmem>>, vector<16xi32>, vector<16xi1>
          %parallel_loop3A_433 = tpu.all_reduce %parallel_loop3A_428 {dim = 0 : i64, kind = #tpu.reduction_kind<sum>} : vector<16xi1> -> vector<16xi32>
          %parallel_loop3A_434 = vector.extract_strided_slice %parallel_loop3A_433 {offsets = [0], sizes = [1], strides = [1]} : vector<16xi32> to vector<1xi32>
          %parallel_loop3A_435 = vector.extract %parallel_loop3A_434[0] : i32 from vector<1xi32>
          %parallel_loop3A_436 = arith.addi %parallel_loop3A_402, %parallel_loop3A_435 : i32
          %parallel_loop3A_437 = arith.constant 1008 : i32
          %parallel_loop3A_438 = arith.minsi %parallel_loop3A_436, %parallel_loop3A_437 : i32
          scf.yield %parallel_loop3A_438 : i32
        } {sc.loop_unroll_factor = 2 : i64, sc.parallel_access}
        %lt3A_363 = vector.broadcast %parallel_loop3A_362 : i32 to vector<16xi32>
        %lt3A_364 = arith.cmpi slt, %iota3A, %lt3A_363 : vector<16xi32>
        %get3A_365 = arith.constant 0 : index
        %get3A_366 = tpu.vector_load %arg28[%get3A_365] {strides = array<i32>} : memref<1024xi32, #tpu.memory_space<vmem>>, vector<16xi32>,
        %jit3A_367 = arith.constant 0 : i32
        %broadcast_in_dim3A_368 = vector.broadcast %jit3A_367 : i32 to vector<16xi32>
        %select_n3A_369 = arith.select %lt3A_364, %get3A_366, %broadcast_in_dim3A_368 : vector<16xi1>, vector<16xi32>
        %jit3A_370 = arith.constant 2147483647 : i32
        %broadcast_in_dim3A_371 = vector.broadcast %jit3A_370 : i32 to vector<16xi32>
        %select_n3A_372 = arith.select %lt3A_364, %get3A_366, %broadcast_in_dim3A_371 : vector<16xi1>, vector<16xi32>
        %gather3A_373 = tpu.vector_load_idx %arg12[%select_n3A_369] : memref<4096xf32, #tpu.memory_space<vmem>>[vector<16xi32>], vector<16xf32>,
        %gather3A_374 = tpu.vector_load_idx %arg13[%select_n3A_369] : memref<4096xf32, #tpu.memory_space<vmem>>[vector<16xi32>], vector<16xf32>,
        %gather3A_375 = tpu.vector_load_idx %arg14[%select_n3A_369] : memref<4096xf32, #tpu.memory_space<vmem>>[vector<16xi32>], vector<16xf32>,
        %sub3A_376 = arith.subf %gather3A_373, %gather3A_357 : vector<16xf32>
        %abs3A = math.absf %sub3A_376 : vector<16xf32>
        %sub3A_377 = arith.subf %gather3A_374, %gather3A_358 : vector<16xf32>
        %abs3A_378 = math.absf %sub3A_377 : vector<16xf32>
        %add3A_379 = arith.addf %abs3A, %abs3A_378 : vector<16xf32>
        %sub3A_380 = arith.subf %gather3A_375, %gather3A_359 : vector<16xf32>
        %abs3A_381 = math.absf %sub3A_380 : vector<16xf32>
        %add3A_382 = arith.addf %add3A_379, %abs3A_381 : vector<16xf32>
        %jit3A_383 = arith.constant 0.000000e+00 : f32
        %broadcast_in_dim3A_384 = vector.broadcast %jit3A_383 : f32 to vector<16xf32>
        %select_n3A_385 = arith.select %lt3A_364, %add3A_382, %broadcast_in_dim3A_384 : vector<16xi1>, vector<16xf32>
        %le3A = arith.constant 16 : i32
        %le3A_386 = arith.cmpi sle, %parallel_loop3A_362, %le3A : i32
        %convert_element_type3A = arith.extui %le3A_386 : i1 to i32
        %cond3A = arith.constant 0 : i32
        %cond3A_387 = arith.constant 0 : i32
        %cond3A_388 = arith.cmpi ne, %convert_element_type3A, %cond3A_387 : i32
        %cond3A_389:2 = scf.if %cond3A_388 -> (vector<16xf32>, vector<16xf32>) {
          %sub3A_401 = arith.constant 0 : i32
          %sub3A_402 = vector.broadcast %sub3A_401 : i32 to vector<16xi32>
          %sub3A_403 = arith.subi %sub3A_402, %select_n3A_372 : vector<16xi32>
          %broadcast_in_dim3A_404 = arith.constant true
          %broadcast_in_dim3A_405 = vector.broadcast %broadcast_in_dim3A_404 : i1 to vector<16xi1>
          %masked_cummax3A = arith.constant -2147483648 : i32
          %masked_cummax3A_406 = vector.broadcast %masked_cummax3A : i32 to vector<16xi32>
          %masked_cummax3A_407 = arith.xori %sub3A_403, %masked_cummax3A_406 : vector<16xi32>
          %masked_cummax3A_408 = tpu.scan <max>, %masked_cummax3A_407 masked %broadcast_in_dim3A_405 : vector<16xi32>, vector<16xi1> -> vector<16xi32>
          %masked_cummax3A_409 = arith.xori %masked_cummax3A_408, %masked_cummax3A_406 : vector<16xi32>
          %slice3A_410 = vector.extract_strided_slice %masked_cummax3A_409 {offsets = [15], sizes = [1], strides = [1]} : vector<16xi32> to vector<1xi32>
          %squeeze3A_411 = vector.extract %slice3A_410[0] : i32 from vector<1xi32>
          %sub3A_412 = arith.constant 0 : i32
          %sub3A_413 = arith.subi %sub3A_412, %squeeze3A_411 : i32
          %eq3A_414 = vector.broadcast %sub3A_413 : i32 to vector<16xi32>
          %eq3A_415 = arith.cmpi eq, %select_n3A_372, %eq3A_414 : vector<16xi32>
          %jit3A_416 = arith.constant 0.000000e+00 : f32
          %broadcast_in_dim3A_417 = vector.broadcast %jit3A_416 : f32 to vector<16xf32>
          %select_n3A_418 = arith.select %eq3A_415, %select_n3A_385, %broadcast_in_dim3A_417 : vector<16xi1>, vector<16xf32>
          scf.yield %select_n3A_385, %select_n3A_418 : vector<16xf32>, vector<16xf32>
        } else {
          %masked_sort3A = arith.constant dense<true> : vector<16xi1>
          %masked_sort3A_401 = arith.constant -2147483648 : i32
          %masked_sort3A_402 = vector.broadcast %masked_sort3A_401 : i32 to vector<16xi32>
          %masked_sort3A_403 = arith.xori %select_n3A_372, %masked_sort3A_402 : vector<16xi32>
          %masked_sort3A_404, %masked_sort3A_405, %masked_sort3A_406 = tpu.sort %masked_sort3A_403, %select_n3A_385 masked %masked_sort3A : (vector<16xi32>, vector<16xf32>, vector<16xi1>) -> (vector<16xi1>, vector<16xi32>, vector<16xf32>)
          %masked_sort3A_407 = arith.xori %masked_sort3A_405, %masked_sort3A_402 : vector<16xi32>
          %add3A_408 = arith.constant 15 : i32
          %add3A_409 = arith.addi %parallel_loop3A_362, %add3A_408 : i32
          %jit3A_410 = arith.constant 16 : i32
          %div3A_411 = arith.divsi %add3A_409, %jit3A_410 : i32
          %sign3A_412 = arith.constant 0 : i32
          %sign3A_413 = arith.cmpi sgt, %add3A_409, %sign3A_412 : i32
          %sign3A_414 = arith.extui %sign3A_413 : i1 to i32
          %sign3A_415 = arith.constant 0 : i32
          %sign3A_416 = arith.cmpi slt, %add3A_409, %sign3A_415 : i32
          %sign3A_417 = arith.extui %sign3A_416 : i1 to i32
          %sign3A_418 = arith.subi %sign3A_414, %sign3A_417 : i32
          %sign3A_419 = arith.constant 0 : i32
          %sign3A_420 = arith.cmpi sgt, %jit3A_410, %sign3A_419 : i32
          %sign3A_421 = arith.extui %sign3A_420 : i1 to i32
          %sign3A_422 = arith.constant 0 : i32
          %sign3A_423 = arith.cmpi slt, %jit3A_410, %sign3A_422 : i32
          %sign3A_424 = arith.extui %sign3A_423 : i1 to i32
          %sign3A_425 = arith.subi %sign3A_421, %sign3A_424 : i32
          %ne3A_426 = arith.cmpi ne, %sign3A_418, %sign3A_425 : i32
          %rem3A_427 = arith.remsi %add3A_409, %jit3A_410 : i32
          %ne3A_428 = arith.constant 0 : i32
          %ne3A_429 = arith.cmpi ne, %rem3A_427, %ne3A_428 : i32
          %and3A_430 = arith.andi %ne3A_426, %ne3A_429 : i1
          %sub3A_431 = arith.constant 1 : i32
          %sub3A_432 = arith.subi %div3A_411, %sub3A_431 : i32
          %select_n3A_433 = arith.select %and3A_430, %sub3A_432, %div3A_411 : i32
          %while3A_434 = arith.constant 1 : i32
          %while3A_435 = arith.subi %select_n3A_433, %while3A_434 : i32
          %while3A_436 = arith.addi %while3A_434, %while3A_435 : i32
          %while3A_437 = arith.constant 1 : i32
          %while3A_438 = arith.divsi %while3A_435, %while3A_437 : i32
          %while3A_439 = arith.muli %while3A_438, %while3A_437 : i32
          %while3A_440 = arith.addi %while3A_434, %while3A_439 : i32
          %while3A_441 = arith.constant 1 : i32
          %while3A_442:2 = scf.for %while3A_451 = %while3A_434 to %while3A_440 step %while3A_441 iter_args(%while3A_452 = %masked_sort3A_407, %while3A_453 = %masked_sort3A_406) -> (vector<16xi32>, vector<16xf32>)  : i32 {
            %mul3A_454 = arith.constant 16 : i32
            %mul3A_455 = arith.muli %while3A_451, %mul3A_454 : i32
            %add3A_456 = vector.broadcast %mul3A_455 : i32 to vector<16xi32>
            %add3A_457 = arith.addi %add3A_456, %iota3A : vector<16xi32>
            %lt3A_458 = vector.broadcast %parallel_loop3A_362 : i32 to vector<16xi32>
            %lt3A_459 = arith.cmpi slt, %add3A_457, %lt3A_458 : vector<16xi32>
            %mul3A_460 = arith.constant 16 : i32
            %mul3A_461 = arith.muli %while3A_451, %mul3A_460 : i32
            %get3A_462 = arith.index_cast %mul3A_461 : i32 to index
            %get3A_463 = tpu.vector_load %arg28[%get3A_462] {strides = array<i32>} : memref<1024xi32, #tpu.memory_space<vmem>>, vector<16xi32>,
            %jit3A_464 = arith.constant 0 : i32
            %broadcast_in_dim3A_465 = vector.broadcast %jit3A_464 : i32 to vector<16xi32>
            %select_n3A_466 = arith.select %lt3A_459, %get3A_463, %broadcast_in_dim3A_465 : vector<16xi1>, vector<16xi32>
            %jit3A_467 = arith.constant 2147483647 : i32
            %broadcast_in_dim3A_468 = vector.broadcast %jit3A_467 : i32 to vector<16xi32>
            %select_n3A_469 = arith.select %lt3A_459, %get3A_463, %broadcast_in_dim3A_468 : vector<16xi1>, vector<16xi32>
            %gather3A_470 = tpu.vector_load_idx %arg12[%select_n3A_466] : memref<4096xf32, #tpu.memory_space<vmem>>[vector<16xi32>], vector<16xf32>,
            %gather3A_471 = tpu.vector_load_idx %arg13[%select_n3A_466] : memref<4096xf32, #tpu.memory_space<vmem>>[vector<16xi32>], vector<16xf32>,
            %gather3A_472 = tpu.vector_load_idx %arg14[%select_n3A_466] : memref<4096xf32, #tpu.memory_space<vmem>>[vector<16xi32>], vector<16xf32>,
            %sub3A_473 = arith.subf %gather3A_470, %gather3A_357 : vector<16xf32>
            %abs3A_474 = math.absf %sub3A_473 : vector<16xf32>
            %sub3A_475 = arith.subf %gather3A_471, %gather3A_358 : vector<16xf32>
            %abs3A_476 = math.absf %sub3A_475 : vector<16xf32>
            %add3A_477 = arith.addf %abs3A_474, %abs3A_476 : vector<16xf32>
            %sub3A_478 = arith.subf %gather3A_472, %gather3A_359 : vector<16xf32>
            %abs3A_479 = math.absf %sub3A_478 : vector<16xf32>
            %add3A_480 = arith.addf %add3A_477, %abs3A_479 : vector<16xf32>
            %jit3A_481 = arith.constant 0.000000e+00 : f32
            %broadcast_in_dim3A_482 = vector.broadcast %jit3A_481 : f32 to vector<16xf32>
            %select_n3A_483 = arith.select %lt3A_459, %add3A_480, %broadcast_in_dim3A_482 : vector<16xi1>, vector<16xf32>
            %masked_sort3A_484 = arith.constant dense<true> : vector<16xi1>
            %masked_sort3A_485 = arith.constant -2147483648 : i32
            %masked_sort3A_486 = vector.broadcast %masked_sort3A_485 : i32 to vector<16xi32>
            %masked_sort3A_487 = arith.xori %select_n3A_469, %masked_sort3A_486 : vector<16xi32>
            %masked_sort3A_488, %masked_sort3A_489, %masked_sort3A_490 = tpu.sort %masked_sort3A_487, %select_n3A_483 masked %masked_sort3A_484 : (vector<16xi32>, vector<16xf32>, vector<16xi1>) -> (vector<16xi1>, vector<16xi32>, vector<16xf32>)
            %masked_sort3A_491 = arith.xori %masked_sort3A_489, %masked_sort3A_486 : vector<16xi32>
            %rev3A = arith.constant 15 : i32
            %rev3A_492 = vector.broadcast %rev3A : i32 to vector<16xi32>
            %rev3A_493 = tpu.iota {dimensions = array<i32: 0>} : vector<16xi32>
            %rev3A_494 = arith.subi %rev3A_492, %rev3A_493 : vector<16xi32>
            %rev3A_495 = tpu.dynamic_gather %while3A_452[%rev3A_494] in [0] : vector<16xi32>, vector<16xi32> -> vector<16xi32>
            %rev3A_496 = arith.constant 15 : i32
            %rev3A_497 = vector.broadcast %rev3A_496 : i32 to vector<16xi32>
            %rev3A_498 = tpu.iota {dimensions = array<i32: 0>} : vector<16xi32>
            %rev3A_499 = arith.subi %rev3A_497, %rev3A_498 : vector<16xi32>
            %rev3A_500 = tpu.dynamic_gather %while3A_453[%rev3A_499] in [0] : vector<16xf32>, vector<16xi32> -> vector<16xf32>
            %le3A_501 = arith.cmpi sle, %masked_sort3A_491, %rev3A_495 : vector<16xi32>
            %select_n3A_502 = arith.select %le3A_501, %masked_sort3A_491, %rev3A_495 : vector<16xi1>, vector<16xi32>
            %select_n3A_503 = arith.select %le3A_501, %masked_sort3A_490, %rev3A_500 : vector<16xi1>, vector<16xf32>
            %masked_sort3A_504 = arith.constant dense<true> : vector<16xi1>
            %masked_sort3A_505 = arith.constant -2147483648 : i32
            %masked_sort3A_506 = vector.broadcast %masked_sort3A_505 : i32 to vector<16xi32>
            %masked_sort3A_507 = arith.xori %select_n3A_502, %masked_sort3A_506 : vector<16xi32>
            %masked_sort3A_508, %masked_sort3A_509, %masked_sort3A_510 = tpu.sort %masked_sort3A_507, %select_n3A_503 masked %masked_sort3A_504 : (vector<16xi32>, vector<16xf32>, vector<16xi1>) -> (vector<16xi1>, vector<16xi32>, vector<16xf32>)
            %masked_sort3A_511 = arith.xori %masked_sort3A_509, %masked_sort3A_506 : vector<16xi32>
            scf.yield %masked_sort3A_511, %masked_sort3A_510 : vector<16xi32>, vector<16xf32>
          }
          %while3A_443 = arith.constant 1 : i32
          %while3A_444:2 = scf.for %while3A_451 = %while3A_440 to %while3A_436 step %while3A_443 iter_args(%while3A_452 = %while3A_442#0, %while3A_453 = %while3A_442#1) -> (vector<16xi32>, vector<16xf32>)  : i32 {
            %mul3A_454 = arith.constant 16 : i32
            %mul3A_455 = arith.muli %while3A_451, %mul3A_454 : i32
            %add3A_456 = vector.broadcast %mul3A_455 : i32 to vector<16xi32>
            %add3A_457 = arith.addi %add3A_456, %iota3A : vector<16xi32>
            %lt3A_458 = vector.broadcast %parallel_loop3A_362 : i32 to vector<16xi32>
            %lt3A_459 = arith.cmpi slt, %add3A_457, %lt3A_458 : vector<16xi32>
            %mul3A_460 = arith.constant 16 : i32
            %mul3A_461 = arith.muli %while3A_451, %mul3A_460 : i32
            %get3A_462 = arith.index_cast %mul3A_461 : i32 to index
            %get3A_463 = tpu.vector_load %arg28[%get3A_462] {strides = array<i32>} : memref<1024xi32, #tpu.memory_space<vmem>>, vector<16xi32>,
            %jit3A_464 = arith.constant 0 : i32
            %broadcast_in_dim3A_465 = vector.broadcast %jit3A_464 : i32 to vector<16xi32>
            %select_n3A_466 = arith.select %lt3A_459, %get3A_463, %broadcast_in_dim3A_465 : vector<16xi1>, vector<16xi32>
            %jit3A_467 = arith.constant 2147483647 : i32
            %broadcast_in_dim3A_468 = vector.broadcast %jit3A_467 : i32 to vector<16xi32>
            %select_n3A_469 = arith.select %lt3A_459, %get3A_463, %broadcast_in_dim3A_468 : vector<16xi1>, vector<16xi32>
            %gather3A_470 = tpu.vector_load_idx %arg12[%select_n3A_466] : memref<4096xf32, #tpu.memory_space<vmem>>[vector<16xi32>], vector<16xf32>,
            %gather3A_471 = tpu.vector_load_idx %arg13[%select_n3A_466] : memref<4096xf32, #tpu.memory_space<vmem>>[vector<16xi32>], vector<16xf32>,
            %gather3A_472 = tpu.vector_load_idx %arg14[%select_n3A_466] : memref<4096xf32, #tpu.memory_space<vmem>>[vector<16xi32>], vector<16xf32>,
            %sub3A_473 = arith.subf %gather3A_470, %gather3A_357 : vector<16xf32>
            %abs3A_474 = math.absf %sub3A_473 : vector<16xf32>
            %sub3A_475 = arith.subf %gather3A_471, %gather3A_358 : vector<16xf32>
            %abs3A_476 = math.absf %sub3A_475 : vector<16xf32>
            %add3A_477 = arith.addf %abs3A_474, %abs3A_476 : vector<16xf32>
            %sub3A_478 = arith.subf %gather3A_472, %gather3A_359 : vector<16xf32>
            %abs3A_479 = math.absf %sub3A_478 : vector<16xf32>
            %add3A_480 = arith.addf %add3A_477, %abs3A_479 : vector<16xf32>
            %jit3A_481 = arith.constant 0.000000e+00 : f32
            %broadcast_in_dim3A_482 = vector.broadcast %jit3A_481 : f32 to vector<16xf32>
            %select_n3A_483 = arith.select %lt3A_459, %add3A_480, %broadcast_in_dim3A_482 : vector<16xi1>, vector<16xf32>
            %masked_sort3A_484 = arith.constant dense<true> : vector<16xi1>
            %masked_sort3A_485 = arith.constant -2147483648 : i32
            %masked_sort3A_486 = vector.broadcast %masked_sort3A_485 : i32 to vector<16xi32>
            %masked_sort3A_487 = arith.xori %select_n3A_469, %masked_sort3A_486 : vector<16xi32>
            %masked_sort3A_488, %masked_sort3A_489, %masked_sort3A_490 = tpu.sort %masked_sort3A_487, %select_n3A_483 masked %masked_sort3A_484 : (vector<16xi32>, vector<16xf32>, vector<16xi1>) -> (vector<16xi1>, vector<16xi32>, vector<16xf32>)
            %masked_sort3A_491 = arith.xori %masked_sort3A_489, %masked_sort3A_486 : vector<16xi32>
            %rev3A = arith.constant 15 : i32
            %rev3A_492 = vector.broadcast %rev3A : i32 to vector<16xi32>
            %rev3A_493 = tpu.iota {dimensions = array<i32: 0>} : vector<16xi32>
            %rev3A_494 = arith.subi %rev3A_492, %rev3A_493 : vector<16xi32>
            %rev3A_495 = tpu.dynamic_gather %while3A_452[%rev3A_494] in [0] : vector<16xi32>, vector<16xi32> -> vector<16xi32>
            %rev3A_496 = arith.constant 15 : i32
            %rev3A_497 = vector.broadcast %rev3A_496 : i32 to vector<16xi32>
            %rev3A_498 = tpu.iota {dimensions = array<i32: 0>} : vector<16xi32>
            %rev3A_499 = arith.subi %rev3A_497, %rev3A_498 : vector<16xi32>
            %rev3A_500 = tpu.dynamic_gather %while3A_453[%rev3A_499] in [0] : vector<16xf32>, vector<16xi32> -> vector<16xf32>
            %le3A_501 = arith.cmpi sle, %masked_sort3A_491, %rev3A_495 : vector<16xi32>
            %select_n3A_502 = arith.select %le3A_501, %masked_sort3A_491, %rev3A_495 : vector<16xi1>, vector<16xi32>
            %select_n3A_503 = arith.select %le3A_501, %masked_sort3A_490, %rev3A_500 : vector<16xi1>, vector<16xf32>
            %masked_sort3A_504 = arith.constant dense<true> : vector<16xi1>
            %masked_sort3A_505 = arith.constant -2147483648 : i32
            %masked_sort3A_506 = vector.broadcast %masked_sort3A_505 : i32 to vector<16xi32>
            %masked_sort3A_507 = arith.xori %select_n3A_502, %masked_sort3A_506 : vector<16xi32>
            %masked_sort3A_508, %masked_sort3A_509, %masked_sort3A_510 = tpu.sort %masked_sort3A_507, %select_n3A_503 masked %masked_sort3A_504 : (vector<16xi32>, vector<16xf32>, vector<16xi1>) -> (vector<16xi1>, vector<16xi32>, vector<16xf32>)
            %masked_sort3A_511 = arith.xori %masked_sort3A_509, %masked_sort3A_506 : vector<16xi32>
            scf.yield %masked_sort3A_511, %masked_sort3A_510 : vector<16xi32>, vector<16xf32>
          }
          %eq3A_445 = arith.constant 0 : i32
          %eq3A_446 = vector.broadcast %eq3A_445 : i32 to vector<16xi32>
          %eq3A_447 = arith.cmpi eq, %iota3A, %eq3A_446 : vector<16xi32>
          %jit3A_448 = arith.constant 0.000000e+00 : f32
          %broadcast_in_dim3A_449 = vector.broadcast %jit3A_448 : f32 to vector<16xf32>
          %select_n3A_450 = arith.select %eq3A_447, %while3A_444#1, %broadcast_in_dim3A_449 : vector<16xi1>, vector<16xf32>
          scf.yield %while3A_444#1, %select_n3A_450 : vector<16xf32>, vector<16xf32>
        }
        %broadcast_in_dim3A_390 = vector.broadcast %parallel_loop3A_362 : i32 to vector<16xi32>
        %sub3A_391 = arith.constant 16 : i32
        %sub3A_392 = vector.broadcast %sub3A_391 : i32 to vector<16xi32>
        %sub3A_393 = arith.subi %sub3A_392, %broadcast_in_dim3A_390 : vector<16xi32>
        %max3A_394 = arith.constant 0 : i32
        %max3A_395 = vector.broadcast %max3A_394 : i32 to vector<16xi32>
        %max3A_396 = arith.maxsi %sub3A_393, %max3A_395 : vector<16xi32>
        %convert_element_type3A_397 = arith.sitofp %max3A_396 : vector<16xi32> to vector<16xf32>
        %add3A_398 = arith.addf %while3A_349, %cond3A_389#0 : vector<16xf32>
        %mul3A_399 = arith.mulf %convert_element_type3A_397, %cond3A_389#1 : vector<16xf32>
        %add3A_400 = arith.addf %add3A_398, %mul3A_399 : vector<16xf32>
        scf.yield %add3A_400 : vector<16xf32>
      }
      %while3A_346 = arith.constant 1 : i32
      %while3A_347 = scf.for %while3A_348 = %while3A_343 to %while3A_339 step %while3A_346 iter_args(%while3A_349 = %while3A_345) -> (vector<16xf32>)  : i32 {
        %get3A_350 = arith.index_cast %while3A_348 : i32 to index
        %get3A_351 = tpu.vector_load %arg23[%get3A_350] {strides = array<i32>} : memref<4112xi32, #tpu.memory_space<vmem>>, vector<16xi32>,
        %slice3A_352 = vector.extract_strided_slice %get3A_351 {offsets = [0], sizes = [1], strides = [1]} : vector<16xi32> to vector<1xi32>
        %squeeze3A_353 = vector.extract %slice3A_352[0] : i32 from vector<1xi32>
        %broadcast_in_dim3A_354 = vector.broadcast %squeeze3A_353 : i32 to vector<16xi32>
        %gather3A = tpu.vector_load_idx %arg9[%broadcast_in_dim3A_354] : memref<4096xf32, #tpu.memory_space<vmem>>[vector<16xi32>], vector<16xf32>,
        %gather3A_355 = tpu.vector_load_idx %arg10[%broadcast_in_dim3A_354] : memref<4096xf32, #tpu.memory_space<vmem>>[vector<16xi32>], vector<16xf32>,
        %gather3A_356 = tpu.vector_load_idx %arg11[%broadcast_in_dim3A_354] : memref<4096xf32, #tpu.memory_space<vmem>>[vector<16xi32>], vector<16xf32>,
        %gather3A_357 = tpu.vector_load_idx %arg12[%broadcast_in_dim3A_354] : memref<4096xf32, #tpu.memory_space<vmem>>[vector<16xi32>], vector<16xf32>,
        %gather3A_358 = tpu.vector_load_idx %arg13[%broadcast_in_dim3A_354] : memref<4096xf32, #tpu.memory_space<vmem>>[vector<16xi32>], vector<16xf32>,
        %gather3A_359 = tpu.vector_load_idx %arg14[%broadcast_in_dim3A_354] : memref<4096xf32, #tpu.memory_space<vmem>>[vector<16xi32>], vector<16xf32>,
        %parallel_loop3A = arith.constant 0 : i32
        %parallel_loop3A_360 = arith.constant 1 : i32
        %parallel_loop3A_361 = arith.constant 0 : i32
        %parallel_loop3A_362 = scf.for %parallel_loop3A_401 = %parallel_loop3A to %select_n3A_337 step %parallel_loop3A_360 iter_args(%parallel_loop3A_402 = %parallel_loop3A_361) -> (i32)  : i32 {
          %parallel_loop3A_403 = arith.constant 16 : i32
          %parallel_loop3A_404 = arith.muli %parallel_loop3A_401, %parallel_loop3A_403 : i32
          %parallel_loop3A_405 = arith.constant 16 : i32
          %parallel_loop3A_406 = arith.muli %parallel_loop3A_401, %parallel_loop3A_405 : i32
          %parallel_loop3A_407 = vector.broadcast %parallel_loop3A_406 : i32 to vector<16xi32>
          %parallel_loop3A_408 = arith.addi %parallel_loop3A_407, %iota3A : vector<16xi32>
          %parallel_loop3A_409 = vector.broadcast %scan3A_310 : i32 to vector<16xi32>
          %parallel_loop3A_410 = arith.cmpi slt, %parallel_loop3A_408, %parallel_loop3A_409 : vector<16xi32>
          %parallel_loop3A_411 = arith.index_cast %parallel_loop3A_404 : i32 to index
          %parallel_loop3A_412 = tpu.vector_load %arg25[%parallel_loop3A_411] {strides = array<i32>} : memref<784xf32, #tpu.memory_space<vmem>>, vector<16xf32>,
          %parallel_loop3A_413 = arith.subf %parallel_loop3A_412, %gather3A : vector<16xf32>
          %parallel_loop3A_414 = arith.index_cast %parallel_loop3A_404 : i32 to index
          %parallel_loop3A_415 = tpu.vector_load %arg26[%parallel_loop3A_414] {strides = array<i32>} : memref<784xf32, #tpu.memory_space<vmem>>, vector<16xf32>,
          %parallel_loop3A_416 = arith.subf %parallel_loop3A_415, %gather3A_355 : vector<16xf32>
          %parallel_loop3A_417 = arith.index_cast %parallel_loop3A_404 : i32 to index
          %parallel_loop3A_418 = tpu.vector_load %arg27[%parallel_loop3A_417] {strides = array<i32>} : memref<784xf32, #tpu.memory_space<vmem>>, vector<16xf32>,
          %parallel_loop3A_419 = arith.subf %parallel_loop3A_418, %gather3A_356 : vector<16xf32>
          %parallel_loop3A_420 = arith.mulf %parallel_loop3A_413, %parallel_loop3A_413 : vector<16xf32>
          %parallel_loop3A_421 = arith.mulf %parallel_loop3A_416, %parallel_loop3A_416 : vector<16xf32>
          %parallel_loop3A_422 = arith.addf %parallel_loop3A_420, %parallel_loop3A_421 : vector<16xf32>
          %parallel_loop3A_423 = arith.mulf %parallel_loop3A_419, %parallel_loop3A_419 : vector<16xf32>
          %parallel_loop3A_424 = arith.addf %parallel_loop3A_422, %parallel_loop3A_423 : vector<16xf32>
          %parallel_loop3A_425 = arith.constant 0.00999999977 : f32
          %parallel_loop3A_426 = vector.broadcast %parallel_loop3A_425 : f32 to vector<16xf32>
          %parallel_loop3A_427 = arith.cmpf olt, %parallel_loop3A_424, %parallel_loop3A_426 : vector<16xf32>
          %parallel_loop3A_428 = arith.andi %parallel_loop3A_410, %parallel_loop3A_427 : vector<16xi1>
          %parallel_loop3A_429 = arith.index_cast %parallel_loop3A_404 : i32 to index
          %parallel_loop3A_430 = tpu.vector_load %arg24[%parallel_loop3A_429] {strides = array<i32>} : memref<784xi32, #tpu.memory_space<vmem>>, vector<16xi32>,
          %parallel_loop3A_431 = arith.index_cast %parallel_loop3A_402 : i32 to index
          %parallel_loop3A_432 = tpu.vector_load %arg28[%parallel_loop3A_431] masked %parallel_loop3A_428 {strides = array<i32>} : memref<1024xi32, #tpu.memory_space<vmem>>, vector<16xi32>, vector<16xi1>
          tpu.vector_store %arg28[%parallel_loop3A_431], %parallel_loop3A_430 masked %parallel_loop3A_428 {strides = array<i32>} : memref<1024xi32, #tpu.memory_space<vmem>>, vector<16xi32>, vector<16xi1>
          %parallel_loop3A_433 = tpu.all_reduce %parallel_loop3A_428 {dim = 0 : i64, kind = #tpu.reduction_kind<sum>} : vector<16xi1> -> vector<16xi32>
          %parallel_loop3A_434 = vector.extract_strided_slice %parallel_loop3A_433 {offsets = [0], sizes = [1], strides = [1]} : vector<16xi32> to vector<1xi32>
          %parallel_loop3A_435 = vector.extract %parallel_loop3A_434[0] : i32 from vector<1xi32>
          %parallel_loop3A_436 = arith.addi %parallel_loop3A_402, %parallel_loop3A_435 : i32
          %parallel_loop3A_437 = arith.constant 1008 : i32
          %parallel_loop3A_438 = arith.minsi %parallel_loop3A_436, %parallel_loop3A_437 : i32
          scf.yield %parallel_loop3A_438 : i32
        } {sc.loop_unroll_factor = 2 : i64, sc.parallel_access}
        %lt3A_363 = vector.broadcast %parallel_loop3A_362 : i32 to vector<16xi32>
        %lt3A_364 = arith.cmpi slt, %iota3A, %lt3A_363 : vector<16xi32>
        %get3A_365 = arith.constant 0 : index
        %get3A_366 = tpu.vector_load %arg28[%get3A_365] {strides = array<i32>} : memref<1024xi32, #tpu.memory_space<vmem>>, vector<16xi32>,
        %jit3A_367 = arith.constant 0 : i32
        %broadcast_in_dim3A_368 = vector.broadcast %jit3A_367 : i32 to vector<16xi32>
        %select_n3A_369 = arith.select %lt3A_364, %get3A_366, %broadcast_in_dim3A_368 : vector<16xi1>, vector<16xi32>
        %jit3A_370 = arith.constant 2147483647 : i32
        %broadcast_in_dim3A_371 = vector.broadcast %jit3A_370 : i32 to vector<16xi32>
        %select_n3A_372 = arith.select %lt3A_364, %get3A_366, %broadcast_in_dim3A_371 : vector<16xi1>, vector<16xi32>
        %gather3A_373 = tpu.vector_load_idx %arg12[%select_n3A_369] : memref<4096xf32, #tpu.memory_space<vmem>>[vector<16xi32>], vector<16xf32>,
        %gather3A_374 = tpu.vector_load_idx %arg13[%select_n3A_369] : memref<4096xf32, #tpu.memory_space<vmem>>[vector<16xi32>], vector<16xf32>,
        %gather3A_375 = tpu.vector_load_idx %arg14[%select_n3A_369] : memref<4096xf32, #tpu.memory_space<vmem>>[vector<16xi32>], vector<16xf32>,
        %sub3A_376 = arith.subf %gather3A_373, %gather3A_357 : vector<16xf32>
        %abs3A = math.absf %sub3A_376 : vector<16xf32>
        %sub3A_377 = arith.subf %gather3A_374, %gather3A_358 : vector<16xf32>
        %abs3A_378 = math.absf %sub3A_377 : vector<16xf32>
        %add3A_379 = arith.addf %abs3A, %abs3A_378 : vector<16xf32>
        %sub3A_380 = arith.subf %gather3A_375, %gather3A_359 : vector<16xf32>
        %abs3A_381 = math.absf %sub3A_380 : vector<16xf32>
        %add3A_382 = arith.addf %add3A_379, %abs3A_381 : vector<16xf32>
        %jit3A_383 = arith.constant 0.000000e+00 : f32
        %broadcast_in_dim3A_384 = vector.broadcast %jit3A_383 : f32 to vector<16xf32>
        %select_n3A_385 = arith.select %lt3A_364, %add3A_382, %broadcast_in_dim3A_384 : vector<16xi1>, vector<16xf32>
        %le3A = arith.constant 16 : i32
        %le3A_386 = arith.cmpi sle, %parallel_loop3A_362, %le3A : i32
        %convert_element_type3A = arith.extui %le3A_386 : i1 to i32
        %cond3A = arith.constant 0 : i32
        %cond3A_387 = arith.constant 0 : i32
        %cond3A_388 = arith.cmpi ne, %convert_element_type3A, %cond3A_387 : i32
        %cond3A_389:2 = scf.if %cond3A_388 -> (vector<16xf32>, vector<16xf32>) {
          %sub3A_401 = arith.constant 0 : i32
          %sub3A_402 = vector.broadcast %sub3A_401 : i32 to vector<16xi32>
          %sub3A_403 = arith.subi %sub3A_402, %select_n3A_372 : vector<16xi32>
          %broadcast_in_dim3A_404 = arith.constant true
          %broadcast_in_dim3A_405 = vector.broadcast %broadcast_in_dim3A_404 : i1 to vector<16xi1>
          %masked_cummax3A = arith.constant -2147483648 : i32
          %masked_cummax3A_406 = vector.broadcast %masked_cummax3A : i32 to vector<16xi32>
          %masked_cummax3A_407 = arith.xori %sub3A_403, %masked_cummax3A_406 : vector<16xi32>
          %masked_cummax3A_408 = tpu.scan <max>, %masked_cummax3A_407 masked %broadcast_in_dim3A_405 : vector<16xi32>, vector<16xi1> -> vector<16xi32>
          %masked_cummax3A_409 = arith.xori %masked_cummax3A_408, %masked_cummax3A_406 : vector<16xi32>
          %slice3A_410 = vector.extract_strided_slice %masked_cummax3A_409 {offsets = [15], sizes = [1], strides = [1]} : vector<16xi32> to vector<1xi32>
          %squeeze3A_411 = vector.extract %slice3A_410[0] : i32 from vector<1xi32>
          %sub3A_412 = arith.constant 0 : i32
          %sub3A_413 = arith.subi %sub3A_412, %squeeze3A_411 : i32
          %eq3A_414 = vector.broadcast %sub3A_413 : i32 to vector<16xi32>
          %eq3A_415 = arith.cmpi eq, %select_n3A_372, %eq3A_414 : vector<16xi32>
          %jit3A_416 = arith.constant 0.000000e+00 : f32
          %broadcast_in_dim3A_417 = vector.broadcast %jit3A_416 : f32 to vector<16xf32>
          %select_n3A_418 = arith.select %eq3A_415, %select_n3A_385, %broadcast_in_dim3A_417 : vector<16xi1>, vector<16xf32>
          scf.yield %select_n3A_385, %select_n3A_418 : vector<16xf32>, vector<16xf32>
        } else {
          %masked_sort3A = arith.constant dense<true> : vector<16xi1>
          %masked_sort3A_401 = arith.constant -2147483648 : i32
          %masked_sort3A_402 = vector.broadcast %masked_sort3A_401 : i32 to vector<16xi32>
          %masked_sort3A_403 = arith.xori %select_n3A_372, %masked_sort3A_402 : vector<16xi32>
          %masked_sort3A_404, %masked_sort3A_405, %masked_sort3A_406 = tpu.sort %masked_sort3A_403, %select_n3A_385 masked %masked_sort3A : (vector<16xi32>, vector<16xf32>, vector<16xi1>) -> (vector<16xi1>, vector<16xi32>, vector<16xf32>)
          %masked_sort3A_407 = arith.xori %masked_sort3A_405, %masked_sort3A_402 : vector<16xi32>
          %add3A_408 = arith.constant 15 : i32
          %add3A_409 = arith.addi %parallel_loop3A_362, %add3A_408 : i32
          %jit3A_410 = arith.constant 16 : i32
          %div3A_411 = arith.divsi %add3A_409, %jit3A_410 : i32
          %sign3A_412 = arith.constant 0 : i32
          %sign3A_413 = arith.cmpi sgt, %add3A_409, %sign3A_412 : i32
          %sign3A_414 = arith.extui %sign3A_413 : i1 to i32
          %sign3A_415 = arith.constant 0 : i32
          %sign3A_416 = arith.cmpi slt, %add3A_409, %sign3A_415 : i32
          %sign3A_417 = arith.extui %sign3A_416 : i1 to i32
          %sign3A_418 = arith.subi %sign3A_414, %sign3A_417 : i32
          %sign3A_419 = arith.constant 0 : i32
          %sign3A_420 = arith.cmpi sgt, %jit3A_410, %sign3A_419 : i32
          %sign3A_421 = arith.extui %sign3A_420 : i1 to i32
          %sign3A_422 = arith.constant 0 : i32
          %sign3A_423 = arith.cmpi slt, %jit3A_410, %sign3A_422 : i32
          %sign3A_424 = arith.extui %sign3A_423 : i1 to i32
          %sign3A_425 = arith.subi %sign3A_421, %sign3A_424 : i32
          %ne3A_426 = arith.cmpi ne, %sign3A_418, %sign3A_425 : i32
          %rem3A_427 = arith.remsi %add3A_409, %jit3A_410 : i32
          %ne3A_428 = arith.constant 0 : i32
          %ne3A_429 = arith.cmpi ne, %rem3A_427, %ne3A_428 : i32
          %and3A_430 = arith.andi %ne3A_426, %ne3A_429 : i1
          %sub3A_431 = arith.constant 1 : i32
          %sub3A_432 = arith.subi %div3A_411, %sub3A_431 : i32
          %select_n3A_433 = arith.select %and3A_430, %sub3A_432, %div3A_411 : i32
          %while3A_434 = arith.constant 1 : i32
          %while3A_435 = arith.subi %select_n3A_433, %while3A_434 : i32
          %while3A_436 = arith.addi %while3A_434, %while3A_435 : i32
          %while3A_437 = arith.constant 1 : i32
          %while3A_438 = arith.divsi %while3A_435, %while3A_437 : i32
          %while3A_439 = arith.muli %while3A_438, %while3A_437 : i32
          %while3A_440 = arith.addi %while3A_434, %while3A_439 : i32
          %while3A_441 = arith.constant 1 : i32
          %while3A_442:2 = scf.for %while3A_451 = %while3A_434 to %while3A_440 step %while3A_441 iter_args(%while3A_452 = %masked_sort3A_407, %while3A_453 = %masked_sort3A_406) -> (vector<16xi32>, vector<16xf32>)  : i32 {
            %mul3A_454 = arith.constant 16 : i32
            %mul3A_455 = arith.muli %while3A_451, %mul3A_454 : i32
            %add3A_456 = vector.broadcast %mul3A_455 : i32 to vector<16xi32>
            %add3A_457 = arith.addi %add3A_456, %iota3A : vector<16xi32>
            %lt3A_458 = vector.broadcast %parallel_loop3A_362 : i32 to vector<16xi32>
            %lt3A_459 = arith.cmpi slt, %add3A_457, %lt3A_458 : vector<16xi32>
            %mul3A_460 = arith.constant 16 : i32
            %mul3A_461 = arith.muli %while3A_451, %mul3A_460 : i32
            %get3A_462 = arith.index_cast %mul3A_461 : i32 to index
            %get3A_463 = tpu.vector_load %arg28[%get3A_462] {strides = array<i32>} : memref<1024xi32, #tpu.memory_space<vmem>>, vector<16xi32>,
            %jit3A_464 = arith.constant 0 : i32
            %broadcast_in_dim3A_465 = vector.broadcast %jit3A_464 : i32 to vector<16xi32>
            %select_n3A_466 = arith.select %lt3A_459, %get3A_463, %broadcast_in_dim3A_465 : vector<16xi1>, vector<16xi32>
            %jit3A_467 = arith.constant 2147483647 : i32
            %broadcast_in_dim3A_468 = vector.broadcast %jit3A_467 : i32 to vector<16xi32>
            %select_n3A_469 = arith.select %lt3A_459, %get3A_463, %broadcast_in_dim3A_468 : vector<16xi1>, vector<16xi32>
            %gather3A_470 = tpu.vector_load_idx %arg12[%select_n3A_466] : memref<4096xf32, #tpu.memory_space<vmem>>[vector<16xi32>], vector<16xf32>,
            %gather3A_471 = tpu.vector_load_idx %arg13[%select_n3A_466] : memref<4096xf32, #tpu.memory_space<vmem>>[vector<16xi32>], vector<16xf32>,
            %gather3A_472 = tpu.vector_load_idx %arg14[%select_n3A_466] : memref<4096xf32, #tpu.memory_space<vmem>>[vector<16xi32>], vector<16xf32>,
            %sub3A_473 = arith.subf %gather3A_470, %gather3A_357 : vector<16xf32>
            %abs3A_474 = math.absf %sub3A_473 : vector<16xf32>
            %sub3A_475 = arith.subf %gather3A_471, %gather3A_358 : vector<16xf32>
            %abs3A_476 = math.absf %sub3A_475 : vector<16xf32>
            %add3A_477 = arith.addf %abs3A_474, %abs3A_476 : vector<16xf32>
            %sub3A_478 = arith.subf %gather3A_472, %gather3A_359 : vector<16xf32>
            %abs3A_479 = math.absf %sub3A_478 : vector<16xf32>
            %add3A_480 = arith.addf %add3A_477, %abs3A_479 : vector<16xf32>
            %jit3A_481 = arith.constant 0.000000e+00 : f32
            %broadcast_in_dim3A_482 = vector.broadcast %jit3A_481 : f32 to vector<16xf32>
            %select_n3A_483 = arith.select %lt3A_459, %add3A_480, %broadcast_in_dim3A_482 : vector<16xi1>, vector<16xf32>
            %masked_sort3A_484 = arith.constant dense<true> : vector<16xi1>
            %masked_sort3A_485 = arith.constant -2147483648 : i32
            %masked_sort3A_486 = vector.broadcast %masked_sort3A_485 : i32 to vector<16xi32>
            %masked_sort3A_487 = arith.xori %select_n3A_469, %masked_sort3A_486 : vector<16xi32>
            %masked_sort3A_488, %masked_sort3A_489, %masked_sort3A_490 = tpu.sort %masked_sort3A_487, %select_n3A_483 masked %masked_sort3A_484 : (vector<16xi32>, vector<16xf32>, vector<16xi1>) -> (vector<16xi1>, vector<16xi32>, vector<16xf32>)
            %masked_sort3A_491 = arith.xori %masked_sort3A_489, %masked_sort3A_486 : vector<16xi32>
            %rev3A = arith.constant 15 : i32
            %rev3A_492 = vector.broadcast %rev3A : i32 to vector<16xi32>
            %rev3A_493 = tpu.iota {dimensions = array<i32: 0>} : vector<16xi32>
            %rev3A_494 = arith.subi %rev3A_492, %rev3A_493 : vector<16xi32>
            %rev3A_495 = tpu.dynamic_gather %while3A_452[%rev3A_494] in [0] : vector<16xi32>, vector<16xi32> -> vector<16xi32>
            %rev3A_496 = arith.constant 15 : i32
            %rev3A_497 = vector.broadcast %rev3A_496 : i32 to vector<16xi32>
            %rev3A_498 = tpu.iota {dimensions = array<i32: 0>} : vector<16xi32>
            %rev3A_499 = arith.subi %rev3A_497, %rev3A_498 : vector<16xi32>
            %rev3A_500 = tpu.dynamic_gather %while3A_453[%rev3A_499] in [0] : vector<16xf32>, vector<16xi32> -> vector<16xf32>
            %le3A_501 = arith.cmpi sle, %masked_sort3A_491, %rev3A_495 : vector<16xi32>
            %select_n3A_502 = arith.select %le3A_501, %masked_sort3A_491, %rev3A_495 : vector<16xi1>, vector<16xi32>
            %select_n3A_503 = arith.select %le3A_501, %masked_sort3A_490, %rev3A_500 : vector<16xi1>, vector<16xf32>
            %masked_sort3A_504 = arith.constant dense<true> : vector<16xi1>
            %masked_sort3A_505 = arith.constant -2147483648 : i32
            %masked_sort3A_506 = vector.broadcast %masked_sort3A_505 : i32 to vector<16xi32>
            %masked_sort3A_507 = arith.xori %select_n3A_502, %masked_sort3A_506 : vector<16xi32>
            %masked_sort3A_508, %masked_sort3A_509, %masked_sort3A_510 = tpu.sort %masked_sort3A_507, %select_n3A_503 masked %masked_sort3A_504 : (vector<16xi32>, vector<16xf32>, vector<16xi1>) -> (vector<16xi1>, vector<16xi32>, vector<16xf32>)
            %masked_sort3A_511 = arith.xori %masked_sort3A_509, %masked_sort3A_506 : vector<16xi32>
            scf.yield %masked_sort3A_511, %masked_sort3A_510 : vector<16xi32>, vector<16xf32>
          }
          %while3A_443 = arith.constant 1 : i32
          %while3A_444:2 = scf.for %while3A_451 = %while3A_440 to %while3A_436 step %while3A_443 iter_args(%while3A_452 = %while3A_442#0, %while3A_453 = %while3A_442#1) -> (vector<16xi32>, vector<16xf32>)  : i32 {
            %mul3A_454 = arith.constant 16 : i32
            %mul3A_455 = arith.muli %while3A_451, %mul3A_454 : i32
            %add3A_456 = vector.broadcast %mul3A_455 : i32 to vector<16xi32>
            %add3A_457 = arith.addi %add3A_456, %iota3A : vector<16xi32>
            %lt3A_458 = vector.broadcast %parallel_loop3A_362 : i32 to vector<16xi32>
            %lt3A_459 = arith.cmpi slt, %add3A_457, %lt3A_458 : vector<16xi32>
            %mul3A_460 = arith.constant 16 : i32
            %mul3A_461 = arith.muli %while3A_451, %mul3A_460 : i32
            %get3A_462 = arith.index_cast %mul3A_461 : i32 to index
            %get3A_463 = tpu.vector_load %arg28[%get3A_462] {strides = array<i32>} : memref<1024xi32, #tpu.memory_space<vmem>>, vector<16xi32>,
            %jit3A_464 = arith.constant 0 : i32
            %broadcast_in_dim3A_465 = vector.broadcast %jit3A_464 : i32 to vector<16xi32>
            %select_n3A_466 = arith.select %lt3A_459, %get3A_463, %broadcast_in_dim3A_465 : vector<16xi1>, vector<16xi32>
            %jit3A_467 = arith.constant 2147483647 : i32
            %broadcast_in_dim3A_468 = vector.broadcast %jit3A_467 : i32 to vector<16xi32>
            %select_n3A_469 = arith.select %lt3A_459, %get3A_463, %broadcast_in_dim3A_468 : vector<16xi1>, vector<16xi32>
            %gather3A_470 = tpu.vector_load_idx %arg12[%select_n3A_466] : memref<4096xf32, #tpu.memory_space<vmem>>[vector<16xi32>], vector<16xf32>,
            %gather3A_471 = tpu.vector_load_idx %arg13[%select_n3A_466] : memref<4096xf32, #tpu.memory_space<vmem>>[vector<16xi32>], vector<16xf32>,
            %gather3A_472 = tpu.vector_load_idx %arg14[%select_n3A_466] : memref<4096xf32, #tpu.memory_space<vmem>>[vector<16xi32>], vector<16xf32>,
            %sub3A_473 = arith.subf %gather3A_470, %gather3A_357 : vector<16xf32>
            %abs3A_474 = math.absf %sub3A_473 : vector<16xf32>
            %sub3A_475 = arith.subf %gather3A_471, %gather3A_358 : vector<16xf32>
            %abs3A_476 = math.absf %sub3A_475 : vector<16xf32>
            %add3A_477 = arith.addf %abs3A_474, %abs3A_476 : vector<16xf32>
            %sub3A_478 = arith.subf %gather3A_472, %gather3A_359 : vector<16xf32>
            %abs3A_479 = math.absf %sub3A_478 : vector<16xf32>
            %add3A_480 = arith.addf %add3A_477, %abs3A_479 : vector<16xf32>
            %jit3A_481 = arith.constant 0.000000e+00 : f32
            %broadcast_in_dim3A_482 = vector.broadcast %jit3A_481 : f32 to vector<16xf32>
            %select_n3A_483 = arith.select %lt3A_459, %add3A_480, %broadcast_in_dim3A_482 : vector<16xi1>, vector<16xf32>
            %masked_sort3A_484 = arith.constant dense<true> : vector<16xi1>
            %masked_sort3A_485 = arith.constant -2147483648 : i32
            %masked_sort3A_486 = vector.broadcast %masked_sort3A_485 : i32 to vector<16xi32>
            %masked_sort3A_487 = arith.xori %select_n3A_469, %masked_sort3A_486 : vector<16xi32>
            %masked_sort3A_488, %masked_sort3A_489, %masked_sort3A_490 = tpu.sort %masked_sort3A_487, %select_n3A_483 masked %masked_sort3A_484 : (vector<16xi32>, vector<16xf32>, vector<16xi1>) -> (vector<16xi1>, vector<16xi32>, vector<16xf32>)
            %masked_sort3A_491 = arith.xori %masked_sort3A_489, %masked_sort3A_486 : vector<16xi32>
            %rev3A = arith.constant 15 : i32
            %rev3A_492 = vector.broadcast %rev3A : i32 to vector<16xi32>
            %rev3A_493 = tpu.iota {dimensions = array<i32: 0>} : vector<16xi32>
            %rev3A_494 = arith.subi %rev3A_492, %rev3A_493 : vector<16xi32>
            %rev3A_495 = tpu.dynamic_gather %while3A_452[%rev3A_494] in [0] : vector<16xi32>, vector<16xi32> -> vector<16xi32>
            %rev3A_496 = arith.constant 15 : i32
            %rev3A_497 = vector.broadcast %rev3A_496 : i32 to vector<16xi32>
            %rev3A_498 = tpu.iota {dimensions = array<i32: 0>} : vector<16xi32>
            %rev3A_499 = arith.subi %rev3A_497, %rev3A_498 : vector<16xi32>
            %rev3A_500 = tpu.dynamic_gather %while3A_453[%rev3A_499] in [0] : vector<16xf32>, vector<16xi32> -> vector<16xf32>
            %le3A_501 = arith.cmpi sle, %masked_sort3A_491, %rev3A_495 : vector<16xi32>
            %select_n3A_502 = arith.select %le3A_501, %masked_sort3A_491, %rev3A_495 : vector<16xi1>, vector<16xi32>
            %select_n3A_503 = arith.select %le3A_501, %masked_sort3A_490, %rev3A_500 : vector<16xi1>, vector<16xf32>
            %masked_sort3A_504 = arith.constant dense<true> : vector<16xi1>
            %masked_sort3A_505 = arith.constant -2147483648 : i32
            %masked_sort3A_506 = vector.broadcast %masked_sort3A_505 : i32 to vector<16xi32>
            %masked_sort3A_507 = arith.xori %select_n3A_502, %masked_sort3A_506 : vector<16xi32>
            %masked_sort3A_508, %masked_sort3A_509, %masked_sort3A_510 = tpu.sort %masked_sort3A_507, %select_n3A_503 masked %masked_sort3A_504 : (vector<16xi32>, vector<16xf32>, vector<16xi1>) -> (vector<16xi1>, vector<16xi32>, vector<16xf32>)
            %masked_sort3A_511 = arith.xori %masked_sort3A_509, %masked_sort3A_506 : vector<16xi32>
            scf.yield %masked_sort3A_511, %masked_sort3A_510 : vector<16xi32>, vector<16xf32>
          }
          %eq3A_445 = arith.constant 0 : i32
          %eq3A_446 = vector.broadcast %eq3A_445 : i32 to vector<16xi32>
          %eq3A_447 = arith.cmpi eq, %iota3A, %eq3A_446 : vector<16xi32>
          %jit3A_448 = arith.constant 0.000000e+00 : f32
          %broadcast_in_dim3A_449 = vector.broadcast %jit3A_448 : f32 to vector<16xf32>
          %select_n3A_450 = arith.select %eq3A_447, %while3A_444#1, %broadcast_in_dim3A_449 : vector<16xi1>, vector<16xf32>
          scf.yield %while3A_444#1, %select_n3A_450 : vector<16xf32>, vector<16xf32>
        }
        %broadcast_in_dim3A_390 = vector.broadcast %parallel_loop3A_362 : i32 to vector<16xi32>
        %sub3A_391 = arith.constant 16 : i32
        %sub3A_392 = vector.broadcast %sub3A_391 : i32 to vector<16xi32>
        %sub3A_393 = arith.subi %sub3A_392, %broadcast_in_dim3A_390 : vector<16xi32>
        %max3A_394 = arith.constant 0 : i32
        %max3A_395 = vector.broadcast %max3A_394 : i32 to vector<16xi32>
        %max3A_396 = arith.maxsi %sub3A_393, %max3A_395 : vector<16xi32>
        %convert_element_type3A_397 = arith.sitofp %max3A_396 : vector<16xi32> to vector<16xf32>
        %add3A_398 = arith.addf %while3A_349, %cond3A_389#0 : vector<16xf32>
        %mul3A_399 = arith.mulf %convert_element_type3A_397, %cond3A_389#1 : vector<16xf32>
        %add3A_400 = arith.addf %add3A_398, %mul3A_399 : vector<16xf32>
        scf.yield %add3A_400 : vector<16xf32>
      }
      scf.yield %while3A_347 : vector<16xf32>
    }
    %swap3A = arith.constant 0 : index
    %swap3A_192 = tpu.vector_load %arg29[%swap3A] {strides = array<i32>} : memref<16xf32, #tpu.memory_space<vmem>>, vector<16xf32>,
    tpu.vector_store %arg29[%swap3A], %while3A_191 {strides = array<i32>} : memref<16xf32, #tpu.memory_space<vmem>>, vector<16xf32>,
    %mul3A_193 = arith.constant 16 : i32
    %mul3A_194 = arith.muli %arg0, %mul3A_193 : i32
    %add3A_195 = arith.addi %mul3A_194, %arg1 : i32
    %mul3A_196 = arith.constant 16 : i32
    %mul3A_197 = arith.muli %add3A_195, %mul3A_196 : i32
    "tpu.region"() ({
      %run_scoped3A = tpu.sem_alloc : memref<!tpu.dma_semaphore, #tpu.memory_space<semaphore_mem>>
      %dma_start3A = tpu.memref_slice %arg8[%mul3A_197] : memref<512xf32, #tpu.memory_space<hbm>> -> memref<16xf32, #tpu.memory_space<hbm>>
      %dma_start3A_198 = tpu.memref_slice %arg8[%mul3A_197] : memref<512xf32, #tpu.memory_space<hbm>> -> memref<16xf32, #tpu.memory_space<hbm>>
      tpu.enqueue_dma source(%arg29 : memref<16xf32, #tpu.memory_space<vmem>>) target(%dma_start3A_198 : memref<16xf32, #tpu.memory_space<hbm>>) target_semaphore(%run_scoped3A : memref<!tpu.dma_semaphore, #tpu.memory_space<semaphore_mem>>)
      %dma_wait3A = tpu.memref_slice %arg8[%mul3A_197] : memref<512xf32, #tpu.memory_space<hbm>> -> memref<16xf32, #tpu.memory_space<hbm>>
      %dma_wait3A_199 = tpu.memref_slice %arg8[%mul3A_197] : memref<512xf32, #tpu.memory_space<hbm>> -> memref<16xf32, #tpu.memory_space<hbm>>
      tpu.wait_dma2 semaphore(%run_scoped3A : memref<!tpu.dma_semaphore, #tpu.memory_space<semaphore_mem>>) src(%arg29 : memref<16xf32, #tpu.memory_space<vmem>>) dst(%dma_wait3A_199 : memref<16xf32, #tpu.memory_space<hbm>>)
      tpu.yield
    }) : () -> ()
    return
  }
}

</mosaic_0001>

<sc_bundles>
// kernel: kernel.3.cloned.1.call-start
scs
__scs_entry_jumppad:
0x0: {  	(pc) =	sbr.rel $0x88, $3  }
0x1: {  	(tag) =	ssettag $0x0;
	lr =	simm.s32 $0x1  }
0x2: {  	[smem:$0x3F9F] =	sst lr;
	_ =	strace $0xD0000000  }
0x3: {  	_ = 	snop  }
0x4: {  	_ = 	snop  }
0x5: {  	_ = 	snop  }
0x6: {  	_ = 	snop  }
0x7: {  	_ = 	snop  }
__scs_overlays_trampoline_lowered:
0x8: {  	[smem:$0x3FAE] =	sst s0  }
0x9: {  	[smem:$0x3FAF] =	sst s1  }
0xa: {  	[smem:$0x3FB0] =	sst s2  }
0xb: {  	[smem:$0x3FB1] =	sst s3  }
0xc: {  	[smem:$0x3FB2] =	sst s4  }
0xd: {  	[smem:$0x3FB3] =	sst s5  }
0xe: {  	[smem:$0x3FB4] =	sst s6  }
0xf: {  	[smem:$0x3FB5] =	sst s7  }
0x10: {  	[smem:$0x3FB6] =	sst s8  }
0x11: {  	[smem:$0x3FB7] =	sst s9;
	s0 =	simm.s32 @!p0 $0x0  }
0x12: {  	s1 =	sld [smem:$0x3F9D];
	s0 =	simm.s32 @p0 $0x1  }
0x13: {  	[smem:$0x3FB8] =	sst s0;
	s0 =	simm.s32 @!p1 $0x0  }
0x14: {  	s2 =	sld [smem:$0x3F9C];
	s0 =	simm.s32 @p1 $0x1  }
0x15: {  	[smem:$0x3FB9] =	sst s0;
	s0 =	simm.s32 @!p2 $0x0  }
0x16: {  	s3 =	sld [smem:$0x3FDB];
	s0 =	simm.s32 @p2 $0x1  }
0x17: {  	s4 =	simm.s32 $0x1BF5;
	[smem:$0x3FBB] =	sst s0  }
0x18: {  	s0 =	sld [smem:$0x3F9E];
	_ =	swait.ge [sflag:s4], $0x0  }
0x19: {  	s7 =	sld [smem:$0x3F9F]  }
0x1a: {  	s8 =	sadd.s32 $0xFFFFE003, lr  }
0x1b: {  	s9 =	sadd.s32 $0xFFFFFEF7, lr;
	s5 =	simm.s32 $0xFFFFFFFF;
	p2 =	slt.u32 s8, $0xFFFFF086  }
0x1c: {  	p1 =	slt.u32 s9, $0xF7A;
	s5 =	simm.s32 @!p2 $0x0  }
0x1d: {  	s5 =	simm.s32 @p1 $0x1;
	p0 =	seq.s32 s7, s2  }
0x1e: {  	s7 =	smul.u32 @!p0 $0xF7A, s2;
	p2 =	seq.s32 @!p0 s5, $0x0  }
0x1f: {  	s9 =	smul.u32 $0xF7A, s1;
	s8 =	simm.s32 @!p0 $0x1BF5;
	p2 =	por !p2, p0  }
0x20: {  	[sflag:s8] =	ssyncset.s32 @!p0 $0xFFFFF086;
	s6 =	sadd.s32 @!p0 s3, s7;
	s7 =	simm.s32 @!p0 $0x108  }
0x21: {  	s3 =	sadd.s32 s3, s9;
	s6 =	sadd.s32 @!p0 $0x88, s6;
	s7 =	simm.s32 @p2 $0x1082  }
0x22: {  	[simem:s7], [sflag:s8] =	dma.local @!p0 [hbm:s6], $0xF7A  }
0x23: {  	s9 =	sor.u32 $0xD0000000, s2;
	s6 =	simm.s32 $0x108;
	_ =	swait.ge @!p0 [sflag:s8], $0x0  }
0x24: {  	s3 =	sadd.s32 $0x88, s3;
	s6 =	simm.s32 @!p1 $0x1082;
	[sflag:s4] =	ssyncset.s32 $0xFFFFF086  }
0x25: {  	[simem:s6], [sflag:s4] =	dma.local [hbm:s3], $0xF7A  }
0x26: {  	[smem:$0x3F9F] =	sst s1;
	(tag) =	ssettag s2;
	_ =	strace s9  }
0x27: {  	s1 =	sld [smem:$0x3FAF]  }
0x28: {  	s2 =	sld [smem:$0x3FB0]  }
0x29: {  	s4 =	sld [smem:$0x3FB2]  }
0x2a: {  	p0 =	seq.s32 s5, $0x0;
	s5 =	sld [smem:$0x3FB3]  }
0x2b: {  	s6 =	sld [smem:$0x3FB4]  }
0x2c: {  	s7 =	sld [smem:$0x3FB5]  }
0x2d: {  	s3 =	simm.s32 $0x108;
	s8 =	sld [smem:$0x3FB6]  }
0x2e: {  	s3 =	simm.s32 @!p0 $0x1082;
	s9 =	sld [smem:$0x3FB7]  }
0x2f: {  	lr =	sadd.s32 s0, s3;
	s0 =	sld [smem:$0x3FAE]  }
0x30: {  	s3 =	sld [smem:$0x3FB1]  }
0x31: {  	[smem:$0x3FBA] =	sst s10  }
0x32: {  	s10 =	sld [smem:$0x3FB8];
	_ =	sdelay $0x3  }
0x33: {  	p0 =	seq.s32 s10, $0x1;
	s10 =	sld [smem:$0x3FBA];
	_ =	sdelay $0x3  }
0x34: {  	[smem:$0x3FBA] =	sst s10  }
0x35: {  	s10 =	sld [smem:$0x3FB9];
	_ =	sdelay $0x3  }
0x36: {  	p1 =	seq.s32 s10, $0x1;
	s10 =	sld [smem:$0x3FBA];
	_ =	sdelay $0x3  }
0x37: {  	[smem:$0x3FBA] =	sst s10  }
0x38: {  	s10 =	sld [smem:$0x3FBB]  }
0x39: {  	_ = 	snop;
	(pc) =	sbr.ind lr, $3  }
0x3a: {  	_ = 	snop  }
0x3b: {  	_ = 	snop  }
0x3c: {  	p2 =	seq.s32 s10, $0x1;
	s10 =	sld [smem:$0x3FBA]  }
0x3d: {  	_ =	shalt  }
0x3e: {  	_ =	shalt  }
0x3f: {  	_ =	shalt  }
0x40: {  	_ =	shalt  }
0x41: {  	_ =	shalt  }
0x42: {  	_ =	shalt  }
0x43: {  	_ =	shalt  }
0x44: {  	_ =	shalt  }
0x45: {  	_ =	shalt  }
0x46: {  	_ =	shalt  }
0x47: {  	_ =	shalt  }
0x48: {  	_ =	shalt  }
0x49: {  	_ =	shalt  }
0x4a: {  	_ =	shalt  }
0x4b: {  	_ =	shalt  }
0x4c: {  	_ =	shalt  }
0x4d: {  	_ =	shalt  }
0x4e: {  	_ =	shalt  }
0x4f: {  	_ =	shalt  }
0x50: {  	_ =	shalt  }
0x51: {  	_ =	shalt  }
0x52: {  	_ =	shalt  }
0x53: {  	_ =	shalt  }
0x54: {  	_ =	shalt  }
0x55: {  	_ =	shalt  }
0x56: {  	_ =	shalt  }
0x57: {  	_ =	shalt  }
0x58: {  	_ =	shalt  }
0x59: {  	_ =	shalt  }
0x5a: {  	_ =	shalt  }
0x5b: {  	_ =	shalt  }
0x5c: {  	_ =	shalt  }
0x5d: {  	_ =	shalt  }
0x5e: {  	_ =	shalt  }
0x5f: {  	_ =	shalt  }
0x60: {  	_ =	shalt  }
0x61: {  	_ =	shalt  }
0x62: {  	_ =	shalt  }
0x63: {  	_ =	shalt  }
0x64: {  	_ =	shalt  }
0x65: {  	_ =	shalt  }
0x66: {  	_ =	shalt  }
0x67: {  	_ =	shalt  }
0x68: {  	_ =	shalt  }
0x69: {  	_ =	shalt  }
0x6a: {  	_ =	shalt  }
0x6b: {  	_ =	shalt  }
0x6c: {  	_ =	shalt  }
0x6d: {  	_ =	shalt  }
0x6e: {  	_ =	shalt  }
0x6f: {  	_ =	shalt  }
0x70: {  	_ =	shalt  }
0x71: {  	_ =	shalt  }
0x72: {  	_ =	shalt  }
0x73: {  	_ =	shalt  }
0x74: {  	_ =	shalt  }
0x75: {  	_ =	shalt  }
0x76: {  	_ =	shalt  }
0x77: {  	_ =	shalt  }
0x78: {  	_ =	shalt  }
0x79: {  	_ =	shalt  }
0x7a: {  	_ =	shalt  }
0x7b: {  	_ =	shalt  }
0x7c: {  	_ =	shalt  }
0x7d: {  	_ =	shalt  }
0x7e: {  	_ =	shalt  }
0x7f: {  	_ =	shalt  }
0x80: {  	_ =	shalt  }
0x81: {  	_ =	shalt  }
0x82: {  	_ =	shalt  }
0x83: {  	_ =	shalt  }
0x84: {  	_ =	shalt  }
0x85: {  	_ =	shalt  }
0x86: {  	_ =	shalt  }
0x87: {  	_ =	shalt  }
.Lfunc_end0:
.L_simem_size_0:
called_computation_lowered:
.L_overlay_start_0:
0x88: {  	s2 =	sld [smem:$0x3FD9]  }
0x89: {  	s3 =	sld [smem:$0x3FFE];
	_ =	sdelay $0x1  }
0x8a: {  	s1 =	srdreg.scid  }
0x8b: {  	s0 =	sand.u32 $0x1, s1  }
0x8c: {  	s16 =	sshll.u32 s0, $0xA;
	s2 =	sadd.s32 s3, s2  }
0x8d: {  	s2 =	sadd.s32 s2, s16  }
0x8e: {  	[smem:$0x3FC6] =	sst s2  }
0x8f: {  	_ = 	snop  }
0x90: {  	(tm) =	ssettm $0x1  }
0x91: {  	s17 =	sld [smem:$0x3FFB];
	_ =	sdelay $0x3  }
0x92: {  	_ =	strace s17  }
0x93: {  	s2 =	sld [smem:$0x3FFC];
	_ =	sdelay $0x3  }
0x94: {  	_ =	strace s2  }
0x95: {  	s2 =	sld [smem:$0x3FFD];
	_ =	sdelay $0x3  }
0x96: {  	_ =	strace s2  }
0x97: {  	_ =	strace $0x8FFFFFFF  }
0x98: {  	s18 =	sld [smem:$0x3FDB];
	_ =	sdelay $0x1  }
0x99: {  	s19 =	simm.s32 $_scs_section_size  }
0x9a: {  	s4 =	simm.s32 $_size__tile_overlayer_lowered;
	s5 =	simm.s32 $_tile_overlayer_lowered  }
0x9b: {  	s22 =	simm.s32 $0x1BFF;
	s21 =	sshll.u32 s5, $0x1;
	s2 =	sadd.s32 s19, s18  }
0x9c: {  	s6 =	simm.s32 $0x0;
	s20 =	sshll.u32 s4, $0x1;
	s4 =	sadd.s32 s21, s2  }
0x9d: {  	[timem:s6], [sflag:s22] =	dma.local [hbm:s4], s20  }
0x9e: {  	_ =	swait.ge [sflag:s22], s20  }
0x9f: {  	s3 =	ssub.s32 $0x0, s20;
	[sflag:s22] =	ssyncset.done $0x0  }
0xa0: {  	[sflag:s22] =	ssyncadd.s32 s3;
	_ =	sdelay $0x1  }
0xa1: {  	s23 =	simm.s32 $0x1B8B  }
0xa2: {  	_ =	swait.ge [sflag:s23], $0x1  }
0xa3: {  	[sflag:s23] =	ssyncset.done $0x0  }
0xa4: {  	s25 =	simm.s32 $0x1B8E;
	s24 =	sld [smem:$0x3FFE];
	[sflag:s23] =	ssyncadd.s32 $0xFFFFFFFF  }
0xa5: {  	s26 =	simm.s32 $execute0_lowered;
	[smem:$0x3FD2] =	sst s25  }
0xa6: {  	s4 =	sshll.u32 s26, $0x1;
	_ =	strace $0x80000046;
	[dreg:$0x1] =	wrdreg $0xFFFFFFFF  }
0xa7: {  	s28 =	simm.s32 $_size_execute0_lowered;
	s2 =	sadd.s32 s2, s4;
	[dreg:$0x0] =	wrdreg $0x0  }
0xa8: {  	s4 =	sshll.u32 s28, $0x1;
	[dreg:$0x2] =	wrdreg s2  }
0xa9: {  	[dreg:$0x3] =	wrdreg s4  }
0xaa: {  	[dreg:$0x4] =	wrdreg $0xC0  }
0xab: {  	_ =	task [dreg:s6], $0x5FFFF  }
0xac: {  	[dreg:$0x1] =	wrdreg $0xFFFFFFFF  }
0xad: {  	[dreg:$0x0] =	wrdreg $0x60  }
0xae: {  	[dreg:$0x2] =	wrdreg s24  }
0xaf: {  	[dreg:$0x3] =	wrdreg $0xB8000  }
0xb0: {  	[dreg:$0x4] =	wrdreg $0xBC000  }
0xb1: {  	[dreg:$0x5] =	wrdreg $0x9  }
0xb2: {  	_ =	task.clear_ibuf [dreg:s6], $0x6FFFF;
	_ =	strace $0x90000046  }
0xb3: {  	s29 =	simm.s32 $0x9;
	_ =	strace $0x80000048  }
0xb4: {  	_ =	swait.ge [sflag:s29], $0x1  }
0xb5: {  	[sflag:s29] =	ssyncadd.s32 $0xFFFFFFFF  }
0xb6: {  	_ =	strace $0x90000048  }
0xb7: {  	_ =	sfence  }
0xb8: {  	s30 =	sld [smem:$0x0];
	_ =	sdelay $0x2  }
0xb9: {  	s31 =	sshll.u32 s1, $0xD;
	s1 =	sshrl.u32 s1, $0x2  }
0xba: {  	s3 =	sand.u32 $0x4000, s31;
	s1 =	sadd.s32 s1, s30  }
0xbb: {  	s0 =	sor.u32 s3, s0;
	s1 =	sshll.u32 s1, $0x11  }
0xbc: {  	s0 =	sor.u32 s1, s0  }
0xbd: {  	s0 =	sadd.s32 $0x8F2B, s0  }
0xbe: {  	[sflag:s0] =	ssyncadd.remote.s32 $0x1  }
0xbf: {  	_ =	sfence.sel $0xFFFF  }
0xc0: {  	[dreg:$0x0] =	wrdreg $0xFFFFFFFF;
	(pc) =	sbr.abs _section_cstart, $3  }
0xc1: {  	[dreg:$0x1] =	wrdreg $0xFFFFFFFF  }
0xc2: {  	_ =	task.clear_ibuf [dreg:s6], $0x2FFFF;
	_ =	strace $0x9FFFFFFF  }
0xc3: {  	(tm) =	ssettm $0x7FFFFFFF  }
tec
execute0_lowered:
.L_overlay_start_1:
0x0: {  	(tag) =	ssettag $0x1  }
0x1: {  	s0 =	rddreg [dreg:$0x0]  }
0x2: {  	s1 =	rddreg [dreg:$0x1]  }
0x3: {  	s12 =	rddreg [dreg:$0x2];
	s2 =	srdreg.scid  }
0x4: {  	s10 =	stileid.u32;
	s3 =	simm.s32 $0x0;
	s2 =	sand.u32 $0x1, s2  }
0x5: {  	s6 =	sshrl.u32 s10, $0x3;
	[smem:$0x7FF] =	sst s3;
	s19 =	sshll.u32 s10, $0x1  }
0x6: {  	s20 =	sand.u32 $0x7, s10;
	s10 =	sshll.u32 s10, $0xA;
	s5 =	sshll.u32 s2, $0xD  }
0x7: {  	s4 =	sshll.u32 s6, $0xC;
	_ =	strace $0x80000047;
	s7 =	ssub.s32 $0x2, s2  }
0x8: {  	s6 =	sshll.u32 s6, $0xD;
	s25 =	smul.u32 $0x1F4, s20;
	s26 =	sadd.s32 s10, s1  }
0x9: {  	s2 =	sshll.u32 s2, $0x5;
	s5 =	sor.u32 s5, s4;
	s9 =	sshrl.u32 s7, $0x1  }
0xa: {  	[dreg:$0xa] =	wrdreg s26;
	s1 =	sadd.s32 s6, s1;
	s28 =	sadd.s32 s4, s12  }
0xb: {  	s5 =	sshrl.u32 s5, $0x3;
	s7 =	ssub.s32 s7, s9;
	[dreg:$0xb] =	wrdreg s1  }
0xc: {  	[dreg:$0xc] =	wrdreg s28;
	s29 =	sadd.s32 $0x1F4, s25;
	s1 =	sshrl.u32 s25, $0x3  }
0xd: {  	s8 =	sadd.s32 s5, s0;
	s0 =	sadd.s32 s19, s0;
	s5 =	sshll.u32 s20, $0x9  }
0xe: {  	v0 =	vimm.s32 $0x0;
	vm0 =	vcmask $0x300;
	v1 =	vlaneseq.u32;
	s16 =	sshrl.u32 s29, $0x3;
	s18 =	smax.u32 s7, $0x1;
	s11 =	sadd.s32 $0x1600, s8  }
0xf: {  	v2 =	vsel vm0, $0x1, v0;
	v6 =	vmul.u32 $0xFFFFFFFF, v1;
	v5 =	vmov s20;
	s19 =	simm.s32 $0x1;
	s21 =	sadd.s32 $0xE00, s8;
	[dreg:$0x4] =	wrdreg s11  }
0x10: {  	vm0 =	veq.s32 v5, $0x7;
	vm1 =	vgt.u32 v5, $0x5;
	vm2 =	vgt.u32 v5, $0x4;
	s20 =	simm.s32 $0x1000;
	s22 =	sadd.s32 $0x600, s8;
	[dreg:$0x5] =	wrdreg s21  }
0x11: {  	vm3 =	vgt.u32 v5, $0x3;
	vm4 =	vgt.u32 v5, $0x2;
	vm5 =	vgt.u32 v5, $0x1;
	s23 =	sadd.s32 $0x2E00, s8;
	s24 =	sadd.s32 $0x2600, s8;
	[dreg:$0x6] =	wrdreg s22  }
.Ltmp0:
0x12: {  	vm6 =	veq.s32 v5, $0x0;
	v5 =	vadd.s32 $0xF, v6;
	s30 =	sor.u32 $0x2000, s5;
	v6 =	vmov s5;
	[dreg:$0x7] =	wrdreg s23;
	(pc) =	sbr.rel .LBB2_1-.Ltmp0, $4  }
0x13: {  	s8 =	sadd.s32 $0x1E00, s8;
	s31 =	sor.u32 $0x1000, s5;
	[dreg:$0x8] =	wrdreg s24;
	v4 =	vmov s30  }
0x14: {  	s0 =	sadd.s32 s2, s0;
	p0 =	sge.u32 s1, s16;
	[dreg:$0x9] =	wrdreg s8;
	v3 =	vmov s31  }
0x15: {  	s17 =	sadd.s32 $0x3600, s0;
	s21 =	simm.s32 $0x2000;
	s22 =	simm.s32 $0x3000  }
0x16: {  	vm7 =	vmmov $0x1;
	s23 =	simm.s32 $0x4000;
	s24 =	simm.s32 $0x5000;
	s0 =	simm.s32 $0x0  }
.LBB2_51:
0x17: {  	s0 =	sadd.s32 $0x1, s0  }
0x18: {  	p1 =	sne.s32 s0, s18  }
.Ltmp1:
0x19: {  	[tilespmem:$0xB780] =	vst v7;
	s2 =	simm.s32 $0xB780;
	(pc) =	sbr.rel @!p1 .LBB2_52-.Ltmp1, $4  }
0x1a: {  	[hbm4b:s17+s3] =	stream.linear.scatter [tilespmem:s2], [sflag:$0x1], $0x10, $0x38;
	[tilespmem:$0xBE00] =	vst v63  }
0x1b: {  	_ =	swait.ge [sflag:s19], $0x10  }
0x1c: {  	[sflag:s19] =	ssyncset.done $0x0  }
0x1d: {  	[sflag:s19] =	ssyncadd.s32 $0xFFFFFFF0  }
.LBB2_1:
0x1e: {  	s2 =	rddreg [dreg:$0x4]  }
0x1f: {  	[tilespmem:s3], [sflag:$0x1] =	stream.linear.gather [hbm4b:s2+s3], $0x1000, $0x38;
	[tilespmem:$0xBE00] =	vst v63  }
0x20: {  	_ =	swait.ge [sflag:s19], $0x1000  }
0x21: {  	[sflag:s19] =	ssyncset.done $0x0  }
0x22: {  	s26 =	rddreg [dreg:$0x5];
	[sflag:s19] =	ssyncadd.s32 $0xFFFFF000  }
0x23: {  	[tilespmem:s20], [sflag:$0x1] =	stream.linear.gather [hbm4b:s26+s3], $0x1000, $0x38;
	[tilespmem:$0xBE00] =	vst v63  }
0x24: {  	_ =	swait.ge [sflag:s19], $0x1000  }
0x25: {  	[sflag:s19] =	ssyncset.done $0x0  }
0x26: {  	s28 =	rddreg [dreg:$0x6];
	[sflag:s19] =	ssyncadd.s32 $0xFFFFF000  }
0x27: {  	[tilespmem:s21], [sflag:$0x1] =	stream.linear.gather [hbm4b:s28+s3], $0x1000, $0x38;
	[tilespmem:$0xBE00] =	vst v63  }
0x28: {  	_ =	swait.ge [sflag:s19], $0x1000  }
0x29: {  	[sflag:s19] =	ssyncset.done $0x0  }
0x2a: {  	s29 =	rddreg [dreg:$0x7];
	[sflag:s19] =	ssyncadd.s32 $0xFFFFF000  }
0x2b: {  	[tilespmem:s22], [sflag:$0x1] =	stream.linear.gather [hbm4b:s29+s3], $0x1000, $0x38;
	[tilespmem:$0xBE00] =	vst v63  }
0x2c: {  	_ =	swait.ge [sflag:s19], $0x1000  }
0x2d: {  	[sflag:s19] =	ssyncset.done $0x0  }
0x2e: {  	s30 =	rddreg [dreg:$0x8];
	[sflag:s19] =	ssyncadd.s32 $0xFFFFF000  }
0x2f: {  	[tilespmem:s23], [sflag:$0x1] =	stream.linear.gather [hbm4b:s30+s3], $0x1000, $0x38;
	[tilespmem:$0xBE00] =	vst v63  }
0x30: {  	_ =	swait.ge [sflag:s19], $0x1000  }
0x31: {  	[sflag:s19] =	ssyncset.done $0x0  }
0x32: {  	s31 =	rddreg [dreg:$0x9];
	[sflag:s19] =	ssyncadd.s32 $0xFFFFF000  }
0x33: {  	[tilespmem:s24], [sflag:$0x1] =	stream.linear.gather [hbm4b:s31+s3], $0x1000, $0x38;
	[tilespmem:$0xBE00] =	vst v63  }
0x34: {  	_ =	swait.ge [sflag:s19], $0x1000  }
0x35: {  	[sflag:s19] =	ssyncset.done $0x0  }
0x36: {  	s6 =	simm.s32 $0x0;
	[sflag:s19] =	ssyncadd.s32 $0xFFFFF000  }
0x37: {  	v7 =	vld.idx.msk [tilespmem:v6+s6+$0x0 ss:$0x1], $0xffff;
	_ =	sdelay $0x1  }
0x38: {  	v8 =	vld.idx.msk [tilespmem:v3+s6+$0x0 ss:$0x1], $0xffff;
	_ =	sdelay $0x2  }
0x39: {  	v9 =	vld.idx.msk [tilespmem:v4+s6+$0x0 ss:$0x1], $0xffff;
	v7 =	vmul.f32 $1.000000000e+01, v7;
	_ =	sdelay $0x1  }
0x3a: {  	v8 =	vmul.f32 $1.000000000e+01, v8;
	v7 =	vtrunc.f32 v7  }
0x3b: {  	v7 =	vcvt.f32.s32 v7  }
0x3c: {  	v8 =	vtrunc.f32 v8  }
0x3d: {  	v9 =	vmul.f32 $1.000000000e+01, v9;
	v8 =	vcvt.f32.s32 v8;
	vm8 =	vgt.s32 v7, $0x0  }
0x3e: {  	v7 =	vnsel vm8, $0x0, v7  }
0x3f: {  	v9 =	vtrunc.f32 v9;
	vm8 =	vgt.s32 v8, $0x0;
	v7 =	vmin.u32 v7, $0x9  }
0x40: {  	v9 =	vcvt.f32.s32 v9;
	v8 =	vnsel vm8, $0x0, v8;
	v7 =	vmul.u32 $0xA, v7  }
0x41: {  	v8 =	vmin.u32 v8, $0x9  }
0x42: {  	vm8 =	vgt.s32 v9, $0x0;
	v7 =	vadd.s32 v8, v7  }
0x43: {  	v8 =	vnsel vm8, $0x0, v9;
	v7 =	vmul.u32 $0xA, v7  }
0x44: {  	v63 =	vor.u32 s5, v1;
	v8 =	vmin.u32 v8, $0x9  }
0x45: {  	[tilespmem:s6+$0x6280] =	vst v63;
	v7 =	vadd.s32 v8, v7  }
0x46: {  	s7 =	simm.s32 $0x80;
	s2 =	simm.s32 $0x10;
	[tilespmem:s6+$0x6000] =	vst v7;
	s6 =	smov.u32 s5  }
.LBB2_2:
0x47: {  	p1 =	sne.s32 s7, $0x7C0;
	v7 =	vld.idx.msk [tilespmem:v6+s2+$0x0 ss:$0x1], $0xffff;
	s6 =	sadd.s32 $0x10, s6  }
0x48: {  	v8 =	vld.idx.msk [tilespmem:v4+s2+$0x0 ss:$0x1], $0xffff;
	v9 =	vor.u32 s6, v1  }
0x49: {  	v10 =	vld.idx.msk [tilespmem:v3+s2+$0x0 ss:$0x1], $0xffff;
	[tilespmem:s2+$0x6280] =	vst v9;
	_ =	sdelay $0x3  }
0x4a: {  	v7 =	vmul.f32 $1.000000000e+01, v7;
	_ =	sdelay $0x1  }
0x4b: {  	v7 =	vtrunc.f32 v7;
	v9 =	vmul.f32 $1.000000000e+01, v10  }
0x4c: {  	v7 =	vcvt.f32.s32 v7  }
0x4d: {  	v9 =	vtrunc.f32 v9  }
0x4e: {  	v8 =	vmul.f32 $1.000000000e+01, v8;
	vm8 =	vgt.s32 v7, $0x0;
	v9 =	vcvt.f32.s32 v9  }
0x4f: {  	v7 =	vnsel vm8, $0x0, v7  }
0x50: {  	v8 =	vtrunc.f32 v8;
	v7 =	vmin.u32 v7, $0x9;
	vm8 =	vgt.s32 v9, $0x0  }
0x51: {  	v8 =	vcvt.f32.s32 v8;
	v9 =	vnsel vm8, $0x0, v9;
	v7 =	vmul.u32 $0xA, v7  }
0x52: {  	v9 =	vmin.u32 v9, $0x9  }
.Ltmp2:
0x53: {  	vm8 =	vgt.s32 v8, $0x0;
	v7 =	vadd.s32 v9, v7;
	(pc) =	sbr.rel @p1 .LBB2_2-.Ltmp2, $4  }
0x54: {  	v8 =	vnsel vm8, $0x0, v8;
	v7 =	vmul.u32 $0xA, v7  }
0x55: {  	v8 =	vmin.u32 v8, $0x9  }
0x56: {  	v7 =	vadd.s32 v8, v7  }
0x57: {  	[tilespmem:s2+$0x6000] =	vst v7;
	s2 =	sshra.s32 s7, $0x2;
	s7 =	sadd.s32 $0x40, s7  }
0x58: {  	_ =	sdelay $0x3  }
0x59: {  	v7 =	vld.idx.msk [tilespmem:v6+s2+$0x0 ss:$0x1], $0xffff;
	_ =	sdelay $0x1  }
0x5a: {  	v8 =	vld.idx.msk [tilespmem:v3+s2+$0x0 ss:$0x1], $0xffff;
	_ =	sdelay $0x2  }
0x5b: {  	v9 =	vld.idx.msk [tilespmem:v4+s2+$0x0 ss:$0x1], $0xffff;
	v7 =	vmul.f32 $1.000000000e+01, v7;
	_ =	sdelay $0x1  }
0x5c: {  	v8 =	vmul.f32 $1.000000000e+01, v8;
	v7 =	vtrunc.f32 v7  }
0x5d: {  	v7 =	vcvt.f32.s32 v7  }
0x5e: {  	v8 =	vtrunc.f32 v8  }
0x5f: {  	v9 =	vmul.f32 $1.000000000e+01, v9;
	v8 =	vcvt.f32.s32 v8;
	vm8 =	vgt.s32 v7, $0x0  }
0x60: {  	v7 =	vnsel vm8, $0x0, v7  }
0x61: {  	v9 =	vtrunc.f32 v9;
	vm8 =	vgt.s32 v8, $0x0;
	v7 =	vmin.u32 v7, $0x9  }
0x62: {  	v9 =	vcvt.f32.s32 v9;
	v8 =	vnsel vm8, $0x0, v8;
	v7 =	vmul.u32 $0xA, v7  }
0x63: {  	p1 =	por $0x1, $0x1;
	v8 =	vmin.u32 v8, $0x9  }
.Ltmp3:
0x64: {  	vm8 =	vgt.s32 v9, $0x0;
	v7 =	vadd.s32 v8, v7;
	(pc) =	sbr.rel @!p1 .LBB2_5-.Ltmp3, $4  }
0x65: {  	s6 =	sadd.s32 $0x10, s6;
	v8 =	vnsel vm8, $0x0, v9;
	v7 =	vmul.u32 $0xA, v7  }
0x66: {  	v63 =	vor.u32 s6, v1;
	v8 =	vmin.u32 v8, $0x9  }
0x67: {  	[tilespmem:s2+$0x6280] =	vst v63;
	v7 =	vadd.s32 v8, v7  }
0x68: {  	s6 =	simm.s32 $0x0;
	[tilespmem:s2+$0x6000] =	vst v7;
	s2 =	simm.s32 $0x40  }
.LBB2_4:
0x69: {  	p1 =	sne.s32 s2, $0xFC0;
	[tilespmem:s6+$0x6480] =	vst v0;
	s6 =	smov.u32 s2;
	s2 =	sadd.s32 $0x40, s2  }
.Ltmp4:
0x6a: {  	(pc) =	sbr.rel @p1 .LBB2_4-.Ltmp4, $2  }
0x6b: {  	_ =	sdelay $0x2  }
0x6c: {  	s6 =	sshra.s32 s6, $0x2  }
.LBB2_5:
0x6d: {  	p1 =	por $0x1, $0x1  }
.Ltmp5:
0x6e: {  	_ = 	snop;
	(pc) =	sbr.rel @!p1 .LBB2_7-.Ltmp5, $2  }
0x6f: {  	_ =	sdelay $0x2  }
0x70: {  	[tilespmem:s6+$0x6480] =	vst v0;
	s6 =	simm.s32 $0x0;
	s2 =	simm.s32 $0x4  }
.LBB2_6:
0x71: {  	p1 =	sne.s32 s2, $0x7FC;
	v7 =	vld [tilespmem:s6+$0x6000];
	_ =	sdelay $0x4  }
0x72: {  	(v2sf) =	vpush v7, $0x0;
	_ =	sdelay $0xe  }
0x73: {  	s7 =	spop (v2sf)  }
0x74: {  	v7 =	vld [tilespmem:s7+$0x6480];
	_ =	sdelay $0x1  }
.Ltmp6:
0x75: {  	(pc) =	sbr.rel @p1 .LBB2_6-.Ltmp6, $3  }
0x76: {  	_ =	sdelay $0x1  }
0x77: {  	v7 =	vadd.s32 v2, v7  }
0x78: {  	s6 =	sshra.s32 s2, $0x2;
	s2 =	sadd.s32 $0x4, s2;
	[tilespmem:s7+$0x6480] =	vst v7  }
.LBB2_7:
0x79: {  	v7 =	vld [tilespmem:s6+$0x6000];
	_ =	sdelay $0x4  }
0x7a: {  	(v2sf) =	vpush v7, $0x0;
	_ =	sdelay $0xe  }
0x7b: {  	s2 =	spop (v2sf)  }
0x7c: {  	v7 =	vld [tilespmem:s2+$0x6480];
	_ =	sdelay $0x4  }
0x7d: {  	v7 =	vadd.s32 v2, v7  }
0x7e: {  	s26 =	rddreg [dreg:$0xa];
	s28 =	simm.s32 $0x6480;
	[tilespmem:s2+$0x6480] =	vst v7  }
0x7f: {  	[spmem:s26] =	stream.linear.scatter [tilespmem:s28], [sflag:$0x1], $0x400, $0x38;
	[tilespmem:$0xBE00] =	vst v63  }
0x80: {  	_ =	swait.ge [sflag:s19], $0x400  }
0x81: {  	[sflag:s19] =	ssyncset.done $0x0  }
0x82: {  	[sflag:s19] =	ssyncadd.s32 $0xFFFFFC00  }
0x83: {  	[bflag:$0x0] =	sbarrier.arrive $0xFFFF  }
0x84: {  	s29 =	simm.s32 $0x6880;
	s30 =	rddreg [dreg:$0xb]  }
0x85: {  	[tilespmem:s29], [sflag:$0x1] =	stream.linear.gather [spmem:s30], $0x2000, $0x38;
	[tilespmem:$0xBE00] =	vst v63  }
0x86: {  	_ =	swait.ge [sflag:s19], $0x2000  }
0x87: {  	[sflag:s19] =	ssyncset.done $0x0  }
0x88: {  	s2 =	simm.s32 $0x0;
	[sflag:s19] =	ssyncadd.s32 $0xFFFFE000  }
0x89: {  	s31 =	sand.u32 $0x3F0, s2;
	v7 =	vld [tilespmem:s29+$0x0]  }
0x8a: {  	v8 =	vld [tilespmem:s31+$0x6C80]  }
0x8b: {  	v9 =	vld [tilespmem:s31+$0x7080]  }
0x8c: {  	v10 =	vld [tilespmem:s31+$0x7480]  }
0x8d: {  	v11 =	vld [tilespmem:s31+$0x7880]  }
0x8e: {  	v12 =	vld [tilespmem:s31+$0x7C80]  }
0x8f: {  	v14 =	vld [tilespmem:s31+$0x8080];
	v13 =	vadd.s32 v7, v8  }
0x90: {  	v15 =	vld [tilespmem:s31+$0x8480];
	v13 =	vadd.s32 v9, v13  }
0x91: {  	v13 =	vadd.s32 v10, v13  }
0x92: {  	v13 =	vadd.s32 v11, v13  }
0x93: {  	v13 =	vadd.s32 v12, v13  }
0x94: {  	v13 =	vadd.s32 v14, v13  }
0x95: {  	v13 =	vadd.s32 v15, v13  }
0x96: {  	(xrf0) =	vadd.scan.msk.s32 $0xffff, v13;
	_ =	sdelay $0x1  }
0x97: {  	v7 =	vsel vm6, $0x0, v7;
	v8 =	vnsel vm5, $0x0, v8  }
0x98: {  	v7 =	vadd.s32 v7, v8;
	v8 =	vnsel vm4, $0x0, v9  }
0x99: {  	v7 =	vadd.s32 v8, v7;
	v8 =	vnsel vm3, $0x0, v10  }
0x9a: {  	v7 =	vadd.s32 v8, v7;
	v8 =	vnsel vm2, $0x0, v11  }
0x9b: {  	v7 =	vadd.s32 v8, v7;
	v8 =	vnsel vm1, $0x0, v12;
	v10, _, _ =	vpop (xrf0)  }
0x9c: {  	v9 =	vnsel vm0, $0x0, v14;
	v7 =	vadd.s32 v8, v7;
	v8 =	vsub.s32 v10, v13  }
0x9d: {  	s6 =	simm.s32 $0x8880;
	v7 =	vadd.s32 v9, v7;
	v8 =	vadd.s32 s2, v8  }
0x9e: {  	s7 =	simm.s32 $0x8C80;
	[tilespmem:s6+$0x0] =	vst v8;
	v7 =	vadd.s32 v8, v7  }
0x9f: {  	s9 =	simm.s32 $0x10;
	s8 =	simm.s32 $0x6890;
	(v2sf) =	vpush v10, $0xF;
	[tilespmem:s7+$0x0] =	vst v7  }
0xa0: {  	s10 =	sand.u32 $0x3F0, s9;
	v10 =	vld [tilespmem:s8+$0x0]  }
0xa1: {  	v13 =	vld [tilespmem:s10+$0x6C80]  }
0xa2: {  	v12 =	vld [tilespmem:s10+$0x7080]  }
0xa3: {  	v11 =	vld [tilespmem:s10+$0x7480]  }
0xa4: {  	v9 =	vld [tilespmem:s10+$0x7880]  }
0xa5: {  	v7 =	vld [tilespmem:s10+$0x7C80]  }
0xa6: {  	v14 =	vadd.s32 v10, v13  }
0xa7: {  	v14 =	vadd.s32 v12, v14  }
0xa8: {  	v14 =	vadd.s32 v11, v14  }
0xa9: {  	v8 =	vld [tilespmem:s10+$0x8080];
	v14 =	vadd.s32 v9, v14  }
0xaa: {  	v15 =	vadd.s32 v7, v14;
	v14 =	vld [tilespmem:s10+$0x8480];
	_ =	sdelay $0x3  }
0xab: {  	s9 =	simm.s32 $0x20;
	s10 =	simm.s32 $0x30;
	v15 =	vadd.s32 v8, v15;
	s11 =	spop (v2sf)  }
.LBB2_8:
0xac: {  	p1 =	sne.s32 s10, $0x3F0;
	v14 =	vadd.s32 v14, v15;
	s2 =	sadd.s32 s2, s11  }
0xad: {  	(xrf0) =	vadd.scan.msk.s32 $0xffff, v14;
	_ =	sdelay $0x1  }
0xae: {  	v10 =	vsel vm6, $0x0, v10;
	v13 =	vnsel vm5, $0x0, v13  }
0xaf: {  	v12 =	vnsel vm4, $0x0, v12;
	v10 =	vadd.s32 v10, v13  }
0xb0: {  	v11 =	vnsel vm3, $0x0, v11;
	v12 =	vadd.s32 v12, v10  }
0xb1: {  	v9 =	vnsel vm2, $0x0, v9;
	v11 =	vadd.s32 v11, v12  }
0xb2: {  	v7 =	vnsel vm1, $0x0, v7;
	v8 =	vnsel vm0, $0x0, v8;
	v9 =	vadd.s32 v9, v11;
	v10, _, _ =	vpop (xrf0)  }
0xb3: {  	v7 =	vadd.s32 v7, v9;
	v9 =	vsub.s32 v10, v14;
	(v2sf) =	vpush v10, $0xF  }
0xb4: {  	s6 =	sadd.s32 $0x10, s6;
	v7 =	vadd.s32 v8, v7;
	v8 =	vadd.s32 s2, v9  }
0xb5: {  	s7 =	sadd.s32 $0x10, s7;
	[tilespmem:s6+$0x0] =	vst v8;
	v7 =	vadd.s32 v8, v7  }
0xb6: {  	s8 =	sadd.s32 $0x10, s8;
	[tilespmem:s7+$0x0] =	vst v7  }
0xb7: {  	s11 =	sand.u32 $0x3F0, s9;
	s9 =	smov.u32 s10;
	v10 =	vld [tilespmem:s8+$0x0]  }
0xb8: {  	v13 =	vld [tilespmem:s11+$0x6C80]  }
0xb9: {  	v12 =	vld [tilespmem:s11+$0x7080]  }
0xba: {  	v11 =	vld [tilespmem:s11+$0x7480]  }
0xbb: {  	v9 =	vld [tilespmem:s11+$0x7880]  }
0xbc: {  	v7 =	vld [tilespmem:s11+$0x7C80]  }
0xbd: {  	v14 =	vadd.s32 v10, v13;
	v8 =	vld [tilespmem:s11+$0x8080]  }
.Ltmp7:
0xbe: {  	v15 =	vadd.s32 v12, v14;
	v14 =	vld [tilespmem:s11+$0x8480];
	(pc) =	sbr.rel @p1 .LBB2_8-.Ltmp7, $4  }
0xbf: {  	v15 =	vadd.s32 v11, v15  }
0xc0: {  	v15 =	vadd.s32 v9, v15  }
0xc1: {  	v15 =	vadd.s32 v7, v15  }
0xc2: {  	s10 =	sadd.s32 $0x10, s10;
	v15 =	vadd.s32 v8, v15;
	s11 =	spop (v2sf)  }
0xc3: {  	v14 =	vadd.s32 v14, v15  }
0xc4: {  	(xrf0) =	vadd.scan.msk.s32 $0xffff, v14;
	_ =	sdelay $0x1  }
0xc5: {  	v10 =	vsel vm6, $0x0, v10;
	v13 =	vnsel vm5, $0x0, v13  }
0xc6: {  	v12 =	vnsel vm4, $0x0, v12;
	v10 =	vadd.s32 v10, v13  }
0xc7: {  	v11 =	vnsel vm3, $0x0, v11;
	v10 =	vadd.s32 v12, v10  }
0xc8: {  	v9 =	vnsel vm2, $0x0, v9;
	v10 =	vadd.s32 v11, v10  }
0xc9: {  	v7 =	vnsel vm1, $0x0, v7;
	v9 =	vadd.s32 v9, v10;
	v53, _, _ =	vpop (xrf0)  }
0xca: {  	s2 =	sadd.s32 s2, s11;
	v8 =	vnsel vm0, $0x0, v8;
	v7 =	vadd.s32 v7, v9;
	v54 =	vsub.s32 v53, v14  }
0xcb: {  	s6 =	sadd.s32 $0x10, s6;
	v7 =	vadd.s32 v8, v7;
	v8 =	vadd.s32 s2, v54  }
0xcc: {  	s7 =	sadd.s32 $0x10, s7;
	[tilespmem:s6+$0x0] =	vst v8;
	v7 =	vadd.s32 v8, v7  }
0xcd: {  	s8 =	sadd.s32 $0x10, s8;
	[tilespmem:s7+$0x0] =	vst v7  }
0xce: {  	s14 =	sand.u32 $0x3F0, s9;
	v7 =	vld [tilespmem:s8+$0x0]  }
0xcf: {  	v8 =	vld [tilespmem:s14+$0x6C80]  }
0xd0: {  	v55 =	vld [tilespmem:s14+$0x7080]  }
0xd1: {  	v56 =	vld [tilespmem:s14+$0x7480]  }
0xd2: {  	(v2sf) =	vpush v53, $0xF;
	v57 =	vld [tilespmem:s14+$0x7880]  }
0xd3: {  	v58 =	vld [tilespmem:s14+$0x7C80]  }
0xd4: {  	v60 =	vld [tilespmem:s14+$0x8080];
	v59 =	vadd.s32 v7, v8  }
0xd5: {  	v61 =	vld [tilespmem:s14+$0x8480];
	v13 =	vadd.s32 v55, v59  }
0xd6: {  	v13 =	vadd.s32 v56, v13  }
0xd7: {  	v13 =	vadd.s32 v57, v13  }
0xd8: {  	v13 =	vadd.s32 v58, v13  }
0xd9: {  	v13 =	vadd.s32 v60, v13  }
0xda: {  	v13 =	vadd.s32 v61, v13  }
0xdb: {  	(xrf0) =	vadd.scan.msk.s32 $0xffff, v13;
	_ =	sdelay $0x1  }
0xdc: {  	v7 =	vsel vm6, $0x0, v7;
	v8 =	vnsel vm5, $0x0, v8  }
0xdd: {  	v7 =	vadd.s32 v7, v8;
	v8 =	vnsel vm4, $0x0, v55  }
0xde: {  	v7 =	vadd.s32 v8, v7;
	v8 =	vnsel vm3, $0x0, v56  }
0xdf: {  	v7 =	vadd.s32 v8, v7;
	v8 =	vnsel vm2, $0x0, v57  }
0xe0: {  	v7 =	vadd.s32 v8, v7;
	v8 =	vnsel vm1, $0x0, v58;
	s15 =	spop (v2sf);
	v62, _, _ =	vpop (xrf0)  }
0xe1: {  	v63 =	vnsel vm0, $0x0, v60;
	v7 =	vadd.s32 v8, v7;
	s2 =	sadd.s32 s2, s15;
	v8 =	vsub.s32 v62, v13  }
0xe2: {  	s25 =	sadd.s32 $0x10, s6;
	v7 =	vadd.s32 v63, v7;
	v8 =	vadd.s32 s2, v8  }
0xe3: {  	s26 =	sadd.s32 $0x10, s7;
	[tilespmem:s25+$0x0] =	vst v8;
	v7 =	vadd.s32 v8, v7  }
0xe4: {  	s2 =	simm.s32 $0x0;
	[tilespmem:s26+$0x0] =	vst v7  }
0xe5: {  	v7 =	vld [tilespmem:s2+$0x6000];
	_ =	sdelay $0x3  }
0xe6: {  	(v2sf) =	vpush v62, $0xF  }
0xe7: {  	(v2sf) =	vpush v7, $0x0;
	_ =	sdelay $0xd  }
0xe8: {  	s28 =	spop (v2sf)  }
0xe9: {  	s29 =	spop (v2sf)  }
0xea: {  	v7 =	vld [tilespmem:s29+$0x8C80];
	_ =	sdelay $0x4  }
0xeb: {  	(v2sf) =	vpush v7, $0x0;
	_ =	sdelay $0x7  }
0xec: {  	v7 =	vadd.s32 v2, v7  }
0xed: {  	s6 =	simm.s32 $0x1;
	[tilespmem:s29+$0x8C80] =	vst v7  }
0xee: {  	v7 =	vld [tilespmem:s6+$0x6000];
	_ =	sdelay $0x4  }
0xef: {  	s30 =	spop (v2sf);
	(v2sf) =	vpush v7, $0x0;
	_ =	sdelay $0x4  }
0xf0: {  	v8 =	vld [tilespmem:s2+$0x9080];
	_ =	sdelay $0x3  }
0xf1: {  	vm8 =	veq.s32 v1, $0x0;
	s31 =	sadd.s32 s4, s30  }
0xf2: {  	s7 =	simm.s32 $0x8;
	v7 =	vsel vm8, s31, v8  }
.LBB2_10:
0xf3: {  	p1 =	sne.s32 s7, $0x7FC;
	[tilespmem:s2+$0x9080] =	vst v7;
	s8 =	smov.u32 s7;
	s7 =	sadd.s32 $0x4, s7  }
0xf4: {  	s2 =	smov.u32 s6;
	_ =	sdelay $0x2  }
0xf5: {  	s9 =	spop (v2sf)  }
0xf6: {  	v7 =	vld [tilespmem:s9+$0x8C80];
	_ =	sdelay $0x4  }
0xf7: {  	v8 =	vadd.s32 v2, v7;
	(v2sf) =	vpush v7, $0x0  }
0xf8: {  	s6 =	sshra.s32 s8, $0x2;
	[tilespmem:s9+$0x8C80] =	vst v8  }
0xf9: {  	v7 =	vld [tilespmem:s6+$0x6000];
	_ =	sdelay $0x4  }
0xfa: {  	(v2sf) =	vpush v7, $0x0;
	_ =	sdelay $0x4  }
0xfb: {  	v7 =	vld [tilespmem:s2+$0x9080]  }
.Ltmp8:
0xfc: {  	(pc) =	sbr.rel @p1 .LBB2_10-.Ltmp8, $4  }
0xfd: {  	_ = 	snop  }
0xfe: {  	s8 =	spop (v2sf)  }
0xff: {  	s8 =	sadd.s32 s4, s8  }
0x100: {  	v7 =	vsel vm8, s8, v7  }
0x101: {  	_ =	sdelay $0x3  }
0x102: {  	[tilespmem:s2+$0x9080] =	vst v7;
	s30 =	spop (v2sf)  }
0x103: {  	v7 =	vld [tilespmem:s30+$0x8C80];
	_ =	sdelay $0x4  }
0x104: {  	(v2sf) =	vpush v7, $0x0;
	_ =	sdelay $0x9  }
0x105: {  	v7 =	vadd.s32 v2, v7  }
0x106: {  	[tilespmem:s30+$0x8C80] =	vst v7  }
0x107: {  	v7 =	vld [tilespmem:s6+$0x9080];
	_ =	sdelay $0x2  }
0x108: {  	s31 =	spop (v2sf)  }
0x109: {  	vm8 =	veq.s32 v1, $0x0;
	s2 =	sadd.s32 s4, s31  }
0x10a: {  	v7 =	vsel vm8, s2, v7  }
0x10b: {  	s2 =	simm.s32 $0x0;
	[tilespmem:s6+$0x9080] =	vst v7  }
0x10c: {  	s6 =	simm.s32 $0x40;
	v7 =	vld [tilespmem:s2+$0x9080]  }
.LBB2_12:
0x10d: {  	p1 =	sne.s32 s6, $0x7C0  }
.Ltmp9:
0x10e: {  	_ = 	snop;
	(pc) =	sbr.rel @p1 .LBB2_12-.Ltmp9, $3  }
0x10f: {  	_ =	sdelay $0x1  }
0x110: {  	[tilespmem:s2+$0x9300] =	vst v7;
	s2 =	sshra.s32 s6, $0x2;
	s6 =	sadd.s32 $0x40, s6  }
0x111: {  	v7 =	vld [tilespmem:s2+$0x9080]  }
0x112: {  	_ =	sdelay $0x2  }
0x113: {  	s29 =	rddreg [dreg:$0x2]  }
0x114: {  	s6 =	simm.s32 $0x200;
	s7 =	simm.s32 $0x9300;
	s8 =	simm.s32 $0x6280;
	[tilespmem:s2+$0x9300] =	vst v7  }
0x115: {  	[spmem:s29] =	stream.indirect.scatter [tilespmem:s8], [sflag:$0x1], $0x1, s7, s6, $0xb8;
	[tilespmem:$0xBE00] =	vst v63  }
0x116: {  	_ =	swait.ge [sflag:s19], $0x200  }
0x117: {  	[sflag:s19] =	ssyncset.done $0x0  }
0x118: {  	[sflag:s19] =	ssyncadd.s32 $0xFFFFFE00  }
0x119: {  	[bflag:$0x0] =	sbarrier.arrive $0xFFFF  }
0x11a: {  	s31 =	simm.s32 $0x9500;
	s30 =	rddreg [dreg:$0xc]  }
0x11b: {  	[tilespmem:s31], [sflag:$0x1] =	stream.linear.gather [spmem:s30], $0x1000, $0x38;
	[tilespmem:$0xBE00] =	vst v63  }
.Ltmp10:
0x11c: {  	_ = 	snop;
	(pc) =	sbr.rel @p0 .LBB2_51-.Ltmp10, $4  }
.Ltmp11:
0x11d: {  	_ = 	snop;
	(pc) =	sbr.rel @!p0 .LBB2_14-.Ltmp11, $4  }
0x11e: {  	_ =	swait.ge [sflag:s19], $0x1000  }
0x11f: {  	[sflag:s19] =	ssyncset.done $0x0  }
0x120: {  	s15 =	smov.u32 s1;
	v7 =	vimm.f32 $0.0e+00;
	[sflag:s19] =	ssyncadd.s32 $0xFFFFF000  }
0x121: {  	_ = 	snop  }
.LBB2_50:
0x122: {  	s15 =	sadd.s32 $0x1, s15  }
0x123: {  	p1 =	sne.s32 s15, s16  }
.Ltmp12:
0x124: {  	_ = 	snop;
	(pc) =	sbr.rel @!p1 .LBB2_51-.Ltmp12, $1  }
0x125: {  	_ =	sdelay $0x3  }
.LBB2_14:
0x126: {  	s2 =	smulhi.u32 $0xCCCCCCCD, s15;
	_ =	sdelay $0x1  }
0x127: {  	s2 =	sshrl.u32 s2, $0x2  }
0x128: {  	s6 =	smulhi.u32 $0x1999999A, s2;
	_ =	sdelay $0x1  }
0x129: {  	s6 =	smul.u32 $0xA, s6;
	_ =	sdelay $0x1  }
0x12a: {  	s6 =	ssub.s32 s2, s6  }
0x12b: {  	p2 =	slt.u32 s15, $0x5;
	p1 =	sne.s32 s6, $0x0  }
0x12c: {  	s7 =	smulhi.u32 $0x51EB851F, s15;
	p1 =	por !p2, !p1  }
0x12d: {  	s8 =	simm.s32 $0x1;
	p1 =	por !p1, !p1  }
0x12e: {  	s7 =	sshrl.u32 s7, $0x4;
	s8 =	simm.s32 @!p1 $0x0  }
0x12f: {  	s7 =	ssub.s32 s7, s8  }
0x130: {  	s8 =	smul.u32 $0xA, s7;
	_ =	sdelay $0x1  }
0x131: {  	s2 =	smul.u32 $0x5, s2;
	s8 =	sadd.s32 s6, s8  }
0x132: {  	s8 =	smul.u32 $0x28, s8  }
.Ltmp13:
0x133: {  	s2 =	ssub.s32 s15, s2;
	(pc) =	sbr.rel .LBB2_15-.Ltmp13, $4  }
0x134: {  	s9 =	sshll.u32 s2, $0x1;
	s8 =	sshra.s32 s8, $0x2  }
0x135: {  	s10 =	simm.s32 $0x0;
	s30 =	simm.s32 $0x0;
	s8 =	sadd.s32 s9, s8  }
0x136: {  	s2 =	sadd.s32 $0xFFFFFFFF, s6;
	s29 =	smax.u32 s9, $0x1;
	s31 =	smin.u32 s9, $0x7;
	v8 =	vld [tilespmem:s8+$0x8880]  }
0x137: {  	s25 =	sadd.s32 $0xFFFFFFFF, s29;
	s28 =	sadd.s32 $0x3, s31;
	s26 =	sadd.s32 $0xFFFFFFFF, s7;
	v9 =	vld [tilespmem:s8+$0x8882]  }
.LBB2_17:
0x138: {  	v15 =	vmov v23;
	v16 =	vmov v23;
	s29 =	smov.u32 s10  }
.LBB2_24:
0x139: {  	p3 =	slt.s32 @p2 s9, $0x300  }
0x13a: {  	p3 =	por !p3, !p2  }
0x13b: {  	s11 =	spop @p2 (v2sf);
	s9 =	simm.s32 @p3 $0x300  }
0x13c: {  	s11 =	sadd.s32 @p2 s9, s11  }
0x13d: {  	[tilespmem:s29+$0xAC80] =	vst.msk @p2 vm12, v20;
	p3 =	slt.s32 @p2 s11, $0x300  }
0x13e: {  	v18 =	vmpcnt.ones.xlane vm8;
	[tilespmem:s29+$0xB000] =	vst.msk @p2 vm12, v29;
	p3 =	por !p3, !p2  }
0x13f: {  	s12 =	smov.u32 s10;
	[tilespmem:s9+$0xA580] =	vst.msk @p2 vm13, v30;
	s11 =	simm.s32 @p3 $0x300  }
0x140: {  	(v2sf) =	vpush v18, $0x0;
	[tilespmem:s9+$0xA900] =	vst.msk @p2 vm13, v31;
	s12 =	smov.u32 @p2 s11;
	s11 =	spop @p1 (v2sf)  }
0x141: {  	[tilespmem:s9+$0xAC80] =	vst.msk @p2 vm13, v32;
	s11 =	sadd.s32 @p1 s12, s11  }
0x142: {  	vm10 =	vmmov @p1 vm10;
	v18 =	vmov @p1 v21;
	[tilespmem:s9+$0xB000] =	vst.msk @p2 vm13, v33;
	s9 =	smov.u32 @p1 s11  }
0x143: {  	[tilespmem:s12+$0xA580] =	vst.msk @p1 vm10, v23;
	p2 =	slt.s32 @p1 s9, $0x300  }
0x144: {  	v14 =	vpsel p1, v14, v0;
	[tilespmem:s12+$0xA900] =	vst.msk @p1 vm10, v18;
	vm10 =	vmmov @p1 vm10;
	p2 =	por !p2, !p1  }
0x145: {  	vm11 =	vmmov @p1 vm11;
	v17 =	vpsel p1, v17, v0;
	v18 =	vmov @p1 v26;
	s11 =	spop @p1 (v2sf);
	[tilespmem:s12+$0xAC80] =	vst.msk @p1 vm10, v14;
	s9 =	simm.s32 @p2 $0x300  }
0x146: {  	v14 =	vpsel p1, v18, v0;
	[tilespmem:s12+$0xB000] =	vst.msk @p1 vm10, v17;
	vm10 =	vmmov @p1 vm11;
	s11 =	sadd.s32 @p1 s9, s11  }
0x147: {  	v15 =	vld.idx.msk [tilespmem:v15+s3+$0x0], vm9;
	v11 =	vpsel p1, v11, v0;
	[tilespmem:s9+$0xA580] =	vst.msk @p1 vm10, v14;
	p2 =	slt.s32 @p1 s11, $0x300  }
0x148: {  	v60 =	vld.idx.msk [tilespmem:v16+s20+$0x0], vm9;
	v12 =	vpsel p1, v12, v0;
	[tilespmem:s9+$0xA900] =	vst.msk @p1 vm10, v11;
	p2 =	por !p2, !p1  }
0x149: {  	v13 =	vpsel p1, v13, v0;
	vm13 =	vmmov vm9;
	v11 =	vld.idx.msk [tilespmem:v16+s21+$0x0], vm9;
	[tilespmem:s9+$0xAC80] =	vst.msk @p1 vm10, v12;
	s11 =	simm.s32 @p2 $0x300  }
0x14a: {  	vm14 =	vmmov vm13;
	[tilespmem:s9+$0xB000] =	vst.msk @p1 vm10, v13;
	s10 =	smov.u32 @p1 s11  }
0x14b: {  	v61 =	vld.idx.msk [tilespmem:v10+s3+$0x0], vm8;
	s14 =	spop (v2sf);
	[tilespmem:s10+$0xA580] =	vst.msk vm14, v16  }
0x14c: {  	v62 =	vld.idx.msk [tilespmem:v10+s20+$0x0], vm8;
	s9 =	sadd.s32 s10, s14;
	[tilespmem:s10+$0xA900] =	vst.msk vm14, v15  }
0x14d: {  	vm15 =	vmmov vm8;
	v63 =	vld.idx.msk [tilespmem:v10+s21+$0x0], vm8;
	p1 =	slt.s32 s9, $0x300;
	[tilespmem:s10+$0xAC80] =	vst.msk vm14, v60  }
0x14e: {  	vm8 =	vmmov vm15;
	s9 =	simm.s32 @!p1 $0x300;
	[tilespmem:s10+$0xB000] =	vst.msk vm14, v11  }
0x14f: {  	s29 =	spop (v2sf);
	[tilespmem:s9+$0xA580] =	vst.msk vm8, v10  }
0x150: {  	s10 =	sadd.s32 s9, s29;
	[tilespmem:s9+$0xA900] =	vst.msk vm8, v61  }
0x151: {  	p1 =	slt.s32 s10, $0x300;
	[tilespmem:s9+$0xAC80] =	vst.msk vm8, v62  }
0x152: {  	s10 =	simm.s32 @!p1 $0x300;
	[tilespmem:s9+$0xB000] =	vst.msk vm8, v63  }
.LBB2_25:
0x153: {  	s7 =	ssub.s32 s7, s8  }
0x154: {  	p1 =	slt.s32 s7, $0x1  }
0x155: {  	s7 =	sshll.u32 @!p1 s8, $0x4  }
0x156: {  	v10 =	vlaneseq.u32 @!p1;
	s6 =	sadd.s32 @!p1 s6, s7  }
0x157: {  	v10 =	vadd.s32 @!p1 s6, v10  }
0x158: {  	vm8 =	vlt.s32 @!p1 v10, s31  }
0x159: {  	v10 =	vmpcnt.ones.xlane @!p1 vm8;
	_ =	sdelay $0x1  }
0x15a: {  	(v2sf) =	vpush @!p1 v10, $0x0;
	_ =	sdelay $0x4  }
0x15b: {  	v10 =	vld @!p1 [tilespmem:s6+$0x9500];
	_ =	sdelay $0x6  }
0x15c: {  	s6 =	simm.s32 @!p1 $0x0  }
0x15d: {  	v11 =	vld.idx.msk @!p1 [tilespmem:v10+s6+$0x0], vm8;
	s6 =	simm.s32 @!p1 $0x1000  }
0x15e: {  	v12 =	vld.idx.msk @!p1 [tilespmem:v10+s6+$0x0], vm8;
	s6 =	simm.s32 @!p1 $0x2000  }
0x15f: {  	v13 =	vld.idx.msk @!p1 [tilespmem:v10+s6+$0x0], vm8;
	s6 =	spop @!p1 (v2sf)  }
0x160: {  	s7 =	smov.u32 s10;
	s10 =	sadd.s32 @!p1 s10, s6  }
0x161: {  	[tilespmem:s7+$0xA580] =	vst.msk @!p1 vm8, v10;
	p2 =	slt.s32 @!p1 s10, $0x300  }
0x162: {  	[tilespmem:s7+$0xA900] =	vst.msk @!p1 vm8, v11;
	p2 =	por !p2, p1  }
0x163: {  	s30 =	sadd.s32 $0x1, s30;
	[tilespmem:s7+$0xAC80] =	vst.msk @!p1 vm8, v12;
	s10 =	simm.s32 @p2 $0x300  }
0x164: {  	[tilespmem:s7+$0xB000] =	vst.msk @!p1 vm8, v13;
	s10 =	smov.u32 @p1 s7;
	p1 =	sne.s32 s30, $0x9  }
.Ltmp14:
0x165: {  	_ = 	snop;
	(pc) =	sbr.rel @!p1 .LBB2_26-.Ltmp14, $1  }
0x166: {  	_ =	sdelay $0x3  }
.LBB2_15:
0x167: {  	s6 =	smul.u32 $0xAB, s30;
	_ =	sdelay $0x1  }
0x168: {  	s6 =	sshrl.u32 s6, $0x9  }
0x169: {  	s6 =	sand.u32 $0x7F, s6  }
0x16a: {  	s7 =	smul.u32 $0x3, s6;
	_ =	sdelay $0x1  }
0x16b: {  	s6 =	sadd.s32 s6, s26;
	s7 =	ssub.s32 s30, s7  }
0x16c: {  	s8 =	smul.u32 $0xA, s6;
	s7 =	sand.u32 $0xFF, s7  }
0x16d: {  	s7 =	sadd.s32 s7, s2  }
0x16e: {  	s8 =	sadd.s32 s7, s8  }
0x16f: {  	p1 =	slt.u32 s6, $0xA;
	p2 =	slt.u32 s7, $0xA;
	s13 =	smul.u32 $0xA, s8  }
0x170: {  	p1 =	por !p1, !p2  }
0x171: {  	p1 =	por !p1, !p1;
	s7 =	sadd.s32 s25, s13  }
0x172: {  	s6 =	sadd.s32 s13, s28;
	s7 =	simm.s32 @!p1 $0x0  }
0x173: {  	s6 =	simm.s32 @!p1 $0x0;
	v10 =	vld [tilespmem:s7+$0x8880]  }
0x174: {  	v11 =	vld [tilespmem:s6+$0x8880];
	_ =	sdelay $0x3  }
0x175: {  	(v2sf) =	vpush v10, $0x0  }
0x176: {  	(v2sf) =	vpush v11, $0x0;
	_ =	sdelay $0xd  }
0x177: {  	s6 =	spop (v2sf)  }
0x178: {  	s7 =	spop (v2sf);
	s31 =	smov.u32 s6  }
0x179: {  	s31 =	smov.u32 @p1 s7  }
0x17a: {  	s7 =	ssub.s32 s31, s6  }
0x17b: {  	s7 =	sadd.s32 $0xF, s7  }
0x17c: {  	s14 =	sand.u32 $0xF, s7  }
0x17d: {  	s29 =	sshra.s32 s7, $0x1F;
	p6 =	slt.s32 s7, $0x1;
	p5 =	sne.s32 s14, $0x0  }
0x17e: {  	s8 =	sshrl.u32 s29, $0x1C;
	p1 =	por !p6, !p5  }
0x17f: {  	s7 =	sadd.s32 s8, s7;
	s8 =	simm.s32 $0x1;
	p1 =	por !p1, !p1  }
0x180: {  	s7 =	sshra.s32 s7, $0x4;
	s8 =	simm.s32 @!p1 $0x0  }
0x181: {  	s7 =	ssub.s32 s7, s8  }
0x182: {  	s8 =	sshrl.u32 s7, $0x1F  }
0x183: {  	s8 =	sadd.s32 s8, s7  }
0x184: {  	s8 =	sand.u32 $0xFFFFFFFE, s8  }
0x185: {  	p1 =	slt.s32 s8, $0x1  }
.Ltmp15:
0x186: {  	_ = 	snop;
	(pc) =	sbr.rel @p1 .LBB2_25-.Ltmp15, $1  }
0x187: {  	_ =	sdelay $0x3  }
0x188: {  	s11 =	sadd.s32 $0x10, s6  }
0x189: {  	s12 =	sadd.s32 $0xFFFFFFF0, s11  }
0x18a: {  	v20 =	vmov s31;
	v10 =	vadd.s32 s12, v1  }
0x18b: {  	vm9 =	vlt.s32 v10, v20  }
0x18c: {  	v11 =	vmpcnt.ones.xlane vm9;
	_ =	sdelay $0x1  }
0x18d: {  	(v2sf) =	vpush v11, $0x0;
	_ =	sdelay $0x6  }
0x18e: {  	s9 =	sshll.u32 s6, $0x2  }
0x18f: {  	s9 =	sshra.s32 s9, $0x2  }
0x190: {  	p3 =	sgt.s32 s8, $0x2;
	s9 =	sadd.s32 $0x9510, s9  }
.Ltmp16:
0x191: {  	v23 =	vld [tilespmem:s9+$0xFFFFFFF0];
	(pc) =	sbr.rel @!p3 .LBB2_17-.Ltmp16, $4  }
0x192: {  	_ = 	snop  }
0x193: {  	v10 =	vld [tilespmem:s9+$0x0]  }
0x194: {  	v12 =	vadd.s32 s11, v1  }
0x195: {  	p1 =	por $0x0, $0x0;
	p2 =	por $0x0, $0x0;
	vm8 =	vlt.s32 v12, v20;
	s9 =	sadd.s32 $0x20, s9  }
0x196: {  	v12 =	vmpcnt.ones.xlane vm8  }
0x197: {  	s11 =	sadd.s32 $0x20, s11  }
0x198: {  	s12 =	sadd.s32 $0xFFFFFFF0, s11;
	(v2sf) =	vpush v12, $0x0  }
0x199: {  	v11 =	vadd.s32 s12, v1  }
0x19a: {  	vm13 =	vlt.s32 v11, v20  }
0x19b: {  	v13 =	vmpcnt.ones.xlane vm13;
	_ =	sdelay $0x1  }
0x19c: {  	(v2sf) =	vpush v13, $0x0  }
0x19d: {  	v18 =	vld [tilespmem:s9+$0xFFFFFFF0]  }
0x19e: {  	v19 =	vld [tilespmem:s9+$0x0]  }
0x19f: {  	v21 =	vld.idx.msk [tilespmem:v23+s3+$0x0], vm9;
	p3 =	sgt.s32 s8, $0x4  }
.Ltmp17:
0x1a0: {  	v14 =	vld.idx.msk [tilespmem:v23+s20+$0x0], vm9;
	(pc) =	sbr.rel @!p3 .LBB2_19-.Ltmp17, $4  }
0x1a1: {  	v17 =	vld.idx.msk [tilespmem:v23+s21+$0x0], vm9  }
0x1a2: {  	v12 =	vld.idx.msk [tilespmem:v10+s20+$0x0], vm8  }
0x1a3: {  	v15 =	vadd.s32 s11, v1;
	v11 =	vld.idx.msk [tilespmem:v10+s3+$0x0], vm8  }
0x1a4: {  	vm10 =	vmmov vm9;
	vm11 =	vmmov vm8;
	s9 =	sadd.s32 $0x20, s9;
	p1 =	por $0x1, $0x1;
	vm14 =	vlt.s32 v15, v20;
	v13 =	vld.idx.msk [tilespmem:v10+s21+$0x0], vm8  }
0x1a5: {  	s11 =	sadd.s32 $0x20, s11  }
0x1a6: {  	s12 =	sadd.s32 $0xFFFFFFF0, s11  }
0x1a7: {  	v16 =	vadd.s32 s12, v1  }
0x1a8: {  	v27 =	vmpcnt.ones.xlane vm14;
	vm9 =	vlt.s32 v16, v20  }
0x1a9: {  	v16 =	vmpcnt.ones.xlane vm9  }
0x1aa: {  	(v2sf) =	vpush v27, $0x0  }
0x1ab: {  	v15 =	vld [tilespmem:s9+$0xFFFFFFF0];
	(v2sf) =	vpush v16, $0x0  }
0x1ac: {  	v22 =	vld [tilespmem:s9+$0x0]  }
0x1ad: {  	v26 =	vld.idx.msk [tilespmem:v18+s3+$0x0], vm13;
	p3 =	sgt.s32 s8, $0x6  }
.Ltmp18:
0x1ae: {  	v28 =	vld.idx.msk [tilespmem:v18+s20+$0x0], vm13;
	(pc) =	sbr.rel @!p3 .LBB2_21-.Ltmp18, $4  }
0x1af: {  	v24 =	vld.idx.msk [tilespmem:v18+s21+$0x0], vm13  }
0x1b0: {  	vm12 =	vmmov vm10;
	v25 =	vld.idx.msk [tilespmem:v19+s3+$0x0], vm14  }
0x1b1: {  	vm10 =	vmmov vm13;
	s29 =	spop (v2sf);
	s13 =	sadd.s32 $0x20, s9;
	p2 =	por $0x1, $0x1;
	v29 =	vadd.s32 s11, v1;
	[tilespmem:s10+$0xA580] =	vst.msk vm12, v23;
	v23 =	vld.idx.msk [tilespmem:v19+s21+$0x0], vm14;
	v16 =	vmov v15  }
0x1b2: {  	vm13 =	vmmov vm11;
	vm11 =	vmmov vm14;
	s9 =	sadd.s32 s10, s29;
	s29 =	smov.u32 s10;
	s12 =	simm.s32 $0x6;
	v27 =	vld.idx.msk [tilespmem:v19+s20+$0x0], vm14;
	vm8 =	vlt.s32 v29, v20;
	[tilespmem:s10+$0xA900] =	vst.msk vm12, v21  }
.LBB2_22:
0x1b3: {  	v21 =	vld [tilespmem:s13+$0xFFFFFFF0];
	v29 =	vmpcnt.ones.xlane vm8;
	[tilespmem:s29+$0xAC80] =	vst.msk vm12, v14;
	p3 =	slt.s32 s9, $0x300;
	v30 =	vmov v26;
	s11 =	sadd.s32 $0x20, s11  }
0x1b4: {  	v14 =	vmov v28;
	s12 =	sadd.s32 $0x2, s12;
	v31 =	vld [tilespmem:s13+$0x0];
	[tilespmem:s29+$0xB000] =	vst.msk vm12, v17;
	s9 =	simm.s32 @!p3 $0x300;
	s29 =	spop (v2sf);
	vm12 =	vmmov vm10;
	vm10 =	vmmov vm9  }
0x1b5: {  	s14 =	sadd.s32 $0xFFFFFFF0, s11;
	v17 =	vmovc v24;
	p3 =	slt.s32 s12, s8;
	v26 =	vld.idx.msk [tilespmem:v15+s3+$0x0], vm9;
	(v2sf) =	vpush v29, $0x0;
	[tilespmem:s9+$0xA580] =	vst.msk vm13, v10;
	s29 =	sadd.s32 s9, s29;
	v10 =	vmov v19;
	v19 =	vmov v22  }
.Ltmp19:
0x1b6: {  	v32 =	vadd.s32 s14, v1;
	v28 =	vld.idx.msk [tilespmem:v16+s20+$0x0], vm9;
	[tilespmem:s9+$0xA900] =	vst.msk vm13, v11;
	p4 =	slt.s32 s29, $0x300;
	v11 =	vmov v25;
	(pc) =	sbr.rel @p3 .LBB2_22-.Ltmp19, $4  }
0x1b7: {  	v24 =	vld.idx.msk [tilespmem:v16+s21+$0x0], vm9;
	vm9 =	vlt.s32 v32, v20;
	[tilespmem:s9+$0xAC80] =	vst.msk vm13, v12;
	s29 =	simm.s32 @!p4 $0x300;
	v12 =	vmov v27  }
0x1b8: {  	v29 =	vmpcnt.ones.xlane vm9;
	v25 =	vld.idx.msk [tilespmem:v22+s3+$0x0], vm8;
	[tilespmem:s9+$0xB000] =	vst.msk vm13, v13;
	v15 =	vmovc v21;
	v13 =	vmovc v23;
	vm13 =	vmmov vm11;
	vm11 =	vmmov vm8  }
0x1b9: {  	v32 =	vadd.s32 s11, v1;
	v27 =	vld.idx.msk [tilespmem:v22+s20+$0x0], vm8;
	[tilespmem:s29+$0xA580] =	vst.msk vm12, v18;
	s9 =	spop (v2sf);
	v18 =	vmovc v16;
	v16 =	vmov v21;
	v22 =	vmov v31  }
0x1ba: {  	s13 =	sadd.s32 $0x20, s13;
	(v2sf) =	vpush v29, $0x0;
	v23 =	vld.idx.msk [tilespmem:v19+s21+$0x0], vm8;
	vm8 =	vlt.s32 v32, v20;
	[tilespmem:s29+$0xA900] =	vst.msk vm12, v30;
	s9 =	sadd.s32 s29, s9  }
.Ltmp20:
0x1bb: {  	_ = 	snop;
	(pc) =	sbr.rel .LBB2_24-.Ltmp20, $4  }
0x1bc: {  	_ = 	snop  }
0x1bd: {  	v20 =	vmovc v14;
	v29 =	vmovc v17;
	v30 =	vmov v10;
	v31 =	vmov v11;
	v32 =	vmov v12  }
0x1be: {  	v33 =	vmovc v13;
	v21 =	vmovc v26;
	v14 =	vmov v28;
	v26 =	vmov v19;
	v10 =	vmov v22  }
0x1bf: {  	v17 =	vmovc v24;
	v11 =	vmovc v25;
	v12 =	vmov v27;
	v13 =	vmov v23;
	v23 =	vmov v18  }
.LBB2_19:
.Ltmp21:
0x1c0: {  	(pc) =	sbr.rel .LBB2_24-.Ltmp21, $3  }
0x1c1: {  	_ =	sdelay $0x1  }
0x1c2: {  	v26 =	vmov v10  }
0x1c3: {  	vm8 =	vmmov vm14;
	s29 =	smov.u32 s10;
	vm9 =	vmmov vm13;
	v15 =	vmovc v18;
	v10 =	vmovc v19;
	v16 =	vmov v18  }
.LBB2_21:
.Ltmp22:
0x1c4: {  	_ = 	snop;
	(pc) =	sbr.rel .LBB2_24-.Ltmp22, $4  }
0x1c5: {  	v20 =	vmov v14  }
0x1c6: {  	v29 =	vmovc v17;
	v30 =	vmovc v10;
	v31 =	vmov v11;
	v32 =	vmov v12;
	v33 =	vmov v13  }
0x1c7: {  	v21 =	vmovc v26;
	v14 =	vmovc v28;
	v26 =	vmov v19;
	v10 =	vmov v22;
	v16 =	vmov v15  }
0x1c8: {  	s29 =	smov.u32 s10;
	v17 =	vmovc v24;
	v11 =	vmovc v25;
	v13 =	vmov v23;
	v23 =	vmov v18;
	v12 =	vmov v27  }
.LBB2_26:
0x1c9: {  	(v2sf) =	vpush v8, $0x0  }
0x1ca: {  	(v2sf) =	vpush v9, $0x0;
	_ =	sdelay $0xd  }
0x1cb: {  	s2 =	spop (v2sf)  }
0x1cc: {  	s25 =	spop (v2sf)  }
0x1cd: {  	p1 =	sge.s32 s2, s25  }
.Ltmp23:
0x1ce: {  	_ = 	snop;
	(pc) =	sbr.rel @p1 .LBB2_50-.Ltmp23, $1  }
0x1cf: {  	_ =	sdelay $0x3  }
0x1d0: {  	s6 =	sadd.s32 $0xF, s10  }
0x1d1: {  	s7 =	sand.u32 $0xF, s6  }
0x1d2: {  	p1 =	slt.s32 s10, $0xFFFFFFF2;
	s8 =	sshra.s32 s6, $0x1F;
	p2 =	sne.s32 s7, $0x0  }
0x1d3: {  	s31 =	sshrl.u32 s8, $0x1C;
	p1 =	por !p1, !p2  }
0x1d4: {  	s7 =	simm.s32 $0x1;
	s6 =	sadd.s32 s31, s6;
	p1 =	por !p1, !p1  }
0x1d5: {  	s6 =	sshra.s32 s6, $0x4;
	s7 =	simm.s32 @!p1 $0x0  }
0x1d6: {  	s6 =	ssub.s32 s6, s7  }
0x1d7: {  	s7 =	sshrl.u32 s6, $0x1F  }
.Ltmp24:
0x1d8: {  	s7 =	sadd.s32 s7, s6;
	(pc) =	sbr.rel .LBB2_28-.Ltmp24, $4  }
0x1d9: {  	s26 =	sand.u32 $0xFFFFFFFE, s7  }
0x1da: {  	s6 =	ssub.s32 s6, s26;
	s28 =	sshll.u32 s26, $0x4  }
0x1db: {  	v8 =	vmov s10;
	v9 =	vor.u32 s28, v1;
	p1 =	slt.s32 s6, $0x1  }
0x1dc: {  	p2 =	slt.s32 s26, $0x1;
	vm8 =	vlt.s32 @!p1 v9, v8  }
.LBB2_39:
0x1dd: {  	v9 =	vsub.s32 $0x80000000, v14  }
0x1de: {  	(xrf0) =	vmax.scan.msk.u32 $0xffff, v9;
	_ =	sdelay $0x5  }
0x1df: {  	v9, _, _ =	vpop (xrf0)  }
0x1e0: {  	(v2sf) =	vpush v9, $0xF;
	_ =	sdelay $0xe  }
0x1e1: {  	s6 =	spop (v2sf)  }
0x1e2: {  	s6 =	sxor.u32 $0x7FFFFFFF, s6  }
0x1e3: {  	s6 =	sadd.s32 $0x1, s6  }
0x1e4: {  	vm9 =	veq.s32 v14, s6  }
0x1e5: {  	v9 =	vnsel vm9, $0x0, v13  }
.LBB2_49:
0x1e6: {  	v10 =	vsub.s32 $0x10, v12  }
0x1e7: {  	s2 =	sadd.s32 $0x1, s2;
	vm9 =	vgt.s32 v10, $0x0  }
0x1e8: {  	p3 =	sne.s32 s2, s25;
	v10 =	vnsel vm9, $0x0, v10  }
.Ltmp25:
0x1e9: {  	v10 =	vcvt.s32.f32 v10;
	(pc) =	sbr.rel @!p3 .LBB2_50-.Ltmp25, $3  }
0x1ea: {  	_ = 	snop  }
0x1eb: {  	v7 =	vadd.f32 v13, v7;
	v9 =	vmul.f32 v10, v9;
	_ =	sdelay $0x1  }
0x1ec: {  	v7 =	vadd.f32 v9, v7  }
.LBB2_28:
0x1ed: {  	v9 =	vld.msk [tilespmem:s2+$0x9500 ss:$0x0], $0xffff;
	_ =	sdelay $0x6  }
0x1ee: {  	s7 =	simm.s32 $0x0  }
0x1ef: {  	v12 =	vld.idx.msk [tilespmem:v9+s7+$0x0], $0xffff  }
.Ltmp26:
0x1f0: {  	v14 =	vld.idx.msk [tilespmem:v9+s21+$0x0], $0xffff;
	(pc) =	sbr.rel @p2 .LBB2_38-.Ltmp26, $4  }
0x1f1: {  	v13 =	vld.idx.msk [tilespmem:v9+s20+$0x0], $0xffff  }
0x1f2: {  	v11 =	vld.idx.msk [tilespmem:v9+s22+$0x0], $0xffff  }
0x1f3: {  	v10 =	vld.idx.msk [tilespmem:v9+s23+$0x0], $0xffff  }
0x1f4: {  	v9 =	vld.idx.msk [tilespmem:v9+s24+$0x0], $0xffff  }
0x1f5: {  	s10 =	simm.s32 $0xA910  }
0x1f6: {  	s9 =	simm.s32 $0xAC90;
	v15 =	vld [tilespmem:s10+$0xFFFFFFF0]  }
0x1f7: {  	s8 =	simm.s32 $0xB010;
	v16 =	vld [tilespmem:s9+$0xFFFFFFF0]  }
0x1f8: {  	v17 =	vld [tilespmem:s8+$0xFFFFFFF0]  }
0x1f9: {  	v20 =	vld [tilespmem:s10+$0x0]  }
0x1fa: {  	p5 =	sgt.s32 s26, $0x2;
	v21 =	vld [tilespmem:s9+$0x0]  }
.Ltmp27:
0x1fb: {  	_ = 	snop;
	(pc) =	sbr.rel @!p5 .LBB2_30-.Ltmp27, $4  }
0x1fc: {  	_ = 	snop  }
0x1fd: {  	v15 =	vsub.f32 v15, v12;
	v16 =	vsub.f32 v16, v13  }
0x1fe: {  	s6 =	simm.s32 $0x0;
	s7 =	simm.s32 $0xA590;
	v18 =	vsub.f32 v17, v14;
	v20 =	vsub.f32 v20, v12  }
0x1ff: {  	p3 =	por $0x0, $0x0;
	p4 =	por $0x0, $0x0;
	v17 =	vld [tilespmem:s8+$0x0];
	v21 =	vsub.f32 v21, v13;
	s8 =	simm.s32 $0xA930;
	v19 =	vmul.f32 v15, v15;
	v22 =	vmul.f32 v16, v16  }
0x200: {  	_ = 	snop  }
0x201: {  	v18 =	vmul.f32 v18, v18;
	v16 =	vadd.f32 v22, v19;
	_ =	sdelay $0x1  }
0x202: {  	v16 =	vadd.f32 v18, v16  }
0x203: {  	v18 =	vor.u32 s6, v1  }
0x204: {  	vm9 =	vlt.s32 v18, v8;
	vm10 =	vlt.f32 v16, $9.999999770e-03  }
0x205: {  	vm11 =	vmand vm9, vm10  }
0x206: {  	v24 =	vmpcnt.ones.xlane vm11;
	_ =	sdelay $0x1  }
0x207: {  	v15 =	vld [tilespmem:s8+$0xFFFFFFF0];
	(v2sf) =	vpush v24, $0x0  }
0x208: {  	s9 =	simm.s32 $0xACB0  }
0x209: {  	v20 =	vmul.f32 v20, v20;
	s10 =	simm.s32 $0xB030;
	v19 =	vld [tilespmem:s9+$0xFFFFFFF0];
	v21 =	vmul.f32 v21, v21;
	v17 =	vsub.f32 v17, v14  }
0x20a: {  	v22 =	vld [tilespmem:s10+$0xFFFFFFF0]  }
0x20b: {  	v20 =	vadd.f32 v21, v20;
	v21 =	vld [tilespmem:s9+$0x0];
	v17 =	vmul.f32 v17, v17  }
0x20c: {  	v23 =	vld [tilespmem:s8+$0x0];
	p5 =	sgt.s32 s26, $0x4;
	v15 =	vsub.f32 v15, v12  }
.Ltmp28:
0x20d: {  	s31 =	simm.s32 $0x10;
	v17 =	vadd.f32 v17, v20;
	(pc) =	sbr.rel @!p5 .LBB2_32-.Ltmp28, $4  }
0x20e: {  	v16 =	vor.u32 s31, v1;
	v20 =	vsub.f32 v19, v13;
	v19 =	vmul.f32 v15, v15;
	v15 =	vld [tilespmem:s7+$0xFFFFFFF0]  }
0x20f: {  	vm9 =	vlt.s32 v16, v8;
	vm10 =	vlt.f32 v17, $9.999999770e-03  }
0x210: {  	v18 =	vsub.f32 v22, v14;
	v21 =	vsub.f32 v21, v13;
	vm12 =	vmand vm9, vm10  }
0x211: {  	s8 =	simm.s32 $0xA950;
	p3 =	por $0x1, $0x1;
	v17 =	vld [tilespmem:s10+$0x0];
	v22 =	vmul.f32 v20, v20;
	v20 =	vsub.f32 v23, v12;
	v24 =	vmpcnt.ones.xlane vm12  }
0x212: {  	_ = 	snop  }
0x213: {  	v18 =	vmul.f32 v18, v18;
	v19 =	vadd.f32 v22, v19;
	_ =	sdelay $0x1  }
0x214: {  	vm9 =	vmmov vm11;
	v21 =	vmul.f32 v21, v21;
	s29 =	simm.s32 $0x20;
	v18 =	vadd.f32 v18, v19  }
0x215: {  	v16 =	vld [tilespmem:s8+$0xFFFFFFF0];
	s30 =	simm.s32 $0xACD0;
	vm10 =	vmmov vm12;
	v20 =	vmul.f32 v20, v20;
	v19 =	vor.u32 s29, v1  }
0x216: {  	s31 =	simm.s32 $0xB050;
	v22 =	vld [tilespmem:s30+$0xFFFFFFF0];
	v17 =	vsub.f32 v17, v14;
	vm11 =	vlt.s32 v19, v8;
	vm12 =	vlt.f32 v18, $9.999999770e-03  }
0x217: {  	(v2sf) =	vpush v24, $0x0;
	v23 =	vld [tilespmem:s31+$0xFFFFFFF0];
	vm11 =	vmand vm11, vm12  }
0x218: {  	v24 =	vld [tilespmem:s8+$0x0];
	v20 =	vadd.f32 v21, v20;
	v17 =	vmul.f32 v17, v17;
	v26 =	vmpcnt.ones.xlane vm11  }
0x219: {  	p5 =	sgt.s32 s26, $0x6;
	v21 =	vld [tilespmem:s30+$0x0]  }
.Ltmp29:
0x21a: {  	s14 =	simm.s32 $0x30;
	v20 =	vadd.f32 v17, v20;
	v17 =	vld [tilespmem:s31+$0x0];
	(v2sf) =	vpush v26, $0x0;
	(pc) =	sbr.rel @!p5 .LBB2_34-.Ltmp29, $4  }
0x21b: {  	v18 =	vor.u32 s14, v1;
	v16 =	vsub.f32 v16, v12;
	v22 =	vsub.f32 v22, v13  }
0x21c: {  	s8 =	simm.s32 $0xA5B0;
	vm12 =	vlt.s32 v18, v8;
	v18 =	vsub.f32 v23, v14;
	vm13 =	vlt.f32 v20, $9.999999770e-03  }
0x21d: {  	s11 =	simm.s32 $0x6;
	s12 =	simm.s32 $0xA970;
	v25 =	vld [tilespmem:s8+$0xFFFFFFF0];
	v19 =	vmul.f32 v16, v16;
	v22 =	vmul.f32 v22, v22;
	vm12 =	vmand vm12, vm13  }
0x21e: {  	p4 =	por $0x1, $0x1;
	s9 =	simm.s32 $0x0;
	s10 =	simm.s32 $0xA5B0;
	v16 =	vld [tilespmem:s7+$0x0];
	v21 =	vsub.f32 v21, v13;
	v20 =	vsub.f32 v24, v12;
	v24 =	vmpcnt.ones.xlane vm12  }
.LBB2_35:
0x21f: {  	v19 =	vadd.f32 v22, v19;
	v18 =	vmul.f32 v18, v18;
	v17 =	vsub.f32 v17, v14  }
0x220: {  	v23 =	vld [tilespmem:s12+$0xFFFFFFF0];
	s30 =	sadd.s32 $0x20, s30;
	[tilespmem:s9+$0xB380] =	vst.msk vm9, v15;
	vm9 =	vmmov vm11;
	vm13 =	vmmov vm10;
	vm10 =	vmmov vm12  }
0x221: {  	s11 =	sadd.s32 $0x2, s11;
	s31 =	sadd.s32 $0x20, s31;
	v22 =	vld [tilespmem:s30+$0xFFFFFFF0];
	v27 =	vmul.f32 v20, v20;
	v20 =	vmul.f32 v21, v21;
	(v2sf) =	vpush v24, $0x0  }
0x222: {  	s29 =	sadd.s32 $0x20, s29;
	p5 =	slt.s32 s11, s26;
	v21 =	vld [tilespmem:s31+$0xFFFFFFF0];
	v18 =	vadd.f32 v18, v19  }
0x223: {  	s13 =	sadd.s32 $0x10, s29;
	v19 =	vor.u32 s29, v1;
	v26 =	vmul.f32 v17, v17;
	v24 =	vld [tilespmem:s12+$0x0];
	v20 =	vadd.f32 v20, v27;
	s14 =	spop (v2sf);
	v15 =	vmovc v25  }
0x224: {  	vm11 =	vlt.s32 v19, v8;
	v27 =	vld [tilespmem:s30+$0x0];
	vm12 =	vlt.f32 v18, $9.999999770e-03;
	v18 =	vor.u32 s13, v1;
	s9 =	sadd.s32 s9, s14  }
.Ltmp30:
0x225: {  	v19 =	vsub.f32 v23, v12;
	v17 =	vld [tilespmem:s31+$0x0];
	vm11 =	vmand vm11, vm12;
	v20 =	vadd.f32 v26, v20;
	p6 =	slt.s32 s9, $0x3F0;
	(pc) =	sbr.rel @p5 .LBB2_35-.Ltmp30, $4  }
0x226: {  	vm12 =	vlt.s32 v18, v8;
	v22 =	vsub.f32 v22, v13;
	v23 =	vmpcnt.ones.xlane vm11;
	s9 =	simm.s32 @!p6 $0x3F0;
	s13 =	spop (v2sf)  }
0x227: {  	s8 =	sadd.s32 $0x20, s8;
	v18 =	vsub.f32 v21, v14;
	v19 =	vmul.f32 v19, v19;
	vm14 =	vlt.f32 v20, $9.999999770e-03;
	[tilespmem:s9+$0xB380] =	vst.msk vm13, v16;
	s9 =	sadd.s32 s9, s13  }
0x228: {  	v22 =	vmul.f32 v22, v22;
	v25 =	vld [tilespmem:s8+$0xFFFFFFF0];
	vm12 =	vmand vm12, vm14;
	(v2sf) =	vpush v23, $0x0;
	p6 =	slt.s32 s9, $0x3F0  }
0x229: {  	s12 =	sadd.s32 $0x20, s12;
	v20 =	vsub.f32 v24, v12;
	v21 =	vsub.f32 v27, v13;
	v24 =	vmpcnt.ones.xlane vm12;
	v16 =	vld [tilespmem:s10+$0x0];
	s9 =	simm.s32 @!p6 $0x3F0;
	s10 =	smov.u32 s8  }
0x22a: {  	_ =	sdelay $0x2  }
0x22b: {  	v23 =	vmov v15;
	v15 =	vmov v25  }
.LBB2_37:
0x22c: {  	v19 =	vadd.f32 v22, v19;
	v18 =	vmul.f32 v18, v18  }
0x22d: {  	v17 =	vsub.f32 v17, v14;
	v20 =	vmul.f32 v20, v20;
	v21 =	vmul.f32 v21, v21;
	s11 =	sadd.s32 @p3 $0x20, s29;
	s12 =	simm.s32 $0x0  }
0x22e: {  	(v2sf) =	vpush @p3 v24, $0x0;
	s12 =	smov.u32 @p3 s11;
	v18 =	vadd.f32 v18, v19  }
0x22f: {  	v58 =	vor.u32 s12, v1;
	v20 =	vadd.f32 v21, v20;
	v17 =	vmul.f32 v17, v17  }
0x230: {  	vm13 =	vlt.s32 v58, v8;
	vm14 =	vlt.f32 v18, $9.999999770e-03  }
0x231: {  	s11 =	sadd.s32 $0x10, s12;
	s12 =	spop @p4 (v2sf);
	v17 =	vadd.f32 v17, v20;
	vm13 =	vmand vm13, vm14  }
0x232: {  	v59 =	vor.u32 s11, v1;
	s11 =	sadd.s32 @p4 s9, s12;
	v60 =	vmpcnt.ones.xlane vm13  }
0x233: {  	p5 =	slt.s32 @p4 s11, $0x3F0;
	vm14 =	vlt.s32 v59, v8;
	vm15 =	vlt.f32 v17, $9.999999770e-03  }
0x234: {  	p5 =	por !p5, !p4;
	vm14 =	vmand vm14, vm15;
	(v2sf) =	vpush v60, $0x0  }
0x235: {  	s12 =	spop @p4 (v2sf);
	s11 =	simm.s32 @p5 $0x3F0;
	v61 =	vmpcnt.ones.xlane vm14  }
0x236: {  	s12 =	sadd.s32 @p4 s11, s12  }
0x237: {  	p5 =	slt.s32 @p4 s12, $0x3F0;
	(v2sf) =	vpush v61, $0x0  }
0x238: {  	p5 =	por !p5, !p4  }
0x239: {  	s13 =	simm.s32 $0x0;
	s12 =	simm.s32 @p5 $0x3F0  }
0x23a: {  	s13 =	smov.u32 @p4 s12;
	s12 =	spop @p3 (v2sf)  }
0x23b: {  	s12 =	sadd.s32 @p3 s13, s12  }
0x23c: {  	p5 =	slt.s32 @p3 s12, $0x3F0  }
0x23d: {  	p5 =	por !p5, !p3  }
0x23e: {  	s12 =	simm.s32 @p5 $0x3F0;
	s14 =	spop @p3 (v2sf)  }
0x23f: {  	s14 =	sadd.s32 @p3 s12, s14  }
0x240: {  	p5 =	slt.s32 @p3 s14, $0x3F0  }
0x241: {  	s8 =	sadd.s32 @p3 $0x20, s8;
	v17 =	vld @p3 [tilespmem:s10+$0x0];
	p5 =	por !p5, !p3  }
0x242: {  	s7 =	smov.u32 @p3 s8;
	s14 =	simm.s32 @p5 $0x3F0  }
0x243: {  	v62 =	vld [tilespmem:s7+$0xFFFFFFF0];
	s6 =	smov.u32 @p3 s14;
	s30 =	spop (v2sf)  }
0x244: {  	[tilespmem:s9+$0xB380] =	vst.msk @p4 vm9, v23;
	vm9 =	vmmov @p3 vm11;
	vm10 =	vmmov @p4 vm10;
	vm11 =	vmmov @p3 vm12;
	v63 =	vld [tilespmem:s7+$0x0];
	s8 =	sadd.s32 s6, s30  }
0x245: {  	v15 =	vpsel p3, v15, v0;
	vm9 =	vmmov @p3 vm9;
	[tilespmem:s11+$0xB380] =	vst.msk @p4 vm10, v16;
	vm10 =	vmmov @p3 vm11;
	p4 =	slt.s32 s8, $0x3F0  }
0x246: {  	v16 =	vpsel p3, v17, v0;
	[tilespmem:s13+$0xB380] =	vst.msk @p3 vm9, v15;
	vm9 =	vmmov @p3 vm10;
	s31 =	spop (v2sf);
	s8 =	simm.s32 @!p4 $0x3F0  }
0x247: {  	vm11 =	vmmov vm14;
	vm10 =	vmmov vm13;
	[tilespmem:s12+$0xB380] =	vst.msk @p3 vm9, v16;
	s7 =	sadd.s32 s8, s31  }
0x248: {  	vm9 =	vmmov vm11;
	[tilespmem:s6+$0xB380] =	vst.msk vm10, v62;
	p3 =	slt.s32 s7, $0x3F0  }
0x249: {  	[tilespmem:s8+$0xB380] =	vst.msk vm9, v63;
	s7 =	simm.s32 @!p3 $0x3F0  }
.LBB2_38:
0x24a: {  	v15 =	vld @!p1 [tilespmem:s28+$0xA900]  }
0x24b: {  	v16 =	vld @!p1 [tilespmem:s28+$0xAC80];
	_ =	sdelay $0x1  }
0x24c: {  	v17 =	vld @!p1 [tilespmem:s28+$0xB000];
	_ =	sdelay $0x2  }
0x24d: {  	v12 =	vsub.f32 @!p1 v15, v12;
	v13 =	vsub.f32 @!p1 v16, v13;
	_ =	sdelay $0x1  }
0x24e: {  	v14 =	vsub.f32 @!p1 v17, v14;
	v12 =	vmul.f32 @!p1 v12, v12;
	v13 =	vmul.f32 @!p1 v13, v13;
	_ =	sdelay $0x1  }
0x24f: {  	v12 =	vadd.f32 @!p1 v13, v12;
	v13 =	vmul.f32 @!p1 v14, v14;
	_ =	sdelay $0x1  }
0x250: {  	v12 =	vadd.f32 @!p1 v13, v12;
	_ =	sdelay $0x1  }
0x251: {  	vm9 =	vlt.f32 @!p1 v12, $9.999999770e-03  }
0x252: {  	vm9 =	vmand @!p1 vm8, vm9  }
0x253: {  	v12 =	vmpcnt.ones.xlane @!p1 vm9;
	_ =	sdelay $0x1  }
0x254: {  	(v2sf) =	vpush @!p1 v12, $0x0;
	_ =	sdelay $0xb  }
0x255: {  	v12 =	vld @!p1 [tilespmem:s28+$0xA580];
	_ =	sdelay $0x2  }
0x256: {  	s6 =	spop @!p1 (v2sf)  }
0x257: {  	s6 =	sadd.s32 @!p1 s7, s6  }
0x258: {  	[tilespmem:s7+$0xB380] =	vst.msk @!p1 vm9, v12;
	p3 =	slt.s32 @!p1 s6, $0x3F0  }
0x259: {  	v13 =	vld [tilespmem:$0xB380];
	p3 =	por !p3, p1  }
0x25a: {  	s6 =	simm.s32 @p3 $0x3F0  }
0x25b: {  	s6 =	smov.u32 @p1 s7  }
0x25c: {  	v12 =	vmov s6  }
0x25d: {  	vm9 =	vgt.s32 v12, v1  }
0x25e: {  	v14 =	vnsel vm9, $0x0, v13;
	_ =	sdelay $0x4  }
0x25f: {  	v15 =	vld.idx.msk [tilespmem:v14+s22+$0x0], $0xffff  }
0x260: {  	v63 =	vld.idx.msk [tilespmem:v14+s23+$0x0], $0xffff;
	_ =	sdelay $0x1  }
0x261: {  	v14 =	vld.idx.msk [tilespmem:v14+s24+$0x0], $0xffff;
	_ =	sdelay $0x2  }
0x262: {  	v15 =	vsub.f32 v15, v11;
	v16 =	vsub.f32 v63, v10;
	_ =	sdelay $0x1  }
0x263: {  	p3 =	sgt.s32 s6, $0x10;
	v14 =	vsub.f32 v14, v9;
	v15 =	vand.u32 $0x7FFFFFFF, v15;
	v16 =	vand.u32 $0x7FFFFFFF, v16  }
.Ltmp31:
0x264: {  	v15 =	vadd.f32 v16, v15;
	(pc) =	sbr.rel @!p3 .LBB2_39-.Ltmp31, $3  }
0x265: {  	v14 =	vand.u32 $0x7FFFFFFF, v14  }
0x266: {  	v15 =	vadd.f32 v14, v15;
	_ =	sdelay $0x1  }
0x267: {  	v14 =	vnsel vm9, $0x7FFFFFFF, v13;
	v13 =	vnsel vm9, $0x0, v15  }
0x268: {  	v14 =	vxor.u32 $0x80000000, v14  }
0x269: {  	(xrf1) =	vsort.ascd.msk.u32 $0xffff, v14, v13;
	_ =	sdelay $0x5  }
0x26a: {  	s6 =	sadd.s32 $0xF, s6  }
0x26b: {  	s6 =	sshrl.u32 s6, $0x4  }
0x26c: {  	s7 =	sadd.s32 $0xFFFFFFFF, s6  }
0x26d: {  	p5 =	sne.s32 s7, $0x1  }
.Ltmp32:
0x26e: {  	_ = 	snop;
	(pc) =	sbr.rel @!p5 .LBB2_41-.Ltmp32, $3  }
0x26f: {  	_ =	sdelay $0x1  }
0x270: {  	s8 =	simm.s32 $0xB390;
	p3 =	por $0x0, $0x0  }
0x271: {  	p4 =	por $0x0, $0x0;
	v16 =	vld [tilespmem:s8+$0x0];
	s6 =	simm.s32 $0x10;
	s7 =	sadd.s32 $0xFFFFFFFF, s7;
	v14, v13, _ =	vpop (xrf1)  }
0x272: {  	_ =	sdelay $0x1  }
0x273: {  	v15 =	vor.u32 s6, v1  }
0x274: {  	vm9 =	vlt.s32 v15, v12  }
0x275: {  	v15 =	vnsel vm9, $0x0, v16;
	_ =	sdelay $0x4  }
0x276: {  	v17 =	vld.idx.msk [tilespmem:v15+s22+$0x0], $0xffff  }
0x277: {  	v18 =	vld.idx.msk [tilespmem:v15+s23+$0x0], $0xffff  }
0x278: {  	v15 =	vld.idx.msk [tilespmem:v15+s24+$0x0], $0xffff;
	_ =	sdelay $0x3  }
0x279: {  	v17 =	vsub.f32 v17, v11;
	v18 =	vsub.f32 v18, v10  }
0x27a: {  	v15 =	vsub.f32 v15, v9  }
0x27b: {  	p5 =	sne.s32 s7, $0x1;
	s8 =	simm.s32 $0xB3A0;
	v17 =	vand.u32 $0x7FFFFFFF, v17;
	v18 =	vand.u32 $0x7FFFFFFF, v18  }
.Ltmp33:
0x27c: {  	v17 =	vadd.f32 v18, v17;
	v18 =	vand.u32 $0x7FFFFFFF, v15;
	v15 =	vld [tilespmem:s8+$0x0];
	(pc) =	sbr.rel @!p5 .LBB2_43-.Ltmp33, $2  }
0x27d: {  	_ =	sdelay $0x2  }
0x27e: {  	s9 =	sadd.s32 $0xFFFFFFFF, s7;
	p3 =	por $0x1, $0x1;
	v17 =	vadd.f32 v18, v17  }
0x27f: {  	v16 =	vxor.u32 $0x80000000, v16  }
0x280: {  	s7 =	simm.s32 $0x20;
	v17 =	vnsel vm9, $0x0, v17;
	v16 =	vnsel vm9, $0xFFFFFFFF, v16  }
0x281: {  	v18 =	vor.u32 s7, v1;
	(xrf1) =	vsort.ascd.msk.u32 $0xffff, v16, v17  }
0x282: {  	vm9 =	vlt.s32 v18, v12  }
0x283: {  	v16 =	vnsel vm9, $0x0, v15;
	_ =	sdelay $0x4  }
0x284: {  	v17 =	vld.idx.msk [tilespmem:v16+s22+$0x0], $0xffff  }
0x285: {  	v18 =	vld.idx.msk [tilespmem:v16+s23+$0x0], $0xffff  }
0x286: {  	v16 =	vld.idx.msk [tilespmem:v16+s24+$0x0], $0xffff;
	_ =	sdelay $0x3  }
0x287: {  	v19 =	vxor.u32 $0x80000000, v14;
	p5 =	sne.s32 s9, $0x1;
	v17 =	vsub.f32 v17, v11;
	v18 =	vsub.f32 v18, v10  }
.Ltmp34:
0x288: {  	v19 =	vperm.xlane v19, v5;
	v16 =	vsub.f32 v16, v9;
	v20, v21, _ =	vpop (xrf1);
	(pc) =	sbr.rel @!p5 .LBB2_45-.Ltmp34, $4  }
0x289: {  	v17 =	vand.u32 $0x7FFFFFFF, v17;
	v18 =	vand.u32 $0x7FFFFFFF, v18;
	v20 =	vxor.u32 $0x80000000, v20  }
0x28a: {  	v22 =	vperm.xlane v13, v5;
	s8 =	simm.s32 $0xB3B0;
	v17 =	vadd.f32 v18, v17;
	vm10 =	vgt.s32 v20, v19  }
0x28b: {  	v16 =	vand.u32 $0x7FFFFFFF, v16;
	v18 =	vld [tilespmem:s8+$0x0];
	v19 =	vsel vm10, v19, v20  }
0x28c: {  	s9 =	sadd.s32 $0xFFFFFFFF, s9;
	p4 =	por $0x1, $0x1;
	v17 =	vadd.f32 v16, v17;
	v20 =	vsel vm10, v22, v21;
	v19 =	vxor.u32 $0x80000000, v19  }
.LBB2_46:
0x28d: {  	p5 =	sne.s32 s9, $0x1;
	v15 =	vxor.u32 $0x80000000, v15;
	s7 =	sadd.s32 $0x10, s7;
	(xrf1) =	vsort.ascd.msk.u32 $0xffff, v19, v20  }
0x28e: {  	v16 =	vor.u32 s7, v1;
	v17 =	vnsel vm9, $0x0, v17;
	v19 =	vnsel vm9, $0xFFFFFFFF, v15  }
0x28f: {  	vm9 =	vlt.s32 v16, v12;
	(xrf1) =	vsort.ascd.msk.u32 $0xffff, v19, v17  }
0x290: {  	v16 =	vnsel vm9, $0x0, v18;
	v15 =	vmov v18;
	_ =	sdelay $0x4  }
0x291: {  	v17 =	vld.idx.msk [tilespmem:v16+s22+$0x0], $0xffff  }
0x292: {  	v18 =	vld.idx.msk [tilespmem:v16+s23+$0x0], $0xffff  }
0x293: {  	v16 =	vld.idx.msk [tilespmem:v16+s24+$0x0], $0xffff;
	_ =	sdelay $0x3  }
0x294: {  	v19, v20, _ =	vpop (xrf1)  }
0x295: {  	v17 =	vsub.f32 v17, v11;
	v18 =	vsub.f32 v18, v10;
	v19 =	vxor.u32 $0x80000000, v19  }
.Ltmp35:
0x296: {  	v16 =	vsub.f32 v16, v9;
	v19 =	vperm.xlane v19, v5;
	v21, v22, _ =	vpop (xrf1);
	(pc) =	sbr.rel @p5 .LBB2_46-.Ltmp35, $4  }
0x297: {  	v17 =	vand.u32 $0x7FFFFFFF, v17;
	v18 =	vand.u32 $0x7FFFFFFF, v18;
	v21 =	vxor.u32 $0x80000000, v21  }
0x298: {  	s8 =	sadd.s32 $0x10, s8;
	v20 =	vperm.xlane v20, v5;
	v17 =	vadd.f32 v18, v17;
	vm10 =	vgt.s32 v21, v19  }
0x299: {  	v16 =	vand.u32 $0x7FFFFFFF, v16;
	v18 =	vld [tilespmem:s8+$0x0];
	v19 =	vsel vm10, v19, v21  }
0x29a: {  	s9 =	sadd.s32 $0xFFFFFFFF, s9;
	v17 =	vadd.f32 v16, v17;
	v20 =	vsel vm10, v20, v22;
	v19 =	vxor.u32 $0x80000000, v19  }
0x29b: {  	_ =	sdelay $0x2  }
0x29c: {  	v16 =	vmov v15;
	v15 =	vmov v18  }
.LBB2_48:
0x29d: {  	(xrf1) =	vsort.ascd.msk.u32 @p4 $0xffff, v19, v20;
	_ =	sdelay $0x2  }
0x29e: {  	v16 =	vxor.u32 @p3 $0x80000000, v16  }
0x29f: {  	v17 =	vnsel @p3 vm9, $0x0, v17;
	v16 =	vnsel @p3 vm9, $0xFFFFFFFF, v16  }
0x2a0: {  	s7 =	sadd.s32 @p3 $0x10, s7;
	(xrf1) =	vsort.ascd.msk.u32 @p3 $0xffff, v16, v17  }
0x2a1: {  	s6 =	smov.u32 @p3 s7  }
0x2a2: {  	v62 =	vor.u32 s6, v1  }
0x2a3: {  	vm9 =	vlt.s32 v62, v12  }
0x2a4: {  	v16 =	vnsel vm9, $0x0, v15;
	_ =	sdelay $0x4  }
0x2a5: {  	v63 =	vld.idx.msk [tilespmem:v16+s22+$0x0], $0xffff;
	v19, v20, _ =	vpop @p4 (xrf1)  }
0x2a6: {  	v18 =	vld.idx.msk [tilespmem:v16+s23+$0x0], $0xffff;
	v19 =	vpsel p4, v19, v14  }
0x2a7: {  	v16 =	vld.idx.msk [tilespmem:v16+s24+$0x0], $0xffff;
	v19 =	vxor.u32 @p3 $0x80000000, v19;
	_ =	sdelay $0x2  }
0x2a8: {  	v11 =	vsub.f32 v63, v11;
	v17 =	vperm.xlane @p3 v19, v5;
	v19, v21, _ =	vpop @p3 (xrf1)  }
0x2a9: {  	v10 =	vsub.f32 v18, v10;
	v18 =	vxor.u32 @p3 $0x80000000, v19;
	v19 =	vpsel p4, v20, v13  }
0x2aa: {  	v9 =	vsub.f32 v16, v9;
	v16 =	vperm.xlane @p3 v19, v5;
	vm10 =	vgt.s32 @p3 v18, v17  }
0x2ab: {  	v11 =	vand.u32 $0x7FFFFFFF, v11;
	v10 =	vand.u32 $0x7FFFFFFF, v10;
	v17 =	vsel @p3 vm10, v17, v18  }
0x2ac: {  	v10 =	vadd.f32 v10, v11;
	v11 =	vsel @p3 vm10, v16, v21;
	v16 =	vxor.u32 @p3 $0x80000000, v17  }
0x2ad: {  	v9 =	vand.u32 $0x7FFFFFFF, v9;
	v16 =	vpsel p3, v16, v0;
	v11 =	vpsel p3, v11, v0  }
0x2ae: {  	v9 =	vadd.f32 v9, v10;
	(xrf1) =	vsort.ascd.msk.u32 @p3 $0xffff, v16, v11  }
0x2af: {  	v10 =	vxor.u32 $0x80000000, v15  }
0x2b0: {  	v10 =	vnsel vm9, $0xFFFFFFFF, v10;
	v9 =	vnsel vm9, $0x0, v9  }
0x2b1: {  	(xrf1) =	vsort.ascd.msk.u32 $0xffff, v10, v9;
	_ =	sdelay $0xa  }
0x2b2: {  	v9, v10, _ =	vpop @p3 (xrf1)  }
0x2b3: {  	v9 =	vpsel p3, v9, v14  }
0x2b4: {  	v9 =	vxor.u32 $0x80000000, v9  }
0x2b5: {  	v11, v14, _ =	vpop (xrf1);
	v9 =	vperm.xlane v9, v5  }
0x2b6: {  	v10 =	vpsel p3, v10, v13;
	v11 =	vxor.u32 $0x80000000, v11  }
0x2b7: {  	v10 =	vperm.xlane v10, v5;
	vm9 =	vgt.s32 v11, v9  }
0x2b8: {  	v9 =	vsel vm9, v9, v11  }
0x2b9: {  	v10 =	vsel vm9, v10, v14;
	v9 =	vxor.u32 $0x80000000, v9  }
0x2ba: {  	(xrf1) =	vsort.ascd.msk.u32 $0xffff, v9, v10;
	_ =	sdelay $0xa  }
.Ltmp36:
0x2bb: {  	_ = 	snop;
	(pc) =	sbr.rel .LBB2_49-.Ltmp36, $3  }
0x2bc: {  	_ =	sdelay $0x1  }
0x2bd: {  	v9, v13, _ =	vpop (xrf1)  }
0x2be: {  	v9 =	vnsel vm7, $0x0, v13  }
.LBB2_30:
.Ltmp37:
0x2bf: {  	(pc) =	sbr.rel .LBB2_37-.Ltmp37, $2  }
0x2c0: {  	_ =	sdelay $0x2  }
0x2c1: {  	s9 =	simm.s32 $0x0;
	s29 =	simm.s32 $0x0;
	s8 =	simm.s32 $0xA590  }
.LBB2_32:
.Ltmp38:
0x2c2: {  	(pc) =	sbr.rel .LBB2_37-.Ltmp38, $3  }
0x2c3: {  	_ =	sdelay $0x1  }
0x2c4: {  	s9 =	simm.s32 $0x0  }
0x2c5: {  	s29 =	simm.s32 $0x0;
	s8 =	simm.s32 $0xA590;
	s10 =	simm.s32 $0xA590  }
.LBB2_34:
.Ltmp39:
0x2c6: {  	(pc) =	sbr.rel .LBB2_37-.Ltmp39, $2  }
0x2c7: {  	_ =	sdelay $0x2  }
0x2c8: {  	v23 =	vmov v15;
	s9 =	simm.s32 $0x0;
	s10 =	simm.s32 $0xA5B0;
	v15 =	vmov v25  }
.LBB2_41:
.Ltmp40:
0x2c9: {  	_ = 	snop;
	(pc) =	sbr.rel .LBB2_48-.Ltmp40, $2  }
0x2ca: {  	_ =	sdelay $0x2  }
0x2cb: {  	s7 =	simm.s32 $0x10;
	v15 =	vmov v16  }
.LBB2_43:
.Ltmp41:
0x2cc: {  	(pc) =	sbr.rel .LBB2_48-.Ltmp41, $2  }
0x2cd: {  	_ =	sdelay $0x2  }
0x2ce: {  	s7 =	simm.s32 $0x10  }
.LBB2_45:
.Ltmp42:
0x2cf: {  	(pc) =	sbr.rel .LBB2_48-.Ltmp42, $2  }
0x2d0: {  	_ =	sdelay $0x2  }
0x2d1: {  	v16 =	vmov v15;
	v15 =	vmov v18  }
.LBB2_52:
0x2d2: {  	_ =	sfence.sel $0x180000  }
0x2d3: {  	[bflag:$0x0] =	sbarrier.arrive $0xFFFF  }
0x2d4: {  	_ =	strace $0x90000047  }
0x2d5: {  	s0 =	stileid.u32;
	[bflag:$0x2] =	sbarrier.arrive $0xFFFF  }
0x2d6: {  	p0 =	sne.s32 s0, $0x0;
	s0 =	rddreg [dreg:$0x3]  }
0x2d7: {  	s0 =	sadd.s32 @!p0 $0x100000, s0  }
0x2d8: {  	[sflag:s0] =	ssyncadd.tile.s32 @!p0 $0x1;
	_ =	shalt  }
.Lfunc_end2:
_tile_overlayer_lowered:
.L_overlay_start_2:
0x2d9: {  	(tag) =	ssettag $0x2  }
0x2da: {  	s0 =	rddreg [dreg:$0x0];
	s2 =	stileid.u32  }
0x2db: {  	s1 =	rddreg [dreg:$0x1];
	p0 =	sne.s32 s2, $0x0  }
0x2dc: {  	s3 =	rddreg [dreg:$0x2];
	[bflag:$0x3] =	sbarrier.arrive $0xFFFF;
	s2 =	simm.s32 @!p0 $0x1C01  }
0x2dd: {  	[timem:s3], [sflag:s2] =	dma.local @!p0 [hbm:s0], s1  }
0x2de: {  	s0 =	simm.s32 @!p0 $0x1  }
0x2df: {  	_ =	swait.ge @!p0 [sflag:s0], s1  }
0x2e0: {  	s1 =	ssub.s32 @!p0 $0x0, s1;
	[sflag:s0] =	ssyncset.done @!p0 $0x0  }
0x2e1: {  	[sflag:s0] =	ssyncadd.s32 @!p0 s1  }
0x2e2: {  	[bflag:$0x3] =	sbarrier.arrive $0xFFFF  }
0x2e3: {  	_ =	shalt  }

</sc_bundles>
